<compile_context>
chip_gen: v7x
topology: tpu7x:2x2x1
jax: 0.10.2.dev20260603
libtpu: 0.0.44.dev20260713+nightly
codegen_flags: <defaults>
</compile_context>

<pallas_src>
import functools

import jax
import jax.numpy as jnp
import numpy as np
from jax import lax
from jax.experimental import pallas as pl
from jax.experimental.pallas import tpu as pltpu
from jax.experimental.pallas import tpu_sc as plsc

TAU = 1.0
N_SAMPLES = 5
SWEEP = (0.1, 0.5, 3)
D_MODEL = 1024
HIDDEN = 1365
B = 4
T = 2048
N_TOK = B * T
MLP_BLOCK = 1024
MIN_I32 = np.int32(-2147483648)


def _threefry2x32_np(k, x):
    k0, k1 = np.uint32(k[0]), np.uint32(k[1])
    k2 = k0 ^ k1 ^ np.uint32(0x1BD11BDA)
    x0, x1 = np.uint32(x[0]), np.uint32(x[1])
    ks = (k0, k1, k2)
    rot = ((13, 15, 26, 6), (17, 29, 16, 24))
    m = np.uint64(0xFFFFFFFF)
    add = lambda a, c: np.uint32((np.uint64(a) + np.uint64(c)) & m)
    x0 = add(x0, ks[0]); x1 = add(x1, ks[1])
    for i in range(5):
        for r in rot[i % 2]:
            x0 = add(x0, x1)
            x1 = np.uint32(((np.uint64(x1) << np.uint64(r)) & m)
                           | (np.uint64(x1) >> np.uint64(32 - r)))
            x1 ^= x0
        x0 = add(x0, ks[(i + 1) % 3])
        x1 = add(add(x1, ks[(i + 2) % 3]), np.uint32(i + 1))
    return x0, x1


def _key_words():
    base = (np.uint32(0), np.uint32(42))
    kw = np.zeros((64, 128), np.uint32)
    for j in range(3):
        kj = _threefry2x32_np(base, (np.uint32(0), np.uint32(j)))
        for s in range(5):
            kws = _threefry2x32_np(kj, (np.uint32(0), np.uint32(s)))
            for b in range(4):
                r = (j * 5 + s) * 4 + b
                kw[r, 0], kw[r, 1] = kws[0], kws[1]
    return kw.view(np.int32)


_KEY_WORDS = _key_words()


def _mlp_step(x, lng, lnb, w1, b1, w2, b2):
    mu = jnp.mean(x, axis=-1, keepdims=True)
    var = jnp.mean(jnp.square(x - mu), axis=-1, keepdims=True)
    xn = (x - mu) / jnp.sqrt(var + 1e-5) * lng + lnb
    h = jax.lax.dot_general(xn.astype(jnp.bfloat16), w1,
                            (((1,), (0,)), ((), ())),
                            preferred_element_type=jnp.float32)
    h = h + b1
    h = 0.5 * h * (1.0 + lax.erf(h / np.sqrt(2.0).astype(np.float32)))
    return jnp.sum(h.astype(jnp.bfloat16).astype(jnp.float32)
                   * w2.astype(jnp.float32), axis=-1) + b2


def _sortable(p):
    i = lax.bitcast_convert_type(p, jnp.int32)
    return jnp.where(i >= 0, i, jnp.bitwise_xor(jnp.bitwise_not(i), MIN_I32))


N_MLP_STEPS = N_TOK // MLP_BLOCK


def _fused_body(x_ref, lng_ref, lnb_ref, w1_ref, b1_ref, w2_ref, b2_ref,
                kw_ref, out_bj3_ref, out_sweep_ref, out_last_ref, sc_ref):
    i = pl.program_id(0)

    @pl.when(i < N_MLP_STEPS)
    def _mlp():
        s = _mlp_step(x_ref[...], lng_ref[...], lnb_ref[...], w1_ref[...],
                      b1_ref[...], w2_ref[...], b2_ref[0])
        per_row = T // MLP_BLOCK
        sc_ref[pl.ds(i // per_row, 1), pl.ds((i % per_row) * MLP_BLOCK,
                                             MLP_BLOCK)] = s.reshape(1, MLP_BLOCK)

    @pl.when(i == N_MLP_STEPS)
    def _topk():
        _topk_step(sc_ref[...], kw_ref[...], out_bj3_ref, out_sweep_ref,
                   out_last_ref)


def _rotl(x, r):
    return jnp.bitwise_or(jnp.left_shift(x, np.int32(r)),
                          lax.shift_right_logical(x, np.int32(32 - r)))


_TF_ROT = ((13, 15, 26, 6), (17, 29, 16, 24))


def _uniform_rows(kw):
    k0 = kw[:, 0:1]
    k1 = kw[:, 1:2]
    k2 = jnp.bitwise_xor(jnp.bitwise_xor(k0, k1), np.int32(0x1BD11BDA))
    ks = (k0, k1, k2)
    r_i = lax.broadcasted_iota(jnp.int32, (64, T), 0)
    t_i = lax.broadcasted_iota(jnp.int32, (64, T), 1)
    f = (r_i % 4) * np.int32(T) + t_i
    x0 = jnp.broadcast_to(k0, (64, T))
    x1 = f + k1
    for i in range(5):
        for r in _TF_ROT[i % 2]:
            x0 = x0 + x1
            x1 = _rotl(x1, r)
            x1 = jnp.bitwise_xor(x1, x0)
        x0 = x0 + ks[(i + 1) % 3]
        x1 = x1 + ks[(i + 2) % 3] + np.int32(i + 1)
    bits = jnp.bitwise_xor(x0, x1)
    fb = jnp.bitwise_or(lax.shift_right_logical(bits, np.int32(9)),
                        np.int32(0x3F800000))
    return lax.bitcast_convert_type(fb, jnp.float32) - 1.0


def _topk_step(scores, kw, out_bj3_ref, out_sweep_ref, out_last_ref):
    srep = jnp.concatenate([scores] * 16, axis=0)
    u = _uniform_rows(kw)
    noise = -jnp.log(-jnp.log(u + 1e-6) + 1e-6)
    p = srep + noise * TAU
    keys = _sortable(p)

    r = lax.broadcasted_iota(jnp.int32, (64, 1), 0)
    j = r // 20
    k = jnp.where(j == 0, 204, jnp.where(j == 1, 614, 1024)).astype(jnp.int32)

    partial = jnp.zeros((64, 1), jnp.int32)
    for bit in range(31, -1, -1):
        bit_c = MIN_I32 if bit == 31 else np.int32(1 << bit)
        cand_u = jnp.bitwise_or(partial, bit_c)
        cand_s = jnp.bitwise_xor(cand_u, MIN_I32)
        cnt = jnp.sum((keys >= cand_s).astype(jnp.int32), axis=1, keepdims=True)
        partial = jnp.where(cnt >= k, cand_u, partial)
    tau_s = jnp.bitwise_xor(partial, MIN_I32)

    gt = keys > tau_s
    eq = keys == tau_s
    cnt_gt = jnp.sum(gt.astype(jnp.int32), axis=1, keepdims=True)
    needed = (k - cnt_gt).astype(jnp.float32)

    i0 = lax.broadcasted_iota(jnp.int32, (T, T), 0)
    i1 = lax.broadcasted_iota(jnp.int32, (T, T), 1)
    tri = (i0 <= i1).astype(jnp.bfloat16)
    cum_eq = jax.lax.dot_general(eq.astype(jnp.bfloat16), tri,
                                 (((1,), (0,)), ((), ())),
                                 preferred_element_type=jnp.float32)
    sel = jnp.where(gt | (eq & (cum_eq <= needed)), 1.0, 0.0)

    for jj in range(3):
        blk = sel[jj * 20:(jj + 1) * 20]
        for b in range(B):
            g_row = (blk[b] + blk[4 + b] + blk[8 + b]
                     + blk[12 + b] + blk[16 + b]) / np.float32(N_SAMPLES)
            out_bj3_ref[b, jj] = g_row
            out_sweep_ref[jj, b] = g_row
            if jj == 2:
                out_last_ref[b] = g_row


def _run_mlp_topk(x, ln_g, ln_b, w1p, b1p, w2p, b2, kw):
    return pl.pallas_call(
        _fused_body,
        grid=(N_MLP_STEPS + 1,),
        in_specs=[
            pl.BlockSpec((MLP_BLOCK, D_MODEL),
                         lambda i: (jnp.minimum(i, N_MLP_STEPS - 1), 0)),
            pl.BlockSpec((D_MODEL,), lambda i: (0,)),
            pl.BlockSpec((D_MODEL,), lambda i: (0,)),
            pl.BlockSpec((D_MODEL, HIDDEN), lambda i: (0, 0)),
            pl.BlockSpec((HIDDEN,), lambda i: (0,)),
            pl.BlockSpec((HIDDEN,), lambda i: (0,)),
            pl.BlockSpec(memory_space=pltpu.SMEM),
            pl.BlockSpec((64, 128), lambda i: (0, 0)),
        ],
        out_specs=[pl.BlockSpec((B, 3, T), lambda i: (0, 0, 0)),
                   pl.BlockSpec((3, B, T), lambda i: (0, 0, 0)),
                   pl.BlockSpec((B, T), lambda i: (0, 0))],
        out_shape=[jax.ShapeDtypeStruct((B, 3, T), jnp.float32),
                   jax.ShapeDtypeStruct((3, B, T), jnp.float32),
                   jax.ShapeDtypeStruct((B, T), jnp.float32)],
        scratch_shapes=[pltpu.VMEM((B, T), jnp.float32)],
    )(x, ln_g, ln_b, w1p, b1p, w2p, b2, kw)


_SC_CHUNK = 32
_SC_NCHUNK = 8


def _gather_body(table_hbm, ids_hbm, out_hbm, idx_v, rows0_v, rows1_v, sem0, sem1):
    info = plsc.get_sparse_core_info()
    nc = info.num_cores
    wid = lax.axis_index("s") * nc + lax.axis_index("c")
    tok_per_w = N_TOK // (nc * info.num_subcores)
    pltpu.sync_copy(ids_hbm.at[wid], idx_v)
    bufs = (rows0_v, rows1_v)
    sems = (sem0, sem1)
    handles = [None, None]
    handles[0] = pltpu.async_copy(table_hbm.at[idx_v.at[0]], rows0_v, sem0)
    for c in range(_SC_NCHUNK):
        nxt = (c + 1) % 2
        if c + 1 < _SC_NCHUNK:
            handles[nxt] = pltpu.async_copy(
                table_hbm.at[idx_v.at[c + 1]], bufs[nxt], sems[nxt])
        handles[c % 2].wait()
        pltpu.sync_copy(
            bufs[c % 2],
            out_hbm.at[pl.ds(wid * tok_per_w + c * _SC_CHUNK, _SC_CHUNK)])


def _run_gather(emb_table, ids_r):
    mesh = plsc.VectorSubcoreMesh(core_axis_name="c", subcore_axis_name="s")
    f = functools.partial(
        pl.kernel,
        mesh=mesh,
        out_type=jax.ShapeDtypeStruct((N_TOK, D_MODEL), jnp.float32),
        scratch_types=[
            pltpu.VMEM((_SC_NCHUNK, _SC_CHUNK), jnp.int32),
            pltpu.VMEM((_SC_CHUNK, D_MODEL), jnp.float32),
            pltpu.VMEM((_SC_CHUNK, D_MODEL), jnp.float32),
            pltpu.SemaphoreType.DMA,
            pltpu.SemaphoreType.DMA,
        ],
    )(_gather_body)
    return f(emb_table, ids_r)


def _pool_body(gath_ref, g_ref, out_ref):
    b = pl.program_id(0)
    gath = gath_ref[...]
    g3 = g_ref[0]
    w_rows = [jnp.ones((1, T), jnp.float32)]
    for j in range(3):
        gj = g3[j:j + 1]
        w_rows.append(gj * gj)
    w8 = jnp.concatenate(w_rows + [jnp.zeros((4, T), jnp.float32)], axis=0)
    sums = jax.lax.dot_general(w8, gath, (((1,), (0,)), ((), ())),
                               preferred_element_type=jnp.float32)
    full = sums[0:1] / np.float32(T)
    lane = lax.broadcasted_iota(jnp.int32, (1, 128), 1)
    misc = jnp.zeros((1, 128), jnp.float32)
    for j in range(3):
        gj = g3[j:j + 1]
        keff = jnp.sum(gj)
        denom = jnp.clip(keff, 1e-6, None)
        pred = sums[1 + j:2 + j] / denom
        diff = pred - full
        lsum = jnp.sum(diff * diff)
        misc = misc + jnp.where(lane == j, lsum, 0.0)
        misc = misc + jnp.where(lane == 4 + j * 4 + b, keff, 0.0)

    @pl.when(b == 0)
    def _init():
        out_ref[...] = misc

    @pl.when(b > 0)
    def _acc():
        out_ref[...] = out_ref[...] + misc

    @pl.when(b == B - 1)
    def _finalize():
        tot = out_ref[...]
        inv_n = np.float32(1.0 / (B * D_MODEL))
        loss = tot * inv_n
        recon = jnp.sum(jnp.where(lane < 3, loss, 0.0)) / np.float32(3)
        rho = tot / np.float32(T)
        out_ref[...] = jnp.where(lane < 3, loss,
                                 jnp.where(lane == 3, recon, rho))


def _run_pool(gathered, g_b3):
    return pl.pallas_call(
        _pool_body,
        grid=(B,),
        in_specs=[pl.BlockSpec((T, D_MODEL), lambda b: (b, 0)),
                  pl.BlockSpec((1, 3, T), lambda b: (b, 0, 0))],
        out_specs=pl.BlockSpec((1, 128), lambda b: (0, 0)),
        out_shape=jax.ShapeDtypeStruct((1, 128), jnp.float32),
    )(gathered, g_b3)


def kernel(ids, embeddings, attn, ln_g, ln_b, W1, b1, W2, b2, emb_table):
    del attn
    x = embeddings.reshape(N_TOK, D_MODEL)
    w1p = W1.astype(jnp.bfloat16)
    b1p = b1
    w2p = W2[:, 0].astype(jnp.bfloat16)

    kw = jnp.asarray(_KEY_WORDS)

    g_bj3, g_sweep, g_last = _run_mlp_topk(x, ln_g, ln_b, w1p, b1p, w2p, b2, kw)

    ids_r = ids.reshape(32, _SC_NCHUNK, _SC_CHUNK).astype(jnp.int32)
    gathered = _run_gather(emb_table, ids_r)

    misc = _run_pool(gathered, g_bj3)

    loss_sweep = misc[0, 0:3]
    recon_avg = misc[0, 3]
    rho_eff_sweep = misc[0, 4:16].reshape(3, B)

    return (g_last, g_sweep, recon_avg, loss_sweep, rho_eff_sweep)

# --- scband reference (transcript-rebuilt; emitter-appended) ---
"""Pipeline reference for scband-rationale-selector-model-55198919688417 (READ-ONLY COPY).

The authoritative reference and input builder live on the scoring server;
editing this copy changes nothing except your own understanding.
"""

import jax, jax.numpy as jnp
import numpy as np

TAU = 1.0
N_SAMPLES = 5
SWEEP = (0.1, 0.5, 3)
VOCAB = 32000
D_MODEL = 1024
HIDDEN = 1365


def entmax15(z):
    T = z.shape[-1]
    z = z / 2.0
    z = z - jnp.max(z, axis=-1, keepdims=True)
    zs = jnp.flip(jnp.sort(z, axis=-1), axis=-1)
    rng = jnp.arange(1, T + 1, dtype=z.dtype)
    mean = jnp.cumsum(zs, axis=-1) / rng
    mean_sq = jnp.cumsum(zs * zs, axis=-1) / rng
    ss = rng * (mean_sq - mean * mean)
    delta = (1.0 - ss) / rng
    tau = mean - jnp.sqrt(jnp.clip(delta, 0.0, None))
    support_size = jnp.sum((tau <= zs).astype(jnp.int32), axis=-1)
    tau_star = jnp.take_along_axis(tau, (support_size - 1)[..., None], axis=-1)
    return jnp.square(jnp.clip(z - tau_star, 0.0, None))


def layer_norm(x, g, b, eps=1e-5):
    mu = jnp.mean(x, axis=-1, keepdims=True)
    var = jnp.mean(jnp.square(x - mu), axis=-1, keepdims=True)
    return (x - mu) / jnp.sqrt(var + eps) * g + b


def selector_mlp(x, ln_g, ln_b, W1, b1, W2, b2):
    h = layer_norm(x, ln_g, ln_b)
    h = jax.nn.gelu(h @ W1 + b1, approximate=False)
    return (h @ W2 + b2)[..., 0]


def token_embeddings(emb_table, ids, attn):
    return jnp.take(emb_table, ids, axis=0) * attn[..., None]


def pool(tok, attn):
    denom = jnp.clip(jnp.sum(attn, axis=1, keepdims=True), 1e-6, None)
    return jnp.sum(tok * attn[..., None], axis=1) / denom


def sample_gumbel(key, shape, eps=1e-6):
    u = jax.random.uniform(key, shape)
    return -jnp.log(-jnp.log(u + eps) + eps)


def stochastic_topk(key, scores, attn, k, tau, n_samples):
    probs = jnp.zeros_like(scores)
    for s in range(n_samples):
        noise = sample_gumbel(jax.random.fold_in(key, s), scores.shape)
        perturbed = jnp.where(attn == 0, -1e9, scores + noise * tau)
        order = jnp.argsort(-perturbed, axis=-1)
        ranks = jnp.argsort(order, axis=-1)
        h = (ranks < k[:, None]).astype(scores.dtype)
        probs = probs + h
    return probs / n_samples


def setup_inputs(seed: int = 0):
    key = jax.random.key(seed)
    ks = jax.random.split(key, 6)
    ids = jax.random.randint(ks[0], (4, 2048), 0, VOCAB)
    embeddings = jax.random.normal(ks[1], (4, 2048, D_MODEL), dtype=jnp.float32)
    attn = jnp.ones((4, 2048), dtype=jnp.float32)
    ln_g = jnp.ones((D_MODEL,), jnp.float32)
    ln_b = jnp.zeros((D_MODEL,), jnp.float32)
    W1 = jax.random.normal(ks[2], (D_MODEL, HIDDEN), jnp.float32) * 0.02
    b1 = jnp.zeros((HIDDEN,), jnp.float32)
    W2 = jax.random.normal(ks[3], (HIDDEN, 1), jnp.float32) * 0.02
    b2 = jnp.zeros((1,), jnp.float32)
    emb_table = jax.random.normal(ks[4], (VOCAB, D_MODEL), jnp.float32) * 0.02
    return {"ids": ids, "embeddings": embeddings, "attn": attn, "ln_g": ln_g, "ln_b": ln_b, "W1": W1, "b1": b1, "W2": W2, "b2": b2, "emb_table": emb_table}


def reference(ids, embeddings, attn, ln_g, ln_b, W1, b1, W2, b2, emb_table):
    emb = embeddings * attn[..., None]
    scores = selector_mlp(emb, ln_g, ln_b, W1, b1, W2, b2)
    scores = jnp.where(attn == 0, -1e9, scores)
    full_tok = jax.lax.stop_gradient(token_embeddings(emb_table, ids, attn))
    full_rep = jax.lax.stop_gradient(pool(full_tok, attn))
    T_eff = jnp.sum(attn, axis=1)
    start, end, steps = SWEEP
    rhos = np.linspace(start, end, steps)
    key = jax.random.key(42)
    g_sweep = []
    loss_sweep = []
    rho_eff_sweep = []
    recon_sum = jnp.zeros(())
    g = None
    for j, rho in enumerate(rhos):
        k = jnp.maximum((rho * T_eff).astype(jnp.int32), 1)
        g_hard = stochastic_topk(jax.random.fold_in(key, j), scores, attn, k, TAU, N_SAMPLES)
        g_soft = entmax15(scores / TAU) * attn
        g_soft = g_soft / jnp.clip(jnp.sum(g_soft, axis=1, keepdims=True), 1e-6, None)
        g = jax.lax.stop_gradient(g_hard) - jax.lax.stop_gradient(g_soft) + g_soft
        k_eff = jnp.sum(g, axis=1)
        rho_eff = k_eff / T_eff
        g_sweep.append(jax.lax.stop_gradient(g))
        rho_eff_sweep.append(jax.lax.stop_gradient(rho_eff))
        eff_attn = attn * g
        tok = token_embeddings(emb_table, ids, eff_attn)
        pred = pool(tok, eff_attn)
        l_r = jnp.mean(jnp.square(pred - full_rep))
        recon_sum = recon_sum + l_r
        loss_sweep.append(jax.lax.stop_gradient(l_r))
    recon_avg = recon_sum / len(rhos)
    return (g, jnp.stack(g_sweep), recon_avg, jnp.stack(loss_sweep), jnp.stack(rho_eff_sweep))

if __name__ == "__main__":
    import jax
    _d = setup_inputs()
    print(jax.jit(kernel)(*tuple(_d.values())))

</pallas_src>

<mosaic_0001>
#map = affine_map<(d0, d1) -> (0, 0)>
#map1 = affine_map<(d0, d1) -> (0, 0, 0)>
module attributes {stable_mosaic.version = 14 : i64} {
  func.func @_gather_body(%arg0: i32, %arg1: i32, %arg2: memref<32000x1024xf32, #tpu.memory_space<hbm>>, %arg3: memref<32x8x32xi32, #tpu.memory_space<hbm>>, %arg4: memref<8192x1024xf32, #tpu.memory_space<hbm>>, %arg5: memref<8x32xi32, #tpu.memory_space<vmem>>, %arg6: memref<32x1024xf32, #tpu.memory_space<vmem>>, %arg7: memref<32x1024xf32, #tpu.memory_space<vmem>>, %arg8: memref<!tpu.dma_semaphore, #tpu.memory_space<semaphore_mem>>, %arg9: memref<!tpu.dma_semaphore, #tpu.memory_space<semaphore_mem>>) attributes {dimension_semantics = [#tpu.dimension_semantics<core_parallel>, #tpu.dimension_semantics<subcore_parallel>], iteration_bounds = array<i64: 2, 16>, scalar_prefetch = 0 : i64, scratch_operands = 5 : i64, tpu.core_type = #tpu.core_type<sc_vector_subcore>, window_params = [{transform_indices = #map}, {transform_indices = #map1}, {transform_indices = #map}]} {
    %mul3A = arith.constant 2 : i32
    %mul3A_0 = arith.muli %arg1, %mul3A : i32
    %add3A = arith.addi %mul3A_0, %arg0 : i32
    "tpu.region"() ({
      %run_scoped3A = tpu.sem_alloc : memref<!tpu.dma_semaphore, #tpu.memory_space<semaphore_mem>>
      %dma_start3A_143 = arith.constant 0 : i32
      %dma_start3A_144 = arith.constant 0 : i32
      %dma_start3A_145 = tpu.memref_slice %arg3[%add3A, %dma_start3A_143, %dma_start3A_144] : memref<32x8x32xi32, #tpu.memory_space<hbm>> -> memref<1x8x32xi32, #tpu.memory_space<hbm>>
      %dma_start3A_146 = tpu.memref_squeeze %dma_start3A_145 : memref<1x8x32xi32, #tpu.memory_space<hbm>> -> memref<8x32xi32, #tpu.memory_space<hbm>>
      %dma_start3A_147 = arith.constant 0 : i32
      %dma_start3A_148 = arith.constant 0 : i32
      %dma_start3A_149 = tpu.memref_slice %arg3[%add3A, %dma_start3A_147, %dma_start3A_148] : memref<32x8x32xi32, #tpu.memory_space<hbm>> -> memref<1x8x32xi32, #tpu.memory_space<hbm>>
      %dma_start3A_150 = tpu.memref_squeeze %dma_start3A_149 : memref<1x8x32xi32, #tpu.memory_space<hbm>> -> memref<8x32xi32, #tpu.memory_space<hbm>>
      tpu.enqueue_dma source(%dma_start3A_150 : memref<8x32xi32, #tpu.memory_space<hbm>>) target(%arg5 : memref<8x32xi32, #tpu.memory_space<vmem>>) target_semaphore(%run_scoped3A : memref<!tpu.dma_semaphore, #tpu.memory_space<semaphore_mem>>)
      %dma_wait3A_151 = arith.constant 0 : i32
      %dma_wait3A_152 = arith.constant 0 : i32
      %dma_wait3A_153 = tpu.memref_slice %arg3[%add3A, %dma_wait3A_151, %dma_wait3A_152] : memref<32x8x32xi32, #tpu.memory_space<hbm>> -> memref<1x8x32xi32, #tpu.memory_space<hbm>>
      %dma_wait3A_154 = tpu.memref_squeeze %dma_wait3A_153 : memref<1x8x32xi32, #tpu.memory_space<hbm>> -> memref<8x32xi32, #tpu.memory_space<hbm>>
      %dma_wait3A_155 = arith.constant 0 : i32
      %dma_wait3A_156 = arith.constant 0 : i32
      %dma_wait3A_157 = tpu.memref_slice %arg3[%add3A, %dma_wait3A_155, %dma_wait3A_156] : memref<32x8x32xi32, #tpu.memory_space<hbm>> -> memref<1x8x32xi32, #tpu.memory_space<hbm>>
      %dma_wait3A_158 = tpu.memref_squeeze %dma_wait3A_157 : memref<1x8x32xi32, #tpu.memory_space<hbm>> -> memref<8x32xi32, #tpu.memory_space<hbm>>
      tpu.wait_dma2 semaphore(%run_scoped3A : memref<!tpu.dma_semaphore, #tpu.memory_space<semaphore_mem>>) src(%dma_wait3A_158 : memref<8x32xi32, #tpu.memory_space<hbm>>) dst(%arg5 : memref<8x32xi32, #tpu.memory_space<vmem>>)
      tpu.yield
    }) : () -> ()
    %dma_start3A = arith.constant 0 : i32
    %dma_start3A_1 = arith.constant 0 : i32
    %dma_start3A_2 = tpu.memref_slice %arg5[%dma_start3A, %dma_start3A_1] : memref<8x32xi32, #tpu.memory_space<vmem>> -> memref<1x32xi32, #tpu.memory_space<vmem>>
    %dma_start3A_3 = tpu.memref_squeeze %dma_start3A_2 : memref<1x32xi32, #tpu.memory_space<vmem>> -> memref<32xi32, #tpu.memory_space<vmem>>
    %dma_start3A_4 = arith.constant 0 : i32
    %dma_start3A_5 = arith.constant 0 : i32
    %dma_start3A_6 = tpu.memref_slice %arg2[%dma_start3A_4, %dma_start3A_5] : memref<32000x1024xf32, #tpu.memory_space<hbm>> -> memref<32000x1024xf32, #tpu.memory_space<hbm>>
    tpu.enqueue_indirect_dma source(%dma_start3A_6 : memref<32000x1024xf32, #tpu.memory_space<hbm>>) target(%arg6 : memref<32x1024xf32, #tpu.memory_space<vmem>>) offsets(%dma_start3A_3 : memref<32xi32, #tpu.memory_space<vmem>>) semaphore(%arg8 : memref<!tpu.dma_semaphore, #tpu.memory_space<semaphore_mem>>)
    %dma_start3A_7 = arith.constant 1 : i32
    %dma_start3A_8 = arith.constant 0 : i32
    %dma_start3A_9 = tpu.memref_slice %arg5[%dma_start3A_7, %dma_start3A_8] : memref<8x32xi32, #tpu.memory_space<vmem>> -> memref<1x32xi32, #tpu.memory_space<vmem>>
    %dma_start3A_10 = tpu.memref_squeeze %dma_start3A_9 : memref<1x32xi32, #tpu.memory_space<vmem>> -> memref<32xi32, #tpu.memory_space<vmem>>
    %dma_start3A_11 = arith.constant 0 : i32
    %dma_start3A_12 = arith.constant 0 : i32
    %dma_start3A_13 = tpu.memref_slice %arg2[%dma_start3A_11, %dma_start3A_12] : memref<32000x1024xf32, #tpu.memory_space<hbm>> -> memref<32000x1024xf32, #tpu.memory_space<hbm>>
    tpu.enqueue_indirect_dma source(%dma_start3A_13 : memref<32000x1024xf32, #tpu.memory_space<hbm>>) target(%arg7 : memref<32x1024xf32, #tpu.memory_space<vmem>>) offsets(%dma_start3A_10 : memref<32xi32, #tpu.memory_space<vmem>>) semaphore(%arg9 : memref<!tpu.dma_semaphore, #tpu.memory_space<semaphore_mem>>)
    %dma_wait3A = arith.constant 0 : i32
    %dma_wait3A_14 = arith.constant 0 : i32
    %dma_wait3A_15 = tpu.memref_slice %arg5[%dma_wait3A, %dma_wait3A_14] : memref<8x32xi32, #tpu.memory_space<vmem>> -> memref<1x32xi32, #tpu.memory_space<vmem>>
    %dma_wait3A_16 = tpu.memref_squeeze %dma_wait3A_15 : memref<1x32xi32, #tpu.memory_space<vmem>> -> memref<32xi32, #tpu.memory_space<vmem>>
    %dma_wait3A_17 = arith.constant 0 : i32
    %dma_wait3A_18 = arith.constant 0 : i32
    %dma_wait3A_19 = tpu.memref_slice %arg2[%dma_wait3A_17, %dma_wait3A_18] : memref<32000x1024xf32, #tpu.memory_space<hbm>> -> memref<32000x1024xf32, #tpu.memory_space<hbm>>
    tpu.wait_indirect_dma semaphore(%arg8 : memref<!tpu.dma_semaphore, #tpu.memory_space<semaphore_mem>>) src(%dma_wait3A_19 : memref<32000x1024xf32, #tpu.memory_space<hbm>>) dst(%arg6 : memref<32x1024xf32, #tpu.memory_space<vmem>>)
    %mul3A_20 = arith.constant 256 : i32
    %mul3A_21 = arith.muli %add3A, %mul3A_20 : i32
    %add3A_22 = arith.constant 0 : i32
    %add3A_23 = arith.addi %mul3A_21, %add3A_22 : i32
    "tpu.region"() ({
      %run_scoped3A = tpu.sem_alloc : memref<!tpu.dma_semaphore, #tpu.memory_space<semaphore_mem>>
      %dma_start3A_143 = arith.constant 0 : i32
      %dma_start3A_144 = tpu.memref_slice %arg4[%add3A_23, %dma_start3A_143] : memref<8192x1024xf32, #tpu.memory_space<hbm>> -> memref<32x1024xf32, #tpu.memory_space<hbm>>
      %dma_start3A_145 = arith.constant 0 : i32
      %dma_start3A_146 = tpu.memref_slice %arg4[%add3A_23, %dma_start3A_145] : memref<8192x1024xf32, #tpu.memory_space<hbm>> -> memref<32x1024xf32, #tpu.memory_space<hbm>>
      tpu.enqueue_dma source(%arg6 : memref<32x1024xf32, #tpu.memory_space<vmem>>) target(%dma_start3A_146 : memref<32x1024xf32, #tpu.memory_space<hbm>>) target_semaphore(%run_scoped3A : memref<!tpu.dma_semaphore, #tpu.memory_space<semaphore_mem>>)
      %dma_wait3A_147 = arith.constant 0 : i32
      %dma_wait3A_148 = tpu.memref_slice %arg4[%add3A_23, %dma_wait3A_147] : memref<8192x1024xf32, #tpu.memory_space<hbm>> -> memref<32x1024xf32, #tpu.memory_space<hbm>>
      %dma_wait3A_149 = arith.constant 0 : i32
      %dma_wait3A_150 = tpu.memref_slice %arg4[%add3A_23, %dma_wait3A_149] : memref<8192x1024xf32, #tpu.memory_space<hbm>> -> memref<32x1024xf32, #tpu.memory_space<hbm>>
      tpu.wait_dma2 semaphore(%run_scoped3A : memref<!tpu.dma_semaphore, #tpu.memory_space<semaphore_mem>>) src(%arg6 : memref<32x1024xf32, #tpu.memory_space<vmem>>) dst(%dma_wait3A_150 : memref<32x1024xf32, #tpu.memory_space<hbm>>)
      tpu.yield
    }) : () -> ()
    %dma_start3A_24 = arith.constant 2 : i32
    %dma_start3A_25 = arith.constant 0 : i32
    %dma_start3A_26 = tpu.memref_slice %arg5[%dma_start3A_24, %dma_start3A_25] : memref<8x32xi32, #tpu.memory_space<vmem>> -> memref<1x32xi32, #tpu.memory_space<vmem>>
    %dma_start3A_27 = tpu.memref_squeeze %dma_start3A_26 : memref<1x32xi32, #tpu.memory_space<vmem>> -> memref<32xi32, #tpu.memory_space<vmem>>
    %dma_start3A_28 = arith.constant 0 : i32
    %dma_start3A_29 = arith.constant 0 : i32
    %dma_start3A_30 = tpu.memref_slice %arg2[%dma_start3A_28, %dma_start3A_29] : memref<32000x1024xf32, #tpu.memory_space<hbm>> -> memref<32000x1024xf32, #tpu.memory_space<hbm>>
    tpu.enqueue_indirect_dma source(%dma_start3A_30 : memref<32000x1024xf32, #tpu.memory_space<hbm>>) target(%arg6 : memref<32x1024xf32, #tpu.memory_space<vmem>>) offsets(%dma_start3A_27 : memref<32xi32, #tpu.memory_space<vmem>>) semaphore(%arg8 : memref<!tpu.dma_semaphore, #tpu.memory_space<semaphore_mem>>)
    %dma_wait3A_31 = arith.constant 1 : i32
    %dma_wait3A_32 = arith.constant 0 : i32
    %dma_wait3A_33 = tpu.memref_slice %arg5[%dma_wait3A_31, %dma_wait3A_32] : memref<8x32xi32, #tpu.memory_space<vmem>> -> memref<1x32xi32, #tpu.memory_space<vmem>>
    %dma_wait3A_34 = tpu.memref_squeeze %dma_wait3A_33 : memref<1x32xi32, #tpu.memory_space<vmem>> -> memref<32xi32, #tpu.memory_space<vmem>>
    %dma_wait3A_35 = arith.constant 0 : i32
    %dma_wait3A_36 = arith.constant 0 : i32
    %dma_wait3A_37 = tpu.memref_slice %arg2[%dma_wait3A_35, %dma_wait3A_36] : memref<32000x1024xf32, #tpu.memory_space<hbm>> -> memref<32000x1024xf32, #tpu.memory_space<hbm>>
    tpu.wait_indirect_dma semaphore(%arg9 : memref<!tpu.dma_semaphore, #tpu.memory_space<semaphore_mem>>) src(%dma_wait3A_37 : memref<32000x1024xf32, #tpu.memory_space<hbm>>) dst(%arg7 : memref<32x1024xf32, #tpu.memory_space<vmem>>)
    %mul3A_38 = arith.constant 256 : i32
    %mul3A_39 = arith.muli %add3A, %mul3A_38 : i32
    %add3A_40 = arith.constant 32 : i32
    %add3A_41 = arith.addi %mul3A_39, %add3A_40 : i32
    "tpu.region"() ({
      %run_scoped3A = tpu.sem_alloc : memref<!tpu.dma_semaphore, #tpu.memory_space<semaphore_mem>>
      %dma_start3A_143 = arith.constant 0 : i32
      %dma_start3A_144 = tpu.memref_slice %arg4[%add3A_41, %dma_start3A_143] : memref<8192x1024xf32, #tpu.memory_space<hbm>> -> memref<32x1024xf32, #tpu.memory_space<hbm>>
      %dma_start3A_145 = arith.constant 0 : i32
      %dma_start3A_146 = tpu.memref_slice %arg4[%add3A_41, %dma_start3A_145] : memref<8192x1024xf32, #tpu.memory_space<hbm>> -> memref<32x1024xf32, #tpu.memory_space<hbm>>
      tpu.enqueue_dma source(%arg7 : memref<32x1024xf32, #tpu.memory_space<vmem>>) target(%dma_start3A_146 : memref<32x1024xf32, #tpu.memory_space<hbm>>) target_semaphore(%run_scoped3A : memref<!tpu.dma_semaphore, #tpu.memory_space<semaphore_mem>>)
      %dma_wait3A_147 = arith.constant 0 : i32
      %dma_wait3A_148 = tpu.memref_slice %arg4[%add3A_41, %dma_wait3A_147] : memref<8192x1024xf32, #tpu.memory_space<hbm>> -> memref<32x1024xf32, #tpu.memory_space<hbm>>
      %dma_wait3A_149 = arith.constant 0 : i32
      %dma_wait3A_150 = tpu.memref_slice %arg4[%add3A_41, %dma_wait3A_149] : memref<8192x1024xf32, #tpu.memory_space<hbm>> -> memref<32x1024xf32, #tpu.memory_space<hbm>>
      tpu.wait_dma2 semaphore(%run_scoped3A : memref<!tpu.dma_semaphore, #tpu.memory_space<semaphore_mem>>) src(%arg7 : memref<32x1024xf32, #tpu.memory_space<vmem>>) dst(%dma_wait3A_150 : memref<32x1024xf32, #tpu.memory_space<hbm>>)
      tpu.yield
    }) : () -> ()
    %dma_start3A_42 = arith.constant 3 : i32
    %dma_start3A_43 = arith.constant 0 : i32
    %dma_start3A_44 = tpu.memref_slice %arg5[%dma_start3A_42, %dma_start3A_43] : memref<8x32xi32, #tpu.memory_space<vmem>> -> memref<1x32xi32, #tpu.memory_space<vmem>>
    %dma_start3A_45 = tpu.memref_squeeze %dma_start3A_44 : memref<1x32xi32, #tpu.memory_space<vmem>> -> memref<32xi32, #tpu.memory_space<vmem>>
    %dma_start3A_46 = arith.constant 0 : i32
    %dma_start3A_47 = arith.constant 0 : i32
    %dma_start3A_48 = tpu.memref_slice %arg2[%dma_start3A_46, %dma_start3A_47] : memref<32000x1024xf32, #tpu.memory_space<hbm>> -> memref<32000x1024xf32, #tpu.memory_space<hbm>>
    tpu.enqueue_indirect_dma source(%dma_start3A_48 : memref<32000x1024xf32, #tpu.memory_space<hbm>>) target(%arg7 : memref<32x1024xf32, #tpu.memory_space<vmem>>) offsets(%dma_start3A_45 : memref<32xi32, #tpu.memory_space<vmem>>) semaphore(%arg9 : memref<!tpu.dma_semaphore, #tpu.memory_space<semaphore_mem>>)
    %dma_wait3A_49 = arith.constant 2 : i32
    %dma_wait3A_50 = arith.constant 0 : i32
    %dma_wait3A_51 = tpu.memref_slice %arg5[%dma_wait3A_49, %dma_wait3A_50] : memref<8x32xi32, #tpu.memory_space<vmem>> -> memref<1x32xi32, #tpu.memory_space<vmem>>
    %dma_wait3A_52 = tpu.memref_squeeze %dma_wait3A_51 : memref<1x32xi32, #tpu.memory_space<vmem>> -> memref<32xi32, #tpu.memory_space<vmem>>
    %dma_wait3A_53 = arith.constant 0 : i32
    %dma_wait3A_54 = arith.constant 0 : i32
    %dma_wait3A_55 = tpu.memref_slice %arg2[%dma_wait3A_53, %dma_wait3A_54] : memref<32000x1024xf32, #tpu.memory_space<hbm>> -> memref<32000x1024xf32, #tpu.memory_space<hbm>>
    tpu.wait_indirect_dma semaphore(%arg8 : memref<!tpu.dma_semaphore, #tpu.memory_space<semaphore_mem>>) src(%dma_wait3A_55 : memref<32000x1024xf32, #tpu.memory_space<hbm>>) dst(%arg6 : memref<32x1024xf32, #tpu.memory_space<vmem>>)
    %mul3A_56 = arith.constant 256 : i32
    %mul3A_57 = arith.muli %add3A, %mul3A_56 : i32
    %add3A_58 = arith.constant 64 : i32
    %add3A_59 = arith.addi %mul3A_57, %add3A_58 : i32
    "tpu.region"() ({
      %run_scoped3A = tpu.sem_alloc : memref<!tpu.dma_semaphore, #tpu.memory_space<semaphore_mem>>
      %dma_start3A_143 = arith.constant 0 : i32
      %dma_start3A_144 = tpu.memref_slice %arg4[%add3A_59, %dma_start3A_143] : memref<8192x1024xf32, #tpu.memory_space<hbm>> -> memref<32x1024xf32, #tpu.memory_space<hbm>>
      %dma_start3A_145 = arith.constant 0 : i32
      %dma_start3A_146 = tpu.memref_slice %arg4[%add3A_59, %dma_start3A_145] : memref<8192x1024xf32, #tpu.memory_space<hbm>> -> memref<32x1024xf32, #tpu.memory_space<hbm>>
      tpu.enqueue_dma source(%arg6 : memref<32x1024xf32, #tpu.memory_space<vmem>>) target(%dma_start3A_146 : memref<32x1024xf32, #tpu.memory_space<hbm>>) target_semaphore(%run_scoped3A : memref<!tpu.dma_semaphore, #tpu.memory_space<semaphore_mem>>)
      %dma_wait3A_147 = arith.constant 0 : i32
      %dma_wait3A_148 = tpu.memref_slice %arg4[%add3A_59, %dma_wait3A_147] : memref<8192x1024xf32, #tpu.memory_space<hbm>> -> memref<32x1024xf32, #tpu.memory_space<hbm>>
      %dma_wait3A_149 = arith.constant 0 : i32
      %dma_wait3A_150 = tpu.memref_slice %arg4[%add3A_59, %dma_wait3A_149] : memref<8192x1024xf32, #tpu.memory_space<hbm>> -> memref<32x1024xf32, #tpu.memory_space<hbm>>
      tpu.wait_dma2 semaphore(%run_scoped3A : memref<!tpu.dma_semaphore, #tpu.memory_space<semaphore_mem>>) src(%arg6 : memref<32x1024xf32, #tpu.memory_space<vmem>>) dst(%dma_wait3A_150 : memref<32x1024xf32, #tpu.memory_space<hbm>>)
      tpu.yield
    }) : () -> ()
    %dma_start3A_60 = arith.constant 4 : i32
    %dma_start3A_61 = arith.constant 0 : i32
    %dma_start3A_62 = tpu.memref_slice %arg5[%dma_start3A_60, %dma_start3A_61] : memref<8x32xi32, #tpu.memory_space<vmem>> -> memref<1x32xi32, #tpu.memory_space<vmem>>
    %dma_start3A_63 = tpu.memref_squeeze %dma_start3A_62 : memref<1x32xi32, #tpu.memory_space<vmem>> -> memref<32xi32, #tpu.memory_space<vmem>>
    %dma_start3A_64 = arith.constant 0 : i32
    %dma_start3A_65 = arith.constant 0 : i32
    %dma_start3A_66 = tpu.memref_slice %arg2[%dma_start3A_64, %dma_start3A_65] : memref<32000x1024xf32, #tpu.memory_space<hbm>> -> memref<32000x1024xf32, #tpu.memory_space<hbm>>
    tpu.enqueue_indirect_dma source(%dma_start3A_66 : memref<32000x1024xf32, #tpu.memory_space<hbm>>) target(%arg6 : memref<32x1024xf32, #tpu.memory_space<vmem>>) offsets(%dma_start3A_63 : memref<32xi32, #tpu.memory_space<vmem>>) semaphore(%arg8 : memref<!tpu.dma_semaphore, #tpu.memory_space<semaphore_mem>>)
    %dma_wait3A_67 = arith.constant 3 : i32
    %dma_wait3A_68 = arith.constant 0 : i32
    %dma_wait3A_69 = tpu.memref_slice %arg5[%dma_wait3A_67, %dma_wait3A_68] : memref<8x32xi32, #tpu.memory_space<vmem>> -> memref<1x32xi32, #tpu.memory_space<vmem>>
    %dma_wait3A_70 = tpu.memref_squeeze %dma_wait3A_69 : memref<1x32xi32, #tpu.memory_space<vmem>> -> memref<32xi32, #tpu.memory_space<vmem>>
    %dma_wait3A_71 = arith.constant 0 : i32
    %dma_wait3A_72 = arith.constant 0 : i32
    %dma_wait3A_73 = tpu.memref_slice %arg2[%dma_wait3A_71, %dma_wait3A_72] : memref<32000x1024xf32, #tpu.memory_space<hbm>> -> memref<32000x1024xf32, #tpu.memory_space<hbm>>
    tpu.wait_indirect_dma semaphore(%arg9 : memref<!tpu.dma_semaphore, #tpu.memory_space<semaphore_mem>>) src(%dma_wait3A_73 : memref<32000x1024xf32, #tpu.memory_space<hbm>>) dst(%arg7 : memref<32x1024xf32, #tpu.memory_space<vmem>>)
    %mul3A_74 = arith.constant 256 : i32
    %mul3A_75 = arith.muli %add3A, %mul3A_74 : i32
    %add3A_76 = arith.constant 96 : i32
    %add3A_77 = arith.addi %mul3A_75, %add3A_76 : i32
    "tpu.region"() ({
      %run_scoped3A = tpu.sem_alloc : memref<!tpu.dma_semaphore, #tpu.memory_space<semaphore_mem>>
      %dma_start3A_143 = arith.constant 0 : i32
      %dma_start3A_144 = tpu.memref_slice %arg4[%add3A_77, %dma_start3A_143] : memref<8192x1024xf32, #tpu.memory_space<hbm>> -> memref<32x1024xf32, #tpu.memory_space<hbm>>
      %dma_start3A_145 = arith.constant 0 : i32
      %dma_start3A_146 = tpu.memref_slice %arg4[%add3A_77, %dma_start3A_145] : memref<8192x1024xf32, #tpu.memory_space<hbm>> -> memref<32x1024xf32, #tpu.memory_space<hbm>>
      tpu.enqueue_dma source(%arg7 : memref<32x1024xf32, #tpu.memory_space<vmem>>) target(%dma_start3A_146 : memref<32x1024xf32, #tpu.memory_space<hbm>>) target_semaphore(%run_scoped3A : memref<!tpu.dma_semaphore, #tpu.memory_space<semaphore_mem>>)
      %dma_wait3A_147 = arith.constant 0 : i32
      %dma_wait3A_148 = tpu.memref_slice %arg4[%add3A_77, %dma_wait3A_147] : memref<8192x1024xf32, #tpu.memory_space<hbm>> -> memref<32x1024xf32, #tpu.memory_space<hbm>>
      %dma_wait3A_149 = arith.constant 0 : i32
      %dma_wait3A_150 = tpu.memref_slice %arg4[%add3A_77, %dma_wait3A_149] : memref<8192x1024xf32, #tpu.memory_space<hbm>> -> memref<32x1024xf32, #tpu.memory_space<hbm>>
      tpu.wait_dma2 semaphore(%run_scoped3A : memref<!tpu.dma_semaphore, #tpu.memory_space<semaphore_mem>>) src(%arg7 : memref<32x1024xf32, #tpu.memory_space<vmem>>) dst(%dma_wait3A_150 : memref<32x1024xf32, #tpu.memory_space<hbm>>)
      tpu.yield
    }) : () -> ()
    %dma_start3A_78 = arith.constant 5 : i32
    %dma_start3A_79 = arith.constant 0 : i32
    %dma_start3A_80 = tpu.memref_slice %arg5[%dma_start3A_78, %dma_start3A_79] : memref<8x32xi32, #tpu.memory_space<vmem>> -> memref<1x32xi32, #tpu.memory_space<vmem>>
    %dma_start3A_81 = tpu.memref_squeeze %dma_start3A_80 : memref<1x32xi32, #tpu.memory_space<vmem>> -> memref<32xi32, #tpu.memory_space<vmem>>
    %dma_start3A_82 = arith.constant 0 : i32
    %dma_start3A_83 = arith.constant 0 : i32
    %dma_start3A_84 = tpu.memref_slice %arg2[%dma_start3A_82, %dma_start3A_83] : memref<32000x1024xf32, #tpu.memory_space<hbm>> -> memref<32000x1024xf32, #tpu.memory_space<hbm>>
    tpu.enqueue_indirect_dma source(%dma_start3A_84 : memref<32000x1024xf32, #tpu.memory_space<hbm>>) target(%arg7 : memref<32x1024xf32, #tpu.memory_space<vmem>>) offsets(%dma_start3A_81 : memref<32xi32, #tpu.memory_space<vmem>>) semaphore(%arg9 : memref<!tpu.dma_semaphore, #tpu.memory_space<semaphore_mem>>)
    %dma_wait3A_85 = arith.constant 4 : i32
    %dma_wait3A_86 = arith.constant 0 : i32
    %dma_wait3A_87 = tpu.memref_slice %arg5[%dma_wait3A_85, %dma_wait3A_86] : memref<8x32xi32, #tpu.memory_space<vmem>> -> memref<1x32xi32, #tpu.memory_space<vmem>>
    %dma_wait3A_88 = tpu.memref_squeeze %dma_wait3A_87 : memref<1x32xi32, #tpu.memory_space<vmem>> -> memref<32xi32, #tpu.memory_space<vmem>>
    %dma_wait3A_89 = arith.constant 0 : i32
    %dma_wait3A_90 = arith.constant 0 : i32
    %dma_wait3A_91 = tpu.memref_slice %arg2[%dma_wait3A_89, %dma_wait3A_90] : memref<32000x1024xf32, #tpu.memory_space<hbm>> -> memref<32000x1024xf32, #tpu.memory_space<hbm>>
    tpu.wait_indirect_dma semaphore(%arg8 : memref<!tpu.dma_semaphore, #tpu.memory_space<semaphore_mem>>) src(%dma_wait3A_91 : memref<32000x1024xf32, #tpu.memory_space<hbm>>) dst(%arg6 : memref<32x1024xf32, #tpu.memory_space<vmem>>)
    %mul3A_92 = arith.constant 256 : i32
    %mul3A_93 = arith.muli %add3A, %mul3A_92 : i32
    %add3A_94 = arith.constant 128 : i32
    %add3A_95 = arith.addi %mul3A_93, %add3A_94 : i32
    "tpu.region"() ({
      %run_scoped3A = tpu.sem_alloc : memref<!tpu.dma_semaphore, #tpu.memory_space<semaphore_mem>>
      %dma_start3A_143 = arith.constant 0 : i32
      %dma_start3A_144 = tpu.memref_slice %arg4[%add3A_95, %dma_start3A_143] : memref<8192x1024xf32, #tpu.memory_space<hbm>> -> memref<32x1024xf32, #tpu.memory_space<hbm>>
      %dma_start3A_145 = arith.constant 0 : i32
      %dma_start3A_146 = tpu.memref_slice %arg4[%add3A_95, %dma_start3A_145] : memref<8192x1024xf32, #tpu.memory_space<hbm>> -> memref<32x1024xf32, #tpu.memory_space<hbm>>
      tpu.enqueue_dma source(%arg6 : memref<32x1024xf32, #tpu.memory_space<vmem>>) target(%dma_start3A_146 : memref<32x1024xf32, #tpu.memory_space<hbm>>) target_semaphore(%run_scoped3A : memref<!tpu.dma_semaphore, #tpu.memory_space<semaphore_mem>>)
      %dma_wait3A_147 = arith.constant 0 : i32
      %dma_wait3A_148 = tpu.memref_slice %arg4[%add3A_95, %dma_wait3A_147] : memref<8192x1024xf32, #tpu.memory_space<hbm>> -> memref<32x1024xf32, #tpu.memory_space<hbm>>
      %dma_wait3A_149 = arith.constant 0 : i32
      %dma_wait3A_150 = tpu.memref_slice %arg4[%add3A_95, %dma_wait3A_149] : memref<8192x1024xf32, #tpu.memory_space<hbm>> -> memref<32x1024xf32, #tpu.memory_space<hbm>>
      tpu.wait_dma2 semaphore(%run_scoped3A : memref<!tpu.dma_semaphore, #tpu.memory_space<semaphore_mem>>) src(%arg6 : memref<32x1024xf32, #tpu.memory_space<vmem>>) dst(%dma_wait3A_150 : memref<32x1024xf32, #tpu.memory_space<hbm>>)
      tpu.yield
    }) : () -> ()
    %dma_start3A_96 = arith.constant 6 : i32
    %dma_start3A_97 = arith.constant 0 : i32
    %dma_start3A_98 = tpu.memref_slice %arg5[%dma_start3A_96, %dma_start3A_97] : memref<8x32xi32, #tpu.memory_space<vmem>> -> memref<1x32xi32, #tpu.memory_space<vmem>>
    %dma_start3A_99 = tpu.memref_squeeze %dma_start3A_98 : memref<1x32xi32, #tpu.memory_space<vmem>> -> memref<32xi32, #tpu.memory_space<vmem>>
    %dma_start3A_100 = arith.constant 0 : i32
    %dma_start3A_101 = arith.constant 0 : i32
    %dma_start3A_102 = tpu.memref_slice %arg2[%dma_start3A_100, %dma_start3A_101] : memref<32000x1024xf32, #tpu.memory_space<hbm>> -> memref<32000x1024xf32, #tpu.memory_space<hbm>>
    tpu.enqueue_indirect_dma source(%dma_start3A_102 : memref<32000x1024xf32, #tpu.memory_space<hbm>>) target(%arg6 : memref<32x1024xf32, #tpu.memory_space<vmem>>) offsets(%dma_start3A_99 : memref<32xi32, #tpu.memory_space<vmem>>) semaphore(%arg8 : memref<!tpu.dma_semaphore, #tpu.memory_space<semaphore_mem>>)
    %dma_wait3A_103 = arith.constant 5 : i32
    %dma_wait3A_104 = arith.constant 0 : i32
    %dma_wait3A_105 = tpu.memref_slice %arg5[%dma_wait3A_103, %dma_wait3A_104] : memref<8x32xi32, #tpu.memory_space<vmem>> -> memref<1x32xi32, #tpu.memory_space<vmem>>
    %dma_wait3A_106 = tpu.memref_squeeze %dma_wait3A_105 : memref<1x32xi32, #tpu.memory_space<vmem>> -> memref<32xi32, #tpu.memory_space<vmem>>
    %dma_wait3A_107 = arith.constant 0 : i32
    %dma_wait3A_108 = arith.constant 0 : i32
    %dma_wait3A_109 = tpu.memref_slice %arg2[%dma_wait3A_107, %dma_wait3A_108] : memref<32000x1024xf32, #tpu.memory_space<hbm>> -> memref<32000x1024xf32, #tpu.memory_space<hbm>>
    tpu.wait_indirect_dma semaphore(%arg9 : memref<!tpu.dma_semaphore, #tpu.memory_space<semaphore_mem>>) src(%dma_wait3A_109 : memref<32000x1024xf32, #tpu.memory_space<hbm>>) dst(%arg7 : memref<32x1024xf32, #tpu.memory_space<vmem>>)
    %mul3A_110 = arith.constant 256 : i32
    %mul3A_111 = arith.muli %add3A, %mul3A_110 : i32
    %add3A_112 = arith.constant 160 : i32
    %add3A_113 = arith.addi %mul3A_111, %add3A_112 : i32
    "tpu.region"() ({
      %run_scoped3A = tpu.sem_alloc : memref<!tpu.dma_semaphore, #tpu.memory_space<semaphore_mem>>
      %dma_start3A_143 = arith.constant 0 : i32
      %dma_start3A_144 = tpu.memref_slice %arg4[%add3A_113, %dma_start3A_143] : memref<8192x1024xf32, #tpu.memory_space<hbm>> -> memref<32x1024xf32, #tpu.memory_space<hbm>>
      %dma_start3A_145 = arith.constant 0 : i32
      %dma_start3A_146 = tpu.memref_slice %arg4[%add3A_113, %dma_start3A_145] : memref<8192x1024xf32, #tpu.memory_space<hbm>> -> memref<32x1024xf32, #tpu.memory_space<hbm>>
      tpu.enqueue_dma source(%arg7 : memref<32x1024xf32, #tpu.memory_space<vmem>>) target(%dma_start3A_146 : memref<32x1024xf32, #tpu.memory_space<hbm>>) target_semaphore(%run_scoped3A : memref<!tpu.dma_semaphore, #tpu.memory_space<semaphore_mem>>)
      %dma_wait3A_147 = arith.constant 0 : i32
      %dma_wait3A_148 = tpu.memref_slice %arg4[%add3A_113, %dma_wait3A_147] : memref<8192x1024xf32, #tpu.memory_space<hbm>> -> memref<32x1024xf32, #tpu.memory_space<hbm>>
      %dma_wait3A_149 = arith.constant 0 : i32
      %dma_wait3A_150 = tpu.memref_slice %arg4[%add3A_113, %dma_wait3A_149] : memref<8192x1024xf32, #tpu.memory_space<hbm>> -> memref<32x1024xf32, #tpu.memory_space<hbm>>
      tpu.wait_dma2 semaphore(%run_scoped3A : memref<!tpu.dma_semaphore, #tpu.memory_space<semaphore_mem>>) src(%arg7 : memref<32x1024xf32, #tpu.memory_space<vmem>>) dst(%dma_wait3A_150 : memref<32x1024xf32, #tpu.memory_space<hbm>>)
      tpu.yield
    }) : () -> ()
    %dma_start3A_114 = arith.constant 7 : i32
    %dma_start3A_115 = arith.constant 0 : i32
    %dma_start3A_116 = tpu.memref_slice %arg5[%dma_start3A_114, %dma_start3A_115] : memref<8x32xi32, #tpu.memory_space<vmem>> -> memref<1x32xi32, #tpu.memory_space<vmem>>
    %dma_start3A_117 = tpu.memref_squeeze %dma_start3A_116 : memref<1x32xi32, #tpu.memory_space<vmem>> -> memref<32xi32, #tpu.memory_space<vmem>>
    %dma_start3A_118 = arith.constant 0 : i32
    %dma_start3A_119 = arith.constant 0 : i32
    %dma_start3A_120 = tpu.memref_slice %arg2[%dma_start3A_118, %dma_start3A_119] : memref<32000x1024xf32, #tpu.memory_space<hbm>> -> memref<32000x1024xf32, #tpu.memory_space<hbm>>
    tpu.enqueue_indirect_dma source(%dma_start3A_120 : memref<32000x1024xf32, #tpu.memory_space<hbm>>) target(%arg7 : memref<32x1024xf32, #tpu.memory_space<vmem>>) offsets(%dma_start3A_117 : memref<32xi32, #tpu.memory_space<vmem>>) semaphore(%arg9 : memref<!tpu.dma_semaphore, #tpu.memory_space<semaphore_mem>>)
    %dma_wait3A_121 = arith.constant 6 : i32
    %dma_wait3A_122 = arith.constant 0 : i32
    %dma_wait3A_123 = tpu.memref_slice %arg5[%dma_wait3A_121, %dma_wait3A_122] : memref<8x32xi32, #tpu.memory_space<vmem>> -> memref<1x32xi32, #tpu.memory_space<vmem>>
    %dma_wait3A_124 = tpu.memref_squeeze %dma_wait3A_123 : memref<1x32xi32, #tpu.memory_space<vmem>> -> memref<32xi32, #tpu.memory_space<vmem>>
    %dma_wait3A_125 = arith.constant 0 : i32
    %dma_wait3A_126 = arith.constant 0 : i32
    %dma_wait3A_127 = tpu.memref_slice %arg2[%dma_wait3A_125, %dma_wait3A_126] : memref<32000x1024xf32, #tpu.memory_space<hbm>> -> memref<32000x1024xf32, #tpu.memory_space<hbm>>
    tpu.wait_indirect_dma semaphore(%arg8 : memref<!tpu.dma_semaphore, #tpu.memory_space<semaphore_mem>>) src(%dma_wait3A_127 : memref<32000x1024xf32, #tpu.memory_space<hbm>>) dst(%arg6 : memref<32x1024xf32, #tpu.memory_space<vmem>>)
    %mul3A_128 = arith.constant 256 : i32
    %mul3A_129 = arith.muli %add3A, %mul3A_128 : i32
    %add3A_130 = arith.constant 192 : i32
    %add3A_131 = arith.addi %mul3A_129, %add3A_130 : i32
    "tpu.region"() ({
      %run_scoped3A = tpu.sem_alloc : memref<!tpu.dma_semaphore, #tpu.memory_space<semaphore_mem>>
      %dma_start3A_143 = arith.constant 0 : i32
      %dma_start3A_144 = tpu.memref_slice %arg4[%add3A_131, %dma_start3A_143] : memref<8192x1024xf32, #tpu.memory_space<hbm>> -> memref<32x1024xf32, #tpu.memory_space<hbm>>
      %dma_start3A_145 = arith.constant 0 : i32
      %dma_start3A_146 = tpu.memref_slice %arg4[%add3A_131, %dma_start3A_145] : memref<8192x1024xf32, #tpu.memory_space<hbm>> -> memref<32x1024xf32, #tpu.memory_space<hbm>>
      tpu.enqueue_dma source(%arg6 : memref<32x1024xf32, #tpu.memory_space<vmem>>) target(%dma_start3A_146 : memref<32x1024xf32, #tpu.memory_space<hbm>>) target_semaphore(%run_scoped3A : memref<!tpu.dma_semaphore, #tpu.memory_space<semaphore_mem>>)
      %dma_wait3A_147 = arith.constant 0 : i32
      %dma_wait3A_148 = tpu.memref_slice %arg4[%add3A_131, %dma_wait3A_147] : memref<8192x1024xf32, #tpu.memory_space<hbm>> -> memref<32x1024xf32, #tpu.memory_space<hbm>>
      %dma_wait3A_149 = arith.constant 0 : i32
      %dma_wait3A_150 = tpu.memref_slice %arg4[%add3A_131, %dma_wait3A_149] : memref<8192x1024xf32, #tpu.memory_space<hbm>> -> memref<32x1024xf32, #tpu.memory_space<hbm>>
      tpu.wait_dma2 semaphore(%run_scoped3A : memref<!tpu.dma_semaphore, #tpu.memory_space<semaphore_mem>>) src(%arg6 : memref<32x1024xf32, #tpu.memory_space<vmem>>) dst(%dma_wait3A_150 : memref<32x1024xf32, #tpu.memory_space<hbm>>)
      tpu.yield
    }) : () -> ()
    %dma_wait3A_132 = arith.constant 7 : i32
    %dma_wait3A_133 = arith.constant 0 : i32
    %dma_wait3A_134 = tpu.memref_slice %arg5[%dma_wait3A_132, %dma_wait3A_133] : memref<8x32xi32, #tpu.memory_space<vmem>> -> memref<1x32xi32, #tpu.memory_space<vmem>>
    %dma_wait3A_135 = tpu.memref_squeeze %dma_wait3A_134 : memref<1x32xi32, #tpu.memory_space<vmem>> -> memref<32xi32, #tpu.memory_space<vmem>>
    %dma_wait3A_136 = arith.constant 0 : i32
    %dma_wait3A_137 = arith.constant 0 : i32
    %dma_wait3A_138 = tpu.memref_slice %arg2[%dma_wait3A_136, %dma_wait3A_137] : memref<32000x1024xf32, #tpu.memory_space<hbm>> -> memref<32000x1024xf32, #tpu.memory_space<hbm>>
    tpu.wait_indirect_dma semaphore(%arg9 : memref<!tpu.dma_semaphore, #tpu.memory_space<semaphore_mem>>) src(%dma_wait3A_138 : memref<32000x1024xf32, #tpu.memory_space<hbm>>) dst(%arg7 : memref<32x1024xf32, #tpu.memory_space<vmem>>)
    %mul3A_139 = arith.constant 256 : i32
    %mul3A_140 = arith.muli %add3A, %mul3A_139 : i32
    %add3A_141 = arith.constant 224 : i32
    %add3A_142 = arith.addi %mul3A_140, %add3A_141 : i32
    "tpu.region"() ({
      %run_scoped3A = tpu.sem_alloc : memref<!tpu.dma_semaphore, #tpu.memory_space<semaphore_mem>>
      %dma_start3A_143 = arith.constant 0 : i32
      %dma_start3A_144 = tpu.memref_slice %arg4[%add3A_142, %dma_start3A_143] : memref<8192x1024xf32, #tpu.memory_space<hbm>> -> memref<32x1024xf32, #tpu.memory_space<hbm>>
      %dma_start3A_145 = arith.constant 0 : i32
      %dma_start3A_146 = tpu.memref_slice %arg4[%add3A_142, %dma_start3A_145] : memref<8192x1024xf32, #tpu.memory_space<hbm>> -> memref<32x1024xf32, #tpu.memory_space<hbm>>
      tpu.enqueue_dma source(%arg7 : memref<32x1024xf32, #tpu.memory_space<vmem>>) target(%dma_start3A_146 : memref<32x1024xf32, #tpu.memory_space<hbm>>) target_semaphore(%run_scoped3A : memref<!tpu.dma_semaphore, #tpu.memory_space<semaphore_mem>>)
      %dma_wait3A_147 = arith.constant 0 : i32
      %dma_wait3A_148 = tpu.memref_slice %arg4[%add3A_142, %dma_wait3A_147] : memref<8192x1024xf32, #tpu.memory_space<hbm>> -> memref<32x1024xf32, #tpu.memory_space<hbm>>
      %dma_wait3A_149 = arith.constant 0 : i32
      %dma_wait3A_150 = tpu.memref_slice %arg4[%add3A_142, %dma_wait3A_149] : memref<8192x1024xf32, #tpu.memory_space<hbm>> -> memref<32x1024xf32, #tpu.memory_space<hbm>>
      tpu.wait_dma2 semaphore(%run_scoped3A : memref<!tpu.dma_semaphore, #tpu.memory_space<semaphore_mem>>) src(%arg7 : memref<32x1024xf32, #tpu.memory_space<vmem>>) dst(%dma_wait3A_150 : memref<32x1024xf32, #tpu.memory_space<hbm>>)
      tpu.yield
    }) : () -> ()
    return
  }
}

module attributes {stable_mosaic.version = 14 : i64} {
  func.func @_fused_body(%arg0: i32, %arg1: memref<1024x1024xf32, #tpu.memory_space<vmem>>, %arg2: memref<1024xf32, #tpu.memory_space<vmem>>, %arg3: memref<1024xf32, #tpu.memory_space<vmem>>, %arg4: memref<1024x1365xbf16, #tpu.memory_space<vmem>>, %arg5: memref<1365xf32, #tpu.memory_space<vmem>>, %arg6: memref<1365xbf16, #tpu.memory_space<vmem>>, %arg7: memref<1xf32, #tpu.memory_space<smem>>, %arg8: memref<64x128xi32, #tpu.memory_space<vmem>>, %arg9: memref<4x3x2048xf32, #tpu.memory_space<vmem>>, %arg10: memref<3x4x2048xf32, #tpu.memory_space<vmem>>, %arg11: memref<4x2048xf32, #tpu.memory_space<vmem>>, %arg12: memref<4x2048xf32, #tpu.memory_space<vmem>>) attributes {dimension_semantics = [#tpu.dimension_semantics<arbitrary>], iteration_bounds = array<i64: 9>, scalar_prefetch = 0 : i64, scratch_operands = 1 : i64, tpu.core_type = #tpu.core_type<tc>, window_params = [{transform_indices = @transform_0, window_bounds = array<i64: 1024, 1024>}, {pipeline_mode = #tpu.pipeline_mode<synchronous>, transform_indices = @transform_1, window_bounds = array<i64: 1024>}, {pipeline_mode = #tpu.pipeline_mode<synchronous>, transform_indices = @transform_2, window_bounds = array<i64: 1024>}, {pipeline_mode = #tpu.pipeline_mode<synchronous>, transform_indices = @transform_3, window_bounds = array<i64: 1024, 1365>}, {pipeline_mode = #tpu.pipeline_mode<synchronous>, transform_indices = @transform_4, window_bounds = array<i64: 1365>}, {pipeline_mode = #tpu.pipeline_mode<synchronous>, transform_indices = @transform_5, window_bounds = array<i64: 1365>}, {transform_indices = @transform_6, window_bounds = array<i64: 1>}, {pipeline_mode = #tpu.pipeline_mode<synchronous>, transform_indices = @transform_7, window_bounds = array<i64: 64, 128>}, {pipeline_mode = #tpu.pipeline_mode<synchronous>, transform_indices = @transform_8, window_bounds = array<i64: 4, 3, 2048>}, {pipeline_mode = #tpu.pipeline_mode<synchronous>, transform_indices = @transform_9, window_bounds = array<i64: 3, 4, 2048>}, {pipeline_mode = #tpu.pipeline_mode<synchronous>, transform_indices = @transform_10, window_bounds = array<i64: 4, 2048>}]} {
    %lt3A = arith.constant 8 : i32
    %lt3A_0 = arith.cmpi slt, %arg0, %lt3A : i32
    %convert_element_type3A = arith.extui %lt3A_0 : i1 to i32
    %cond3A = arith.constant 0 : i32
    %cond3A_1 = arith.cmpi ne, %convert_element_type3A, %cond3A : i32
    scf.if %cond3A_1 {
      %get3A = arith.constant 0 : index
      %get3A_6 = arith.constant 0 : index
      %get3A_7 = vector.load %arg1[%get3A, %get3A_6] : memref<1024x1024xf32, #tpu.memory_space<vmem>>, vector<1024x1024xf32>
      %get3A_8 = arith.constant 0 : index
      %get3A_9 = vector.load %arg2[%get3A_8] : memref<1024xf32, #tpu.memory_space<vmem>>, vector<1024xf32>
      %get3A_10 = arith.constant 0 : index
      %get3A_11 = vector.load %arg3[%get3A_10] : memref<1024xf32, #tpu.memory_space<vmem>>, vector<1024xf32>
      %get3A_12 = arith.constant 0 : index
      %get3A_13 = arith.constant 0 : index
      %get3A_14 = vector.load %arg4[%get3A_12, %get3A_13] : memref<1024x1365xbf16, #tpu.memory_space<vmem>>, vector<1024x1365xbf16>
      %get3A_15 = arith.constant 0 : index
      %get3A_16 = vector.load %arg5[%get3A_15] : memref<1365xf32, #tpu.memory_space<vmem>>, vector<1365xf32>
      %get3A_17 = arith.constant 0 : index
      %get3A_18 = vector.load %arg6[%get3A_17] : memref<1365xbf16, #tpu.memory_space<vmem>>, vector<1365xbf16>
      %get3A_19 = arith.constant 0 : index
      %get3A_20 = memref.load %arg7[%get3A_19] : memref<1xf32, #tpu.memory_space<smem>>
      %reduce_sum3A = arith.constant dense<0.000000e+00> : vector<1024xf32>
      %reduce_sum3A_21 = vector.multi_reduction <add>, %get3A_7, %reduce_sum3A [1] : vector<1024x1024xf32> to vector<1024xf32>
      %broadcast_in_dim3A = vector.shape_cast %reduce_sum3A_21 : vector<1024xf32> to vector<1024x1xf32>
      %div3A = arith.constant 1.024000e+03 : f32
      %div3A_22 = vector.broadcast %div3A : f32 to vector<1024x1xf32>
      %div3A_23 = arith.divf %broadcast_in_dim3A, %div3A_22 : vector<1024x1xf32>
      %sub3A = vector.broadcast %div3A_23 : vector<1024x1xf32> to vector<1024x1024xf32>
      %sub3A_24 = arith.subf %get3A_7, %sub3A : vector<1024x1024xf32>
      %square3A = arith.mulf %sub3A_24, %sub3A_24 : vector<1024x1024xf32>
      %reduce_sum3A_25 = arith.constant dense<0.000000e+00> : vector<1024xf32>
      %reduce_sum3A_26 = vector.multi_reduction <add>, %square3A, %reduce_sum3A_25 [1] : vector<1024x1024xf32> to vector<1024xf32>
      %broadcast_in_dim3A_27 = vector.shape_cast %reduce_sum3A_26 : vector<1024xf32> to vector<1024x1xf32>
      %div3A_28 = arith.constant 1.024000e+03 : f32
      %div3A_29 = vector.broadcast %div3A_28 : f32 to vector<1024x1xf32>
      %div3A_30 = arith.divf %broadcast_in_dim3A_27, %div3A_29 : vector<1024x1xf32>
      %sub3A_31 = vector.broadcast %div3A_23 : vector<1024x1xf32> to vector<1024x1024xf32>
      %sub3A_32 = arith.subf %get3A_7, %sub3A_31 : vector<1024x1024xf32>
      %add3A = arith.constant 9.99999974E-6 : f32
      %add3A_33 = vector.broadcast %add3A : f32 to vector<1024x1xf32>
      %add3A_34 = arith.addf %div3A_30, %add3A_33 : vector<1024x1xf32>
      %sqrt3A = math.sqrt %add3A_34 : vector<1024x1xf32>
      %div3A_35 = vector.broadcast %sqrt3A : vector<1024x1xf32> to vector<1024x1024xf32>
      %div3A_36 = arith.divf %sub3A_32, %div3A_35 : vector<1024x1024xf32>
      %broadcast_in_dim3A_37 = vector.shape_cast %get3A_9 : vector<1024xf32> to vector<1x1024xf32>
      %mul3A = vector.broadcast %broadcast_in_dim3A_37 : vector<1x1024xf32> to vector<1024x1024xf32>
      %mul3A_38 = arith.mulf %div3A_36, %mul3A : vector<1024x1024xf32>
      %broadcast_in_dim3A_39 = vector.shape_cast %get3A_11 : vector<1024xf32> to vector<1x1024xf32>
      %add3A_40 = vector.broadcast %broadcast_in_dim3A_39 : vector<1x1024xf32> to vector<1024x1024xf32>
      %add3A_41 = arith.addf %mul3A_38, %add3A_40 : vector<1024x1024xf32>
      %convert_element_type3A_42 = arith.truncf %add3A_41 : vector<1024x1024xf32> to vector<1024x1024xbf16>
      %dot_general3A = arith.constant dense<0.000000e+00> : vector<1024x1365xf32>
      %dot_general3A_43 = tpu.matmul %convert_element_type3A_42, %get3A_14, %dot_general3A {dimension_numbers = #tpu.dot_dimension_numbers<[1], [0], [0], [1], [0, 0, 1, 1], [], []>, transpose_lhs_hint = false} : vector<1024x1024xbf16>, vector<1024x1365xbf16>, vector<1024x1365xf32> -> vector<1024x1365xf32>
      %broadcast_in_dim3A_44 = vector.shape_cast %get3A_16 : vector<1365xf32> to vector<1x1365xf32>
      %add3A_45 = vector.broadcast %broadcast_in_dim3A_44 : vector<1x1365xf32> to vector<1024x1365xf32>
      %add3A_46 = arith.addf %dot_general3A_43, %add3A_45 : vector<1024x1365xf32>
      %mul3A_47 = arith.constant 5.000000e-01 : f32
      %mul3A_48 = vector.broadcast %mul3A_47 : f32 to vector<1024x1365xf32>
      %mul3A_49 = arith.mulf %mul3A_48, %add3A_46 : vector<1024x1365xf32>
      %div3A_50 = arith.constant 1.41421354 : f32
      %div3A_51 = vector.broadcast %div3A_50 : f32 to vector<1024x1365xf32>
      %div3A_52 = arith.divf %add3A_46, %div3A_51 : vector<1024x1365xf32>
      %erf3A = math.erf %div3A_52 : vector<1024x1365xf32>
      %add3A_53 = arith.constant 1.000000e+00 : f32
      %add3A_54 = vector.broadcast %add3A_53 : f32 to vector<1024x1365xf32>
      %add3A_55 = arith.addf %add3A_54, %erf3A : vector<1024x1365xf32>
      %mul3A_56 = arith.mulf %mul3A_49, %add3A_55 : vector<1024x1365xf32>
      %convert_element_type3A_57 = arith.truncf %mul3A_56 : vector<1024x1365xf32> to vector<1024x1365xbf16>
      %convert_element_type3A_58 = arith.extf %convert_element_type3A_57 : vector<1024x1365xbf16> to vector<1024x1365xf32>
      %convert_element_type3A_59 = arith.extf %get3A_18 : vector<1365xbf16> to vector<1365xf32>
      %broadcast_in_dim3A_60 = vector.shape_cast %convert_element_type3A_59 : vector<1365xf32> to vector<1x1365xf32>
      %mul3A_61 = vector.broadcast %broadcast_in_dim3A_60 : vector<1x1365xf32> to vector<1024x1365xf32>
      %mul3A_62 = arith.mulf %convert_element_type3A_58, %mul3A_61 : vector<1024x1365xf32>
      %reduce_sum3A_63 = arith.constant dense<0.000000e+00> : vector<1024xf32>
      %reduce_sum3A_64 = vector.multi_reduction <add>, %mul3A_62, %reduce_sum3A_63 [1] : vector<1024x1365xf32> to vector<1024xf32>
      %add3A_65 = vector.broadcast %get3A_20 : f32 to vector<1024xf32>
      %add3A_66 = arith.addf %reduce_sum3A_64, %add3A_65 : vector<1024xf32>
      %reshape3A = vector.shape_cast %add3A_66 : vector<1024xf32> to vector<1x1024xf32>
      %jit3A = arith.constant 2 : i32
      %div3A_67 = arith.divsi %arg0, %jit3A : i32
      %sign3A = arith.constant 0 : i32
      %sign3A_68 = arith.cmpi sgt, %arg0, %sign3A : i32
      %sign3A_69 = arith.extui %sign3A_68 : i1 to i32
      %sign3A_70 = arith.constant 0 : i32
      %sign3A_71 = arith.cmpi slt, %arg0, %sign3A_70 : i32
      %sign3A_72 = arith.extui %sign3A_71 : i1 to i32
      %sign3A_73 = arith.subi %sign3A_69, %sign3A_72 : i32
      %sign3A_74 = arith.constant 0 : i32
      %sign3A_75 = arith.cmpi sgt, %jit3A, %sign3A_74 : i32
      %sign3A_76 = arith.extui %sign3A_75 : i1 to i32
      %sign3A_77 = arith.constant 0 : i32
      %sign3A_78 = arith.cmpi slt, %jit3A, %sign3A_77 : i32
      %sign3A_79 = arith.extui %sign3A_78 : i1 to i32
      %sign3A_80 = arith.subi %sign3A_76, %sign3A_79 : i32
      %ne3A = arith.cmpi ne, %sign3A_73, %sign3A_80 : i32
      %rem3A = arith.remsi %arg0, %jit3A : i32
      %ne3A_81 = arith.constant 0 : i32
      %ne3A_82 = arith.cmpi ne, %rem3A, %ne3A_81 : i32
      %and3A = arith.andi %ne3A, %ne3A_82 : i1
      %sub3A_83 = arith.constant 1 : i32
      %sub3A_84 = arith.subi %div3A_67, %sub3A_83 : i32
      %select_n3A = arith.select %and3A, %sub3A_84, %div3A_67 : i32
      %jit3A_85 = arith.constant 2 : i32
      %eq3A_86 = arith.constant 0 : i32
      %eq3A_87 = arith.cmpi eq, %jit3A_85, %eq3A_86 : i32
      %jit3A_88 = arith.constant 1 : i32
      %select_n3A_89 = arith.select %eq3A_87, %jit3A_88, %jit3A_85 : i32
      %rem3A_90 = arith.remsi %arg0, %select_n3A_89 : i32
      %ne3A_91 = arith.constant 0 : i32
      %ne3A_92 = arith.cmpi ne, %rem3A_90, %ne3A_91 : i32
      %lt3A_93 = arith.constant 0 : i32
      %lt3A_94 = arith.cmpi slt, %rem3A_90, %lt3A_93 : i32
      %lt3A_95 = arith.constant 0 : i32
      %lt3A_96 = arith.cmpi slt, %select_n3A_89, %lt3A_95 : i32
      %ne3A_97 = arith.xori %lt3A_94, %lt3A_96 : i1
      %and3A_98 = arith.andi %ne3A_97, %ne3A_92 : i1
      %add3A_99 = arith.addi %rem3A_90, %select_n3A_89 : i32
      %select_n3A_100 = arith.select %and3A_98, %add3A_99, %rem3A_90 : i32
      %mul3A_101 = arith.constant 1024 : i32
      %mul3A_102 = arith.muli %select_n3A_100, %mul3A_101 : i32
      %swap3A = arith.index_cast %select_n3A : i32 to index
      %swap3A_103 = arith.index_cast %mul3A_102 : i32 to index
      %swap3A_104 = vector.load %arg12[%swap3A, %swap3A_103] : memref<4x2048xf32, #tpu.memory_space<vmem>>, vector<1x1024xf32>
      tpu.vector_store %arg12[%swap3A, %swap3A_103], %reshape3A {strides = array<i32>} : memref<4x2048xf32, #tpu.memory_space<vmem>>, vector<1x1024xf32>,
    } else {
    }
    %eq3A = arith.constant 8 : i32
    %eq3A_2 = arith.cmpi eq, %arg0, %eq3A : i32
    %convert_element_type3A_3 = arith.extui %eq3A_2 : i1 to i32
    %cond3A_4 = arith.constant 0 : i32
    %cond3A_5 = arith.cmpi ne, %convert_element_type3A_3, %cond3A_4 : i32
    scf.if %cond3A_5 {
      %get3A = arith.constant 0 : index
      %get3A_6 = arith.constant 0 : index
      %get3A_7 = vector.load %arg12[%get3A, %get3A_6] : memref<4x2048xf32, #tpu.memory_space<vmem>>, vector<4x2048xf32>
      %get3A_8 = arith.constant 0 : index
      %get3A_9 = arith.constant 0 : index
      %get3A_10 = vector.load %arg8[%get3A_8, %get3A_9] : memref<64x128xi32, #tpu.memory_space<vmem>>, vector<64x128xi32>
      %concatenate3A = tpu.concatenate %get3A_7, %get3A_7, %get3A_7, %get3A_7, %get3A_7, %get3A_7, %get3A_7, %get3A_7, %get3A_7, %get3A_7, %get3A_7, %get3A_7, %get3A_7, %get3A_7, %get3A_7, %get3A_7 in 0 : vector<4x2048xf32>, vector<4x2048xf32>, vector<4x2048xf32>, vector<4x2048xf32>, vector<4x2048xf32>, vector<4x2048xf32>, vector<4x2048xf32>, vector<4x2048xf32>, vector<4x2048xf32>, vector<4x2048xf32>, vector<4x2048xf32>, vector<4x2048xf32>, vector<4x2048xf32>, vector<4x2048xf32>, vector<4x2048xf32>, vector<4x2048xf32> -> vector<64x2048xf32>
      %slice3A = vector.extract_strided_slice %get3A_10 {offsets = [0, 0], sizes = [64, 1], strides = [1, 1]} : vector<64x128xi32> to vector<64x1xi32>
      %slice3A_11 = vector.extract_strided_slice %get3A_10 {offsets = [0, 1], sizes = [64, 1], strides = [1, 1]} : vector<64x128xi32> to vector<64x1xi32>
      %xor3A = arith.xori %slice3A, %slice3A_11 : vector<64x1xi32>
      %xor3A_12 = arith.constant 466688986 : i32
      %xor3A_13 = vector.broadcast %xor3A_12 : i32 to vector<64x1xi32>
      %xor3A_14 = arith.xori %xor3A, %xor3A_13 : vector<64x1xi32>
      %iota3A = tpu.iota {dimensions = array<i32: 0>} : vector<64x2048xi32>
      %iota3A_15 = tpu.iota {dimensions = array<i32: 1>} : vector<64x2048xi32>
      %jit3A = arith.constant 4 : i32
      %eq3A_16 = arith.constant 0 : i32
      %eq3A_17 = arith.cmpi eq, %jit3A, %eq3A_16 : i32
      %jit3A_18 = arith.constant 1 : i32
      %select_n3A = arith.select %eq3A_17, %jit3A_18, %jit3A : i32
      %rem3A = vector.broadcast %select_n3A : i32 to vector<64x2048xi32>
      %rem3A_19 = arith.remsi %iota3A, %rem3A : vector<64x2048xi32>
      %ne3A = arith.constant 0 : i32
      %ne3A_20 = vector.broadcast %ne3A : i32 to vector<64x2048xi32>
      %ne3A_21 = arith.cmpi ne, %rem3A_19, %ne3A_20 : vector<64x2048xi32>
      %lt3A_22 = arith.constant 0 : i32
      %lt3A_23 = vector.broadcast %lt3A_22 : i32 to vector<64x2048xi32>
      %lt3A_24 = arith.cmpi slt, %rem3A_19, %lt3A_23 : vector<64x2048xi32>
      %lt3A_25 = arith.constant 0 : i32
      %lt3A_26 = arith.cmpi slt, %select_n3A, %lt3A_25 : i32
      %ne3A_27 = vector.broadcast %lt3A_26 : i1 to vector<64x2048xi1>
      %ne3A_28 = vector.broadcast %ne3A_27 : vector<64x2048xi1> to vector<64x2048xi1>
      %ne3A_29 = arith.xori %lt3A_24, %ne3A_28 : vector<64x2048xi1>
      %and3A = arith.andi %ne3A_29, %ne3A_21 : vector<64x2048xi1>
      %add3A = vector.broadcast %select_n3A : i32 to vector<64x2048xi32>
      %add3A_30 = arith.addi %rem3A_19, %add3A : vector<64x2048xi32>
      %select_n3A_31 = arith.select %and3A, %add3A_30, %rem3A_19 : vector<64x2048xi1>, vector<64x2048xi32>
      %mul3A = arith.constant 2048 : i32
      %mul3A_32 = vector.broadcast %mul3A : i32 to vector<64x2048xi32>
      %mul3A_33 = arith.muli %select_n3A_31, %mul3A_32 : vector<64x2048xi32>
      %add3A_34 = arith.addi %mul3A_33, %iota3A_15 : vector<64x2048xi32>
      %broadcast_in_dim3A = vector.shape_cast %slice3A : vector<64x1xi32> to vector<64x1xi32>
      %broadcast_in_dim3A_35 = vector.broadcast %broadcast_in_dim3A : vector<64x1xi32> to vector<64x2048xi32>
      %add3A_36 = vector.broadcast %slice3A_11 : vector<64x1xi32> to vector<64x2048xi32>
      %add3A_37 = arith.addi %add3A_34, %add3A_36 : vector<64x2048xi32>
      %add3A_38 = arith.addi %broadcast_in_dim3A_35, %add3A_37 : vector<64x2048xi32>
      %shift_left3A = arith.constant 13 : i32
      %shift_left3A_39 = vector.broadcast %shift_left3A : i32 to vector<64x2048xi32>
      %shift_left3A_40 = arith.shli %add3A_37, %shift_left3A_39 : vector<64x2048xi32>
      %shift_right_logical3A = arith.constant 19 : i32
      %shift_right_logical3A_41 = vector.broadcast %shift_right_logical3A : i32 to vector<64x2048xi32>
      %shift_right_logical3A_42 = arith.shrui %add3A_37, %shift_right_logical3A_41 : vector<64x2048xi32>
      %or3A = arith.ori %shift_left3A_40, %shift_right_logical3A_42 : vector<64x2048xi32>
      %xor3A_43 = arith.xori %or3A, %add3A_38 : vector<64x2048xi32>
      %add3A_44 = arith.addi %add3A_38, %xor3A_43 : vector<64x2048xi32>
      %shift_left3A_45 = arith.constant 15 : i32
      %shift_left3A_46 = vector.broadcast %shift_left3A_45 : i32 to vector<64x2048xi32>
      %shift_left3A_47 = arith.shli %xor3A_43, %shift_left3A_46 : vector<64x2048xi32>
      %shift_right_logical3A_48 = arith.constant 17 : i32
      %shift_right_logical3A_49 = vector.broadcast %shift_right_logical3A_48 : i32 to vector<64x2048xi32>
      %shift_right_logical3A_50 = arith.shrui %xor3A_43, %shift_right_logical3A_49 : vector<64x2048xi32>
      %or3A_51 = arith.ori %shift_left3A_47, %shift_right_logical3A_50 : vector<64x2048xi32>
      %xor3A_52 = arith.xori %or3A_51, %add3A_44 : vector<64x2048xi32>
      %add3A_53 = arith.addi %add3A_44, %xor3A_52 : vector<64x2048xi32>
      %shift_left3A_54 = arith.constant 26 : i32
      %shift_left3A_55 = vector.broadcast %shift_left3A_54 : i32 to vector<64x2048xi32>
      %shift_left3A_56 = arith.shli %xor3A_52, %shift_left3A_55 : vector<64x2048xi32>
      %shift_right_logical3A_57 = arith.constant 6 : i32
      %shift_right_logical3A_58 = vector.broadcast %shift_right_logical3A_57 : i32 to vector<64x2048xi32>
      %shift_right_logical3A_59 = arith.shrui %xor3A_52, %shift_right_logical3A_58 : vector<64x2048xi32>
      %or3A_60 = arith.ori %shift_left3A_56, %shift_right_logical3A_59 : vector<64x2048xi32>
      %xor3A_61 = arith.xori %or3A_60, %add3A_53 : vector<64x2048xi32>
      %add3A_62 = arith.addi %add3A_53, %xor3A_61 : vector<64x2048xi32>
      %shift_left3A_63 = arith.constant 6 : i32
      %shift_left3A_64 = vector.broadcast %shift_left3A_63 : i32 to vector<64x2048xi32>
      %shift_left3A_65 = arith.shli %xor3A_61, %shift_left3A_64 : vector<64x2048xi32>
      %shift_right_logical3A_66 = arith.constant 26 : i32
      %shift_right_logical3A_67 = vector.broadcast %shift_right_logical3A_66 : i32 to vector<64x2048xi32>
      %shift_right_logical3A_68 = arith.shrui %xor3A_61, %shift_right_logical3A_67 : vector<64x2048xi32>
      %or3A_69 = arith.ori %shift_left3A_65, %shift_right_logical3A_68 : vector<64x2048xi32>
      %xor3A_70 = arith.xori %or3A_69, %add3A_62 : vector<64x2048xi32>
      %add3A_71 = vector.broadcast %slice3A_11 : vector<64x1xi32> to vector<64x2048xi32>
      %add3A_72 = arith.addi %add3A_62, %add3A_71 : vector<64x2048xi32>
      %add3A_73 = vector.broadcast %xor3A_14 : vector<64x1xi32> to vector<64x2048xi32>
      %add3A_74 = arith.addi %xor3A_70, %add3A_73 : vector<64x2048xi32>
      %add3A_75 = arith.constant 1 : i32
      %add3A_76 = vector.broadcast %add3A_75 : i32 to vector<64x2048xi32>
      %add3A_77 = arith.addi %add3A_74, %add3A_76 : vector<64x2048xi32>
      %add3A_78 = arith.addi %add3A_72, %add3A_77 : vector<64x2048xi32>
      %shift_left3A_79 = arith.constant 17 : i32
      %shift_left3A_80 = vector.broadcast %shift_left3A_79 : i32 to vector<64x2048xi32>
      %shift_left3A_81 = arith.shli %add3A_77, %shift_left3A_80 : vector<64x2048xi32>
      %shift_right_logical3A_82 = arith.constant 15 : i32
      %shift_right_logical3A_83 = vector.broadcast %shift_right_logical3A_82 : i32 to vector<64x2048xi32>
      %shift_right_logical3A_84 = arith.shrui %add3A_77, %shift_right_logical3A_83 : vector<64x2048xi32>
      %or3A_85 = arith.ori %shift_left3A_81, %shift_right_logical3A_84 : vector<64x2048xi32>
      %xor3A_86 = arith.xori %or3A_85, %add3A_78 : vector<64x2048xi32>
      %add3A_87 = arith.addi %add3A_78, %xor3A_86 : vector<64x2048xi32>
      %shift_left3A_88 = arith.constant 29 : i32
      %shift_left3A_89 = vector.broadcast %shift_left3A_88 : i32 to vector<64x2048xi32>
      %shift_left3A_90 = arith.shli %xor3A_86, %shift_left3A_89 : vector<64x2048xi32>
      %shift_right_logical3A_91 = arith.constant 3 : i32
      %shift_right_logical3A_92 = vector.broadcast %shift_right_logical3A_91 : i32 to vector<64x2048xi32>
      %shift_right_logical3A_93 = arith.shrui %xor3A_86, %shift_right_logical3A_92 : vector<64x2048xi32>
      %or3A_94 = arith.ori %shift_left3A_90, %shift_right_logical3A_93 : vector<64x2048xi32>
      %xor3A_95 = arith.xori %or3A_94, %add3A_87 : vector<64x2048xi32>
      %add3A_96 = arith.addi %add3A_87, %xor3A_95 : vector<64x2048xi32>
      %shift_left3A_97 = arith.constant 16 : i32
      %shift_left3A_98 = vector.broadcast %shift_left3A_97 : i32 to vector<64x2048xi32>
      %shift_left3A_99 = arith.shli %xor3A_95, %shift_left3A_98 : vector<64x2048xi32>
      %shift_right_logical3A_100 = arith.constant 16 : i32
      %shift_right_logical3A_101 = vector.broadcast %shift_right_logical3A_100 : i32 to vector<64x2048xi32>
      %shift_right_logical3A_102 = arith.shrui %xor3A_95, %shift_right_logical3A_101 : vector<64x2048xi32>
      %or3A_103 = arith.ori %shift_left3A_99, %shift_right_logical3A_102 : vector<64x2048xi32>
      %xor3A_104 = arith.xori %or3A_103, %add3A_96 : vector<64x2048xi32>
      %add3A_105 = arith.addi %add3A_96, %xor3A_104 : vector<64x2048xi32>
      %shift_left3A_106 = arith.constant 24 : i32
      %shift_left3A_107 = vector.broadcast %shift_left3A_106 : i32 to vector<64x2048xi32>
      %shift_left3A_108 = arith.shli %xor3A_104, %shift_left3A_107 : vector<64x2048xi32>
      %shift_right_logical3A_109 = arith.constant 8 : i32
      %shift_right_logical3A_110 = vector.broadcast %shift_right_logical3A_109 : i32 to vector<64x2048xi32>
      %shift_right_logical3A_111 = arith.shrui %xor3A_104, %shift_right_logical3A_110 : vector<64x2048xi32>
      %or3A_112 = arith.ori %shift_left3A_108, %shift_right_logical3A_111 : vector<64x2048xi32>
      %xor3A_113 = arith.xori %or3A_112, %add3A_105 : vector<64x2048xi32>
      %add3A_114 = vector.broadcast %xor3A_14 : vector<64x1xi32> to vector<64x2048xi32>
      %add3A_115 = arith.addi %add3A_105, %add3A_114 : vector<64x2048xi32>
      %add3A_116 = vector.broadcast %slice3A : vector<64x1xi32> to vector<64x2048xi32>
      %add3A_117 = arith.addi %xor3A_113, %add3A_116 : vector<64x2048xi32>
      %add3A_118 = arith.constant 2 : i32
      %add3A_119 = vector.broadcast %add3A_118 : i32 to vector<64x2048xi32>
      %add3A_120 = arith.addi %add3A_117, %add3A_119 : vector<64x2048xi32>
      %add3A_121 = arith.addi %add3A_115, %add3A_120 : vector<64x2048xi32>
      %shift_left3A_122 = arith.constant 13 : i32
      %shift_left3A_123 = vector.broadcast %shift_left3A_122 : i32 to vector<64x2048xi32>
      %shift_left3A_124 = arith.shli %add3A_120, %shift_left3A_123 : vector<64x2048xi32>
      %shift_right_logical3A_125 = arith.constant 19 : i32
      %shift_right_logical3A_126 = vector.broadcast %shift_right_logical3A_125 : i32 to vector<64x2048xi32>
      %shift_right_logical3A_127 = arith.shrui %add3A_120, %shift_right_logical3A_126 : vector<64x2048xi32>
      %or3A_128 = arith.ori %shift_left3A_124, %shift_right_logical3A_127 : vector<64x2048xi32>
      %xor3A_129 = arith.xori %or3A_128, %add3A_121 : vector<64x2048xi32>
      %add3A_130 = arith.addi %add3A_121, %xor3A_129 : vector<64x2048xi32>
      %shift_left3A_131 = arith.constant 15 : i32
      %shift_left3A_132 = vector.broadcast %shift_left3A_131 : i32 to vector<64x2048xi32>
      %shift_left3A_133 = arith.shli %xor3A_129, %shift_left3A_132 : vector<64x2048xi32>
      %shift_right_logical3A_134 = arith.constant 17 : i32
      %shift_right_logical3A_135 = vector.broadcast %shift_right_logical3A_134 : i32 to vector<64x2048xi32>
      %shift_right_logical3A_136 = arith.shrui %xor3A_129, %shift_right_logical3A_135 : vector<64x2048xi32>
      %or3A_137 = arith.ori %shift_left3A_133, %shift_right_logical3A_136 : vector<64x2048xi32>
      %xor3A_138 = arith.xori %or3A_137, %add3A_130 : vector<64x2048xi32>
      %add3A_139 = arith.addi %add3A_130, %xor3A_138 : vector<64x2048xi32>
      %shift_left3A_140 = arith.constant 26 : i32
      %shift_left3A_141 = vector.broadcast %shift_left3A_140 : i32 to vector<64x2048xi32>
      %shift_left3A_142 = arith.shli %xor3A_138, %shift_left3A_141 : vector<64x2048xi32>
      %shift_right_logical3A_143 = arith.constant 6 : i32
      %shift_right_logical3A_144 = vector.broadcast %shift_right_logical3A_143 : i32 to vector<64x2048xi32>
      %shift_right_logical3A_145 = arith.shrui %xor3A_138, %shift_right_logical3A_144 : vector<64x2048xi32>
      %or3A_146 = arith.ori %shift_left3A_142, %shift_right_logical3A_145 : vector<64x2048xi32>
      %xor3A_147 = arith.xori %or3A_146, %add3A_139 : vector<64x2048xi32>
      %add3A_148 = arith.addi %add3A_139, %xor3A_147 : vector<64x2048xi32>
      %shift_left3A_149 = arith.constant 6 : i32
      %shift_left3A_150 = vector.broadcast %shift_left3A_149 : i32 to vector<64x2048xi32>
      %shift_left3A_151 = arith.shli %xor3A_147, %shift_left3A_150 : vector<64x2048xi32>
      %shift_right_logical3A_152 = arith.constant 26 : i32
      %shift_right_logical3A_153 = vector.broadcast %shift_right_logical3A_152 : i32 to vector<64x2048xi32>
      %shift_right_logical3A_154 = arith.shrui %xor3A_147, %shift_right_logical3A_153 : vector<64x2048xi32>
      %or3A_155 = arith.ori %shift_left3A_151, %shift_right_logical3A_154 : vector<64x2048xi32>
      %xor3A_156 = arith.xori %or3A_155, %add3A_148 : vector<64x2048xi32>
      %add3A_157 = vector.broadcast %slice3A : vector<64x1xi32> to vector<64x2048xi32>
      %add3A_158 = arith.addi %add3A_148, %add3A_157 : vector<64x2048xi32>
      %add3A_159 = vector.broadcast %slice3A_11 : vector<64x1xi32> to vector<64x2048xi32>
      %add3A_160 = arith.addi %xor3A_156, %add3A_159 : vector<64x2048xi32>
      %add3A_161 = arith.constant 3 : i32
      %add3A_162 = vector.broadcast %add3A_161 : i32 to vector<64x2048xi32>
      %add3A_163 = arith.addi %add3A_160, %add3A_162 : vector<64x2048xi32>
      %add3A_164 = arith.addi %add3A_158, %add3A_163 : vector<64x2048xi32>
      %shift_left3A_165 = arith.constant 17 : i32
      %shift_left3A_166 = vector.broadcast %shift_left3A_165 : i32 to vector<64x2048xi32>
      %shift_left3A_167 = arith.shli %add3A_163, %shift_left3A_166 : vector<64x2048xi32>
      %shift_right_logical3A_168 = arith.constant 15 : i32
      %shift_right_logical3A_169 = vector.broadcast %shift_right_logical3A_168 : i32 to vector<64x2048xi32>
      %shift_right_logical3A_170 = arith.shrui %add3A_163, %shift_right_logical3A_169 : vector<64x2048xi32>
      %or3A_171 = arith.ori %shift_left3A_167, %shift_right_logical3A_170 : vector<64x2048xi32>
      %xor3A_172 = arith.xori %or3A_171, %add3A_164 : vector<64x2048xi32>
      %add3A_173 = arith.addi %add3A_164, %xor3A_172 : vector<64x2048xi32>
      %shift_left3A_174 = arith.constant 29 : i32
      %shift_left3A_175 = vector.broadcast %shift_left3A_174 : i32 to vector<64x2048xi32>
      %shift_left3A_176 = arith.shli %xor3A_172, %shift_left3A_175 : vector<64x2048xi32>
      %shift_right_logical3A_177 = arith.constant 3 : i32
      %shift_right_logical3A_178 = vector.broadcast %shift_right_logical3A_177 : i32 to vector<64x2048xi32>
      %shift_right_logical3A_179 = arith.shrui %xor3A_172, %shift_right_logical3A_178 : vector<64x2048xi32>
      %or3A_180 = arith.ori %shift_left3A_176, %shift_right_logical3A_179 : vector<64x2048xi32>
      %xor3A_181 = arith.xori %or3A_180, %add3A_173 : vector<64x2048xi32>
      %add3A_182 = arith.addi %add3A_173, %xor3A_181 : vector<64x2048xi32>
      %shift_left3A_183 = arith.constant 16 : i32
      %shift_left3A_184 = vector.broadcast %shift_left3A_183 : i32 to vector<64x2048xi32>
      %shift_left3A_185 = arith.shli %xor3A_181, %shift_left3A_184 : vector<64x2048xi32>
      %shift_right_logical3A_186 = arith.constant 16 : i32
      %shift_right_logical3A_187 = vector.broadcast %shift_right_logical3A_186 : i32 to vector<64x2048xi32>
      %shift_right_logical3A_188 = arith.shrui %xor3A_181, %shift_right_logical3A_187 : vector<64x2048xi32>
      %or3A_189 = arith.ori %shift_left3A_185, %shift_right_logical3A_188 : vector<64x2048xi32>
      %xor3A_190 = arith.xori %or3A_189, %add3A_182 : vector<64x2048xi32>
      %add3A_191 = arith.addi %add3A_182, %xor3A_190 : vector<64x2048xi32>
      %shift_left3A_192 = arith.constant 24 : i32
      %shift_left3A_193 = vector.broadcast %shift_left3A_192 : i32 to vector<64x2048xi32>
      %shift_left3A_194 = arith.shli %xor3A_190, %shift_left3A_193 : vector<64x2048xi32>
      %shift_right_logical3A_195 = arith.constant 8 : i32
      %shift_right_logical3A_196 = vector.broadcast %shift_right_logical3A_195 : i32 to vector<64x2048xi32>
      %shift_right_logical3A_197 = arith.shrui %xor3A_190, %shift_right_logical3A_196 : vector<64x2048xi32>
      %or3A_198 = arith.ori %shift_left3A_194, %shift_right_logical3A_197 : vector<64x2048xi32>
      %xor3A_199 = arith.xori %or3A_198, %add3A_191 : vector<64x2048xi32>
      %add3A_200 = vector.broadcast %slice3A_11 : vector<64x1xi32> to vector<64x2048xi32>
      %add3A_201 = arith.addi %add3A_191, %add3A_200 : vector<64x2048xi32>
      %add3A_202 = vector.broadcast %xor3A_14 : vector<64x1xi32> to vector<64x2048xi32>
      %add3A_203 = arith.addi %xor3A_199, %add3A_202 : vector<64x2048xi32>
      %add3A_204 = arith.constant 4 : i32
      %add3A_205 = vector.broadcast %add3A_204 : i32 to vector<64x2048xi32>
      %add3A_206 = arith.addi %add3A_203, %add3A_205 : vector<64x2048xi32>
      %add3A_207 = arith.addi %add3A_201, %add3A_206 : vector<64x2048xi32>
      %shift_left3A_208 = arith.constant 13 : i32
      %shift_left3A_209 = vector.broadcast %shift_left3A_208 : i32 to vector<64x2048xi32>
      %shift_left3A_210 = arith.shli %add3A_206, %shift_left3A_209 : vector<64x2048xi32>
      %shift_right_logical3A_211 = arith.constant 19 : i32
      %shift_right_logical3A_212 = vector.broadcast %shift_right_logical3A_211 : i32 to vector<64x2048xi32>
      %shift_right_logical3A_213 = arith.shrui %add3A_206, %shift_right_logical3A_212 : vector<64x2048xi32>
      %or3A_214 = arith.ori %shift_left3A_210, %shift_right_logical3A_213 : vector<64x2048xi32>
      %xor3A_215 = arith.xori %or3A_214, %add3A_207 : vector<64x2048xi32>
      %add3A_216 = arith.addi %add3A_207, %xor3A_215 : vector<64x2048xi32>
      %shift_left3A_217 = arith.constant 15 : i32
      %shift_left3A_218 = vector.broadcast %shift_left3A_217 : i32 to vector<64x2048xi32>
      %shift_left3A_219 = arith.shli %xor3A_215, %shift_left3A_218 : vector<64x2048xi32>
      %shift_right_logical3A_220 = arith.constant 17 : i32
      %shift_right_logical3A_221 = vector.broadcast %shift_right_logical3A_220 : i32 to vector<64x2048xi32>
      %shift_right_logical3A_222 = arith.shrui %xor3A_215, %shift_right_logical3A_221 : vector<64x2048xi32>
      %or3A_223 = arith.ori %shift_left3A_219, %shift_right_logical3A_222 : vector<64x2048xi32>
      %xor3A_224 = arith.xori %or3A_223, %add3A_216 : vector<64x2048xi32>
      %add3A_225 = arith.addi %add3A_216, %xor3A_224 : vector<64x2048xi32>
      %shift_left3A_226 = arith.constant 26 : i32
      %shift_left3A_227 = vector.broadcast %shift_left3A_226 : i32 to vector<64x2048xi32>
      %shift_left3A_228 = arith.shli %xor3A_224, %shift_left3A_227 : vector<64x2048xi32>
      %shift_right_logical3A_229 = arith.constant 6 : i32
      %shift_right_logical3A_230 = vector.broadcast %shift_right_logical3A_229 : i32 to vector<64x2048xi32>
      %shift_right_logical3A_231 = arith.shrui %xor3A_224, %shift_right_logical3A_230 : vector<64x2048xi32>
      %or3A_232 = arith.ori %shift_left3A_228, %shift_right_logical3A_231 : vector<64x2048xi32>
      %xor3A_233 = arith.xori %or3A_232, %add3A_225 : vector<64x2048xi32>
      %add3A_234 = arith.addi %add3A_225, %xor3A_233 : vector<64x2048xi32>
      %shift_left3A_235 = arith.constant 6 : i32
      %shift_left3A_236 = vector.broadcast %shift_left3A_235 : i32 to vector<64x2048xi32>
      %shift_left3A_237 = arith.shli %xor3A_233, %shift_left3A_236 : vector<64x2048xi32>
      %shift_right_logical3A_238 = arith.constant 26 : i32
      %shift_right_logical3A_239 = vector.broadcast %shift_right_logical3A_238 : i32 to vector<64x2048xi32>
      %shift_right_logical3A_240 = arith.shrui %xor3A_233, %shift_right_logical3A_239 : vector<64x2048xi32>
      %or3A_241 = arith.ori %shift_left3A_237, %shift_right_logical3A_240 : vector<64x2048xi32>
      %xor3A_242 = arith.xori %or3A_241, %add3A_234 : vector<64x2048xi32>
      %add3A_243 = vector.broadcast %xor3A_14 : vector<64x1xi32> to vector<64x2048xi32>
      %add3A_244 = arith.addi %add3A_234, %add3A_243 : vector<64x2048xi32>
      %add3A_245 = vector.broadcast %slice3A : vector<64x1xi32> to vector<64x2048xi32>
      %add3A_246 = arith.addi %xor3A_242, %add3A_245 : vector<64x2048xi32>
      %add3A_247 = arith.constant 5 : i32
      %add3A_248 = vector.broadcast %add3A_247 : i32 to vector<64x2048xi32>
      %add3A_249 = arith.addi %add3A_246, %add3A_248 : vector<64x2048xi32>
      %xor3A_250 = arith.xori %add3A_244, %add3A_249 : vector<64x2048xi32>
      %shift_right_logical3A_251 = arith.constant 9 : i32
      %shift_right_logical3A_252 = vector.broadcast %shift_right_logical3A_251 : i32 to vector<64x2048xi32>
      %shift_right_logical3A_253 = arith.shrui %xor3A_250, %shift_right_logical3A_252 : vector<64x2048xi32>
      %or3A_254 = arith.constant 1065353216 : i32
      %or3A_255 = vector.broadcast %or3A_254 : i32 to vector<64x2048xi32>
      %or3A_256 = arith.ori %shift_right_logical3A_253, %or3A_255 : vector<64x2048xi32>
      %bitcast_convert_type3A = tpu.bitcast %or3A_256 : vector<64x2048xi32> -> vector<64x2048xf32>
      %sub3A = arith.constant 1.000000e+00 : f32
      %sub3A_257 = vector.broadcast %sub3A : f32 to vector<64x2048xf32>
      %sub3A_258 = arith.subf %bitcast_convert_type3A, %sub3A_257 : vector<64x2048xf32>
      %add3A_259 = arith.constant 9.99999997E-7 : f32
      %add3A_260 = vector.broadcast %add3A_259 : f32 to vector<64x2048xf32>
      %add3A_261 = arith.addf %sub3A_258, %add3A_260 : vector<64x2048xf32>
      %log3A = math.log %add3A_261 : vector<64x2048xf32>
      %neg3A = arith.constant 0.000000e+00 : f32
      %neg3A_262 = vector.broadcast %neg3A : f32 to vector<64x2048xf32>
      %neg3A_263 = arith.subf %neg3A_262, %log3A : vector<64x2048xf32>
      %add3A_264 = arith.constant 9.99999997E-7 : f32
      %add3A_265 = vector.broadcast %add3A_264 : f32 to vector<64x2048xf32>
      %add3A_266 = arith.addf %neg3A_263, %add3A_265 : vector<64x2048xf32>
      %log3A_267 = math.log %add3A_266 : vector<64x2048xf32>
      %neg3A_268 = arith.constant 0.000000e+00 : f32
      %neg3A_269 = vector.broadcast %neg3A_268 : f32 to vector<64x2048xf32>
      %neg3A_270 = arith.subf %neg3A_269, %log3A_267 : vector<64x2048xf32>
      %mul3A_271 = arith.constant 1.000000e+00 : f32
      %mul3A_272 = vector.broadcast %mul3A_271 : f32 to vector<64x2048xf32>
      %mul3A_273 = arith.mulf %neg3A_270, %mul3A_272 : vector<64x2048xf32>
      %add3A_274 = arith.addf %concatenate3A, %mul3A_273 : vector<64x2048xf32>
      %bitcast_convert_type3A_275 = tpu.bitcast %add3A_274 : vector<64x2048xf32> -> vector<64x2048xi32>
      %ge3A = arith.constant 0 : i32
      %ge3A_276 = vector.broadcast %ge3A : i32 to vector<64x2048xi32>
      %ge3A_277 = arith.cmpi sge, %bitcast_convert_type3A_275, %ge3A_276 : vector<64x2048xi32>
      %not3A = arith.constant dense<-1> : vector<64x2048xi32>
      %not3A_278 = arith.xori %bitcast_convert_type3A_275, %not3A : vector<64x2048xi32>
      %xor3A_279 = arith.constant -2147483648 : i32
      %xor3A_280 = vector.broadcast %xor3A_279 : i32 to vector<64x2048xi32>
      %xor3A_281 = arith.xori %not3A_278, %xor3A_280 : vector<64x2048xi32>
      %select_n3A_282 = arith.select %ge3A_277, %bitcast_convert_type3A_275, %xor3A_281 : vector<64x2048xi1>, vector<64x2048xi32>
      %iota3A_283 = tpu.iota {dimensions = array<i32: 0>} : vector<64x1xi32>
      %jit3A_284 = arith.constant 20 : i32
      %div3A = vector.broadcast %jit3A_284 : i32 to vector<64x1xi32>
      %div3A_285 = arith.divsi %iota3A_283, %div3A : vector<64x1xi32>
      %sign3A = arith.constant 0 : i32
      %sign3A_286 = vector.broadcast %sign3A : i32 to vector<64x1xi32>
      %sign3A_287 = arith.cmpi sgt, %iota3A_283, %sign3A_286 : vector<64x1xi32>
      %sign3A_288 = arith.extui %sign3A_287 : vector<64x1xi1> to vector<64x1xi32>
      %sign3A_289 = arith.constant 0 : i32
      %sign3A_290 = vector.broadcast %sign3A_289 : i32 to vector<64x1xi32>
      %sign3A_291 = arith.cmpi slt, %iota3A_283, %sign3A_290 : vector<64x1xi32>
      %sign3A_292 = arith.extui %sign3A_291 : vector<64x1xi1> to vector<64x1xi32>
      %sign3A_293 = arith.subi %sign3A_288, %sign3A_292 : vector<64x1xi32>
      %sign3A_294 = arith.constant 0 : i32
      %sign3A_295 = arith.cmpi sgt, %jit3A_284, %sign3A_294 : i32
      %sign3A_296 = arith.extui %sign3A_295 : i1 to i32
      %sign3A_297 = arith.constant 0 : i32
      %sign3A_298 = arith.cmpi slt, %jit3A_284, %sign3A_297 : i32
      %sign3A_299 = arith.extui %sign3A_298 : i1 to i32
      %sign3A_300 = arith.subi %sign3A_296, %sign3A_299 : i32
      %ne3A_301 = vector.broadcast %sign3A_300 : i32 to vector<64x1xi32>
      %ne3A_302 = arith.cmpi ne, %sign3A_293, %ne3A_301 : vector<64x1xi32>
      %rem3A_303 = vector.broadcast %jit3A_284 : i32 to vector<64x1xi32>
      %rem3A_304 = arith.remsi %iota3A_283, %rem3A_303 : vector<64x1xi32>
      %ne3A_305 = arith.constant 0 : i32
      %ne3A_306 = vector.broadcast %ne3A_305 : i32 to vector<64x1xi32>
      %ne3A_307 = arith.cmpi ne, %rem3A_304, %ne3A_306 : vector<64x1xi32>
      %and3A_308 = arith.andi %ne3A_302, %ne3A_307 : vector<64x1xi1>
      %sub3A_309 = arith.constant 1 : i32
      %sub3A_310 = vector.broadcast %sub3A_309 : i32 to vector<64x1xi32>
      %sub3A_311 = arith.subi %div3A_285, %sub3A_310 : vector<64x1xi32>
      %select_n3A_312 = arith.select %and3A_308, %sub3A_311, %div3A_285 : vector<64x1xi1>, vector<64x1xi32>
      %eq3A_313 = arith.constant 0 : i32
      %eq3A_314 = vector.broadcast %eq3A_313 : i32 to vector<64x1xi32>
      %eq3A_315 = arith.cmpi eq, %select_n3A_312, %eq3A_314 : vector<64x1xi32>
      %eq3A_316 = arith.constant 1 : i32
      %eq3A_317 = vector.broadcast %eq3A_316 : i32 to vector<64x1xi32>
      %eq3A_318 = arith.cmpi eq, %select_n3A_312, %eq3A_317 : vector<64x1xi32>
      %jit3A_319 = arith.constant 614 : i32
      %jit3A_320 = arith.constant 1024 : i32
      %broadcast_in_dim3A_321 = vector.broadcast %jit3A_319 : i32 to vector<64x1xi32>
      %broadcast_in_dim3A_322 = vector.broadcast %jit3A_320 : i32 to vector<64x1xi32>
      %select_n3A_323 = arith.select %eq3A_318, %broadcast_in_dim3A_321, %broadcast_in_dim3A_322 : vector<64x1xi1>, vector<64x1xi32>
      %jit3A_324 = arith.constant 204 : i32
      %broadcast_in_dim3A_325 = vector.broadcast %jit3A_324 : i32 to vector<64x1xi32>
      %select_n3A_326 = arith.select %eq3A_315, %broadcast_in_dim3A_325, %select_n3A_323 : vector<64x1xi1>, vector<64x1xi32>
      %broadcast_in_dim3A_327 = arith.constant 0 : i32
      %broadcast_in_dim3A_328 = vector.broadcast %broadcast_in_dim3A_327 : i32 to vector<64x1xi32>
      %or3A_329 = arith.constant -2147483648 : i32
      %or3A_330 = vector.broadcast %or3A_329 : i32 to vector<64x1xi32>
      %or3A_331 = arith.ori %broadcast_in_dim3A_328, %or3A_330 : vector<64x1xi32>
      %xor3A_332 = arith.constant -2147483648 : i32
      %xor3A_333 = vector.broadcast %xor3A_332 : i32 to vector<64x1xi32>
      %xor3A_334 = arith.xori %or3A_331, %xor3A_333 : vector<64x1xi32>
      %ge3A_335 = vector.broadcast %xor3A_334 : vector<64x1xi32> to vector<64x2048xi32>
      %ge3A_336 = arith.cmpi sge, %select_n3A_282, %ge3A_335 : vector<64x2048xi32>
      %convert_element_type3A_337 = arith.extui %ge3A_336 : vector<64x2048xi1> to vector<64x2048xi32>
      %reduce_sum3A = arith.constant dense<0> : vector<64xi32>
      %reduce_sum3A_338 = vector.multi_reduction <add>, %convert_element_type3A_337, %reduce_sum3A [1] : vector<64x2048xi32> to vector<64xi32>
      %broadcast_in_dim3A_339 = vector.shape_cast %reduce_sum3A_338 : vector<64xi32> to vector<64x1xi32>
      %ge3A_340 = arith.cmpi sge, %broadcast_in_dim3A_339, %select_n3A_326 : vector<64x1xi32>
      %select_n3A_341 = arith.select %ge3A_340, %or3A_331, %broadcast_in_dim3A_328 : vector<64x1xi1>, vector<64x1xi32>
      %or3A_342 = arith.constant 1073741824 : i32
      %or3A_343 = vector.broadcast %or3A_342 : i32 to vector<64x1xi32>
      %or3A_344 = arith.ori %select_n3A_341, %or3A_343 : vector<64x1xi32>
      %xor3A_345 = arith.constant -2147483648 : i32
      %xor3A_346 = vector.broadcast %xor3A_345 : i32 to vector<64x1xi32>
      %xor3A_347 = arith.xori %or3A_344, %xor3A_346 : vector<64x1xi32>
      %ge3A_348 = vector.broadcast %xor3A_347 : vector<64x1xi32> to vector<64x2048xi32>
      %ge3A_349 = arith.cmpi sge, %select_n3A_282, %ge3A_348 : vector<64x2048xi32>
      %convert_element_type3A_350 = arith.extui %ge3A_349 : vector<64x2048xi1> to vector<64x2048xi32>
      %reduce_sum3A_351 = arith.constant dense<0> : vector<64xi32>
      %reduce_sum3A_352 = vector.multi_reduction <add>, %convert_element_type3A_350, %reduce_sum3A_351 [1] : vector<64x2048xi32> to vector<64xi32>
      %broadcast_in_dim3A_353 = vector.shape_cast %reduce_sum3A_352 : vector<64xi32> to vector<64x1xi32>
      %ge3A_354 = arith.cmpi sge, %broadcast_in_dim3A_353, %select_n3A_326 : vector<64x1xi32>
      %select_n3A_355 = arith.select %ge3A_354, %or3A_344, %select_n3A_341 : vector<64x1xi1>, vector<64x1xi32>
      %or3A_356 = arith.constant 536870912 : i32
      %or3A_357 = vector.broadcast %or3A_356 : i32 to vector<64x1xi32>
      %or3A_358 = arith.ori %select_n3A_355, %or3A_357 : vector<64x1xi32>
      %xor3A_359 = arith.constant -2147483648 : i32
      %xor3A_360 = vector.broadcast %xor3A_359 : i32 to vector<64x1xi32>
      %xor3A_361 = arith.xori %or3A_358, %xor3A_360 : vector<64x1xi32>
      %ge3A_362 = vector.broadcast %xor3A_361 : vector<64x1xi32> to vector<64x2048xi32>
      %ge3A_363 = arith.cmpi sge, %select_n3A_282, %ge3A_362 : vector<64x2048xi32>
      %convert_element_type3A_364 = arith.extui %ge3A_363 : vector<64x2048xi1> to vector<64x2048xi32>
      %reduce_sum3A_365 = arith.constant dense<0> : vector<64xi32>
      %reduce_sum3A_366 = vector.multi_reduction <add>, %convert_element_type3A_364, %reduce_sum3A_365 [1] : vector<64x2048xi32> to vector<64xi32>
      %broadcast_in_dim3A_367 = vector.shape_cast %reduce_sum3A_366 : vector<64xi32> to vector<64x1xi32>
      %ge3A_368 = arith.cmpi sge, %broadcast_in_dim3A_367, %select_n3A_326 : vector<64x1xi32>
      %select_n3A_369 = arith.select %ge3A_368, %or3A_358, %select_n3A_355 : vector<64x1xi1>, vector<64x1xi32>
      %or3A_370 = arith.constant 268435456 : i32
      %or3A_371 = vector.broadcast %or3A_370 : i32 to vector<64x1xi32>
      %or3A_372 = arith.ori %select_n3A_369, %or3A_371 : vector<64x1xi32>
      %xor3A_373 = arith.constant -2147483648 : i32
      %xor3A_374 = vector.broadcast %xor3A_373 : i32 to vector<64x1xi32>
      %xor3A_375 = arith.xori %or3A_372, %xor3A_374 : vector<64x1xi32>
      %ge3A_376 = vector.broadcast %xor3A_375 : vector<64x1xi32> to vector<64x2048xi32>
      %ge3A_377 = arith.cmpi sge, %select_n3A_282, %ge3A_376 : vector<64x2048xi32>
      %convert_element_type3A_378 = arith.extui %ge3A_377 : vector<64x2048xi1> to vector<64x2048xi32>
      %reduce_sum3A_379 = arith.constant dense<0> : vector<64xi32>
      %reduce_sum3A_380 = vector.multi_reduction <add>, %convert_element_type3A_378, %reduce_sum3A_379 [1] : vector<64x2048xi32> to vector<64xi32>
      %broadcast_in_dim3A_381 = vector.shape_cast %reduce_sum3A_380 : vector<64xi32> to vector<64x1xi32>
      %ge3A_382 = arith.cmpi sge, %broadcast_in_dim3A_381, %select_n3A_326 : vector<64x1xi32>
      %select_n3A_383 = arith.select %ge3A_382, %or3A_372, %select_n3A_369 : vector<64x1xi1>, vector<64x1xi32>
      %or3A_384 = arith.constant 134217728 : i32
      %or3A_385 = vector.broadcast %or3A_384 : i32 to vector<64x1xi32>
      %or3A_386 = arith.ori %select_n3A_383, %or3A_385 : vector<64x1xi32>
      %xor3A_387 = arith.constant -2147483648 : i32
      %xor3A_388 = vector.broadcast %xor3A_387 : i32 to vector<64x1xi32>
      %xor3A_389 = arith.xori %or3A_386, %xor3A_388 : vector<64x1xi32>
      %ge3A_390 = vector.broadcast %xor3A_389 : vector<64x1xi32> to vector<64x2048xi32>
      %ge3A_391 = arith.cmpi sge, %select_n3A_282, %ge3A_390 : vector<64x2048xi32>
      %convert_element_type3A_392 = arith.extui %ge3A_391 : vector<64x2048xi1> to vector<64x2048xi32>
      %reduce_sum3A_393 = arith.constant dense<0> : vector<64xi32>
      %reduce_sum3A_394 = vector.multi_reduction <add>, %convert_element_type3A_392, %reduce_sum3A_393 [1] : vector<64x2048xi32> to vector<64xi32>
      %broadcast_in_dim3A_395 = vector.shape_cast %reduce_sum3A_394 : vector<64xi32> to vector<64x1xi32>
      %ge3A_396 = arith.cmpi sge, %broadcast_in_dim3A_395, %select_n3A_326 : vector<64x1xi32>
      %select_n3A_397 = arith.select %ge3A_396, %or3A_386, %select_n3A_383 : vector<64x1xi1>, vector<64x1xi32>
      %or3A_398 = arith.constant 67108864 : i32
      %or3A_399 = vector.broadcast %or3A_398 : i32 to vector<64x1xi32>
      %or3A_400 = arith.ori %select_n3A_397, %or3A_399 : vector<64x1xi32>
      %xor3A_401 = arith.constant -2147483648 : i32
      %xor3A_402 = vector.broadcast %xor3A_401 : i32 to vector<64x1xi32>
      %xor3A_403 = arith.xori %or3A_400, %xor3A_402 : vector<64x1xi32>
      %ge3A_404 = vector.broadcast %xor3A_403 : vector<64x1xi32> to vector<64x2048xi32>
      %ge3A_405 = arith.cmpi sge, %select_n3A_282, %ge3A_404 : vector<64x2048xi32>
      %convert_element_type3A_406 = arith.extui %ge3A_405 : vector<64x2048xi1> to vector<64x2048xi32>
      %reduce_sum3A_407 = arith.constant dense<0> : vector<64xi32>
      %reduce_sum3A_408 = vector.multi_reduction <add>, %convert_element_type3A_406, %reduce_sum3A_407 [1] : vector<64x2048xi32> to vector<64xi32>
      %broadcast_in_dim3A_409 = vector.shape_cast %reduce_sum3A_408 : vector<64xi32> to vector<64x1xi32>
      %ge3A_410 = arith.cmpi sge, %broadcast_in_dim3A_409, %select_n3A_326 : vector<64x1xi32>
      %select_n3A_411 = arith.select %ge3A_410, %or3A_400, %select_n3A_397 : vector<64x1xi1>, vector<64x1xi32>
      %or3A_412 = arith.constant 33554432 : i32
      %or3A_413 = vector.broadcast %or3A_412 : i32 to vector<64x1xi32>
      %or3A_414 = arith.ori %select_n3A_411, %or3A_413 : vector<64x1xi32>
      %xor3A_415 = arith.constant -2147483648 : i32
      %xor3A_416 = vector.broadcast %xor3A_415 : i32 to vector<64x1xi32>
      %xor3A_417 = arith.xori %or3A_414, %xor3A_416 : vector<64x1xi32>
      %ge3A_418 = vector.broadcast %xor3A_417 : vector<64x1xi32> to vector<64x2048xi32>
      %ge3A_419 = arith.cmpi sge, %select_n3A_282, %ge3A_418 : vector<64x2048xi32>
      %convert_element_type3A_420 = arith.extui %ge3A_419 : vector<64x2048xi1> to vector<64x2048xi32>
      %reduce_sum3A_421 = arith.constant dense<0> : vector<64xi32>
      %reduce_sum3A_422 = vector.multi_reduction <add>, %convert_element_type3A_420, %reduce_sum3A_421 [1] : vector<64x2048xi32> to vector<64xi32>
      %broadcast_in_dim3A_423 = vector.shape_cast %reduce_sum3A_422 : vector<64xi32> to vector<64x1xi32>
      %ge3A_424 = arith.cmpi sge, %broadcast_in_dim3A_423, %select_n3A_326 : vector<64x1xi32>
      %select_n3A_425 = arith.select %ge3A_424, %or3A_414, %select_n3A_411 : vector<64x1xi1>, vector<64x1xi32>
      %or3A_426 = arith.constant 16777216 : i32
      %or3A_427 = vector.broadcast %or3A_426 : i32 to vector<64x1xi32>
      %or3A_428 = arith.ori %select_n3A_425, %or3A_427 : vector<64x1xi32>
      %xor3A_429 = arith.constant -2147483648 : i32
      %xor3A_430 = vector.broadcast %xor3A_429 : i32 to vector<64x1xi32>
      %xor3A_431 = arith.xori %or3A_428, %xor3A_430 : vector<64x1xi32>
      %ge3A_432 = vector.broadcast %xor3A_431 : vector<64x1xi32> to vector<64x2048xi32>
      %ge3A_433 = arith.cmpi sge, %select_n3A_282, %ge3A_432 : vector<64x2048xi32>
      %convert_element_type3A_434 = arith.extui %ge3A_433 : vector<64x2048xi1> to vector<64x2048xi32>
      %reduce_sum3A_435 = arith.constant dense<0> : vector<64xi32>
      %reduce_sum3A_436 = vector.multi_reduction <add>, %convert_element_type3A_434, %reduce_sum3A_435 [1] : vector<64x2048xi32> to vector<64xi32>
      %broadcast_in_dim3A_437 = vector.shape_cast %reduce_sum3A_436 : vector<64xi32> to vector<64x1xi32>
      %ge3A_438 = arith.cmpi sge, %broadcast_in_dim3A_437, %select_n3A_326 : vector<64x1xi32>
      %select_n3A_439 = arith.select %ge3A_438, %or3A_428, %select_n3A_425 : vector<64x1xi1>, vector<64x1xi32>
      %or3A_440 = arith.constant 8388608 : i32
      %or3A_441 = vector.broadcast %or3A_440 : i32 to vector<64x1xi32>
      %or3A_442 = arith.ori %select_n3A_439, %or3A_441 : vector<64x1xi32>
      %xor3A_443 = arith.constant -2147483648 : i32
      %xor3A_444 = vector.broadcast %xor3A_443 : i32 to vector<64x1xi32>
      %xor3A_445 = arith.xori %or3A_442, %xor3A_444 : vector<64x1xi32>
      %ge3A_446 = vector.broadcast %xor3A_445 : vector<64x1xi32> to vector<64x2048xi32>
      %ge3A_447 = arith.cmpi sge, %select_n3A_282, %ge3A_446 : vector<64x2048xi32>
      %convert_element_type3A_448 = arith.extui %ge3A_447 : vector<64x2048xi1> to vector<64x2048xi32>
      %reduce_sum3A_449 = arith.constant dense<0> : vector<64xi32>
      %reduce_sum3A_450 = vector.multi_reduction <add>, %convert_element_type3A_448, %reduce_sum3A_449 [1] : vector<64x2048xi32> to vector<64xi32>
      %broadcast_in_dim3A_451 = vector.shape_cast %reduce_sum3A_450 : vector<64xi32> to vector<64x1xi32>
      %ge3A_452 = arith.cmpi sge, %broadcast_in_dim3A_451, %select_n3A_326 : vector<64x1xi32>
      %select_n3A_453 = arith.select %ge3A_452, %or3A_442, %select_n3A_439 : vector<64x1xi1>, vector<64x1xi32>
      %or3A_454 = arith.constant 4194304 : i32
      %or3A_455 = vector.broadcast %or3A_454 : i32 to vector<64x1xi32>
      %or3A_456 = arith.ori %select_n3A_453, %or3A_455 : vector<64x1xi32>
      %xor3A_457 = arith.constant -2147483648 : i32
      %xor3A_458 = vector.broadcast %xor3A_457 : i32 to vector<64x1xi32>
      %xor3A_459 = arith.xori %or3A_456, %xor3A_458 : vector<64x1xi32>
      %ge3A_460 = vector.broadcast %xor3A_459 : vector<64x1xi32> to vector<64x2048xi32>
      %ge3A_461 = arith.cmpi sge, %select_n3A_282, %ge3A_460 : vector<64x2048xi32>
      %convert_element_type3A_462 = arith.extui %ge3A_461 : vector<64x2048xi1> to vector<64x2048xi32>
      %reduce_sum3A_463 = arith.constant dense<0> : vector<64xi32>
      %reduce_sum3A_464 = vector.multi_reduction <add>, %convert_element_type3A_462, %reduce_sum3A_463 [1] : vector<64x2048xi32> to vector<64xi32>
      %broadcast_in_dim3A_465 = vector.shape_cast %reduce_sum3A_464 : vector<64xi32> to vector<64x1xi32>
      %ge3A_466 = arith.cmpi sge, %broadcast_in_dim3A_465, %select_n3A_326 : vector<64x1xi32>
      %select_n3A_467 = arith.select %ge3A_466, %or3A_456, %select_n3A_453 : vector<64x1xi1>, vector<64x1xi32>
      %or3A_468 = arith.constant 2097152 : i32
      %or3A_469 = vector.broadcast %or3A_468 : i32 to vector<64x1xi32>
      %or3A_470 = arith.ori %select_n3A_467, %or3A_469 : vector<64x1xi32>
      %xor3A_471 = arith.constant -2147483648 : i32
      %xor3A_472 = vector.broadcast %xor3A_471 : i32 to vector<64x1xi32>
      %xor3A_473 = arith.xori %or3A_470, %xor3A_472 : vector<64x1xi32>
      %ge3A_474 = vector.broadcast %xor3A_473 : vector<64x1xi32> to vector<64x2048xi32>
      %ge3A_475 = arith.cmpi sge, %select_n3A_282, %ge3A_474 : vector<64x2048xi32>
      %convert_element_type3A_476 = arith.extui %ge3A_475 : vector<64x2048xi1> to vector<64x2048xi32>
      %reduce_sum3A_477 = arith.constant dense<0> : vector<64xi32>
      %reduce_sum3A_478 = vector.multi_reduction <add>, %convert_element_type3A_476, %reduce_sum3A_477 [1] : vector<64x2048xi32> to vector<64xi32>
      %broadcast_in_dim3A_479 = vector.shape_cast %reduce_sum3A_478 : vector<64xi32> to vector<64x1xi32>
      %ge3A_480 = arith.cmpi sge, %broadcast_in_dim3A_479, %select_n3A_326 : vector<64x1xi32>
      %select_n3A_481 = arith.select %ge3A_480, %or3A_470, %select_n3A_467 : vector<64x1xi1>, vector<64x1xi32>
      %or3A_482 = arith.constant 1048576 : i32
      %or3A_483 = vector.broadcast %or3A_482 : i32 to vector<64x1xi32>
      %or3A_484 = arith.ori %select_n3A_481, %or3A_483 : vector<64x1xi32>
      %xor3A_485 = arith.constant -2147483648 : i32
      %xor3A_486 = vector.broadcast %xor3A_485 : i32 to vector<64x1xi32>
      %xor3A_487 = arith.xori %or3A_484, %xor3A_486 : vector<64x1xi32>
      %ge3A_488 = vector.broadcast %xor3A_487 : vector<64x1xi32> to vector<64x2048xi32>
      %ge3A_489 = arith.cmpi sge, %select_n3A_282, %ge3A_488 : vector<64x2048xi32>
      %convert_element_type3A_490 = arith.extui %ge3A_489 : vector<64x2048xi1> to vector<64x2048xi32>
      %reduce_sum3A_491 = arith.constant dense<0> : vector<64xi32>
      %reduce_sum3A_492 = vector.multi_reduction <add>, %convert_element_type3A_490, %reduce_sum3A_491 [1] : vector<64x2048xi32> to vector<64xi32>
      %broadcast_in_dim3A_493 = vector.shape_cast %reduce_sum3A_492 : vector<64xi32> to vector<64x1xi32>
      %ge3A_494 = arith.cmpi sge, %broadcast_in_dim3A_493, %select_n3A_326 : vector<64x1xi32>
      %select_n3A_495 = arith.select %ge3A_494, %or3A_484, %select_n3A_481 : vector<64x1xi1>, vector<64x1xi32>
      %or3A_496 = arith.constant 524288 : i32
      %or3A_497 = vector.broadcast %or3A_496 : i32 to vector<64x1xi32>
      %or3A_498 = arith.ori %select_n3A_495, %or3A_497 : vector<64x1xi32>
      %xor3A_499 = arith.constant -2147483648 : i32
      %xor3A_500 = vector.broadcast %xor3A_499 : i32 to vector<64x1xi32>
      %xor3A_501 = arith.xori %or3A_498, %xor3A_500 : vector<64x1xi32>
      %ge3A_502 = vector.broadcast %xor3A_501 : vector<64x1xi32> to vector<64x2048xi32>
      %ge3A_503 = arith.cmpi sge, %select_n3A_282, %ge3A_502 : vector<64x2048xi32>
      %convert_element_type3A_504 = arith.extui %ge3A_503 : vector<64x2048xi1> to vector<64x2048xi32>
      %reduce_sum3A_505 = arith.constant dense<0> : vector<64xi32>
      %reduce_sum3A_506 = vector.multi_reduction <add>, %convert_element_type3A_504, %reduce_sum3A_505 [1] : vector<64x2048xi32> to vector<64xi32>
      %broadcast_in_dim3A_507 = vector.shape_cast %reduce_sum3A_506 : vector<64xi32> to vector<64x1xi32>
      %ge3A_508 = arith.cmpi sge, %broadcast_in_dim3A_507, %select_n3A_326 : vector<64x1xi32>
      %select_n3A_509 = arith.select %ge3A_508, %or3A_498, %select_n3A_495 : vector<64x1xi1>, vector<64x1xi32>
      %or3A_510 = arith.constant 262144 : i32
      %or3A_511 = vector.broadcast %or3A_510 : i32 to vector<64x1xi32>
      %or3A_512 = arith.ori %select_n3A_509, %or3A_511 : vector<64x1xi32>
      %xor3A_513 = arith.constant -2147483648 : i32
      %xor3A_514 = vector.broadcast %xor3A_513 : i32 to vector<64x1xi32>
      %xor3A_515 = arith.xori %or3A_512, %xor3A_514 : vector<64x1xi32>
      %ge3A_516 = vector.broadcast %xor3A_515 : vector<64x1xi32> to vector<64x2048xi32>
      %ge3A_517 = arith.cmpi sge, %select_n3A_282, %ge3A_516 : vector<64x2048xi32>
      %convert_element_type3A_518 = arith.extui %ge3A_517 : vector<64x2048xi1> to vector<64x2048xi32>
      %reduce_sum3A_519 = arith.constant dense<0> : vector<64xi32>
      %reduce_sum3A_520 = vector.multi_reduction <add>, %convert_element_type3A_518, %reduce_sum3A_519 [1] : vector<64x2048xi32> to vector<64xi32>
      %broadcast_in_dim3A_521 = vector.shape_cast %reduce_sum3A_520 : vector<64xi32> to vector<64x1xi32>
      %ge3A_522 = arith.cmpi sge, %broadcast_in_dim3A_521, %select_n3A_326 : vector<64x1xi32>
      %select_n3A_523 = arith.select %ge3A_522, %or3A_512, %select_n3A_509 : vector<64x1xi1>, vector<64x1xi32>
      %or3A_524 = arith.constant 131072 : i32
      %or3A_525 = vector.broadcast %or3A_524 : i32 to vector<64x1xi32>
      %or3A_526 = arith.ori %select_n3A_523, %or3A_525 : vector<64x1xi32>
      %xor3A_527 = arith.constant -2147483648 : i32
      %xor3A_528 = vector.broadcast %xor3A_527 : i32 to vector<64x1xi32>
      %xor3A_529 = arith.xori %or3A_526, %xor3A_528 : vector<64x1xi32>
      %ge3A_530 = vector.broadcast %xor3A_529 : vector<64x1xi32> to vector<64x2048xi32>
      %ge3A_531 = arith.cmpi sge, %select_n3A_282, %ge3A_530 : vector<64x2048xi32>
      %convert_element_type3A_532 = arith.extui %ge3A_531 : vector<64x2048xi1> to vector<64x2048xi32>
      %reduce_sum3A_533 = arith.constant dense<0> : vector<64xi32>
      %reduce_sum3A_534 = vector.multi_reduction <add>, %convert_element_type3A_532, %reduce_sum3A_533 [1] : vector<64x2048xi32> to vector<64xi32>
      %broadcast_in_dim3A_535 = vector.shape_cast %reduce_sum3A_534 : vector<64xi32> to vector<64x1xi32>
      %ge3A_536 = arith.cmpi sge, %broadcast_in_dim3A_535, %select_n3A_326 : vector<64x1xi32>
      %select_n3A_537 = arith.select %ge3A_536, %or3A_526, %select_n3A_523 : vector<64x1xi1>, vector<64x1xi32>
      %or3A_538 = arith.constant 65536 : i32
      %or3A_539 = vector.broadcast %or3A_538 : i32 to vector<64x1xi32>
      %or3A_540 = arith.ori %select_n3A_537, %or3A_539 : vector<64x1xi32>
      %xor3A_541 = arith.constant -2147483648 : i32
      %xor3A_542 = vector.broadcast %xor3A_541 : i32 to vector<64x1xi32>
      %xor3A_543 = arith.xori %or3A_540, %xor3A_542 : vector<64x1xi32>
      %ge3A_544 = vector.broadcast %xor3A_543 : vector<64x1xi32> to vector<64x2048xi32>
      %ge3A_545 = arith.cmpi sge, %select_n3A_282, %ge3A_544 : vector<64x2048xi32>
      %convert_element_type3A_546 = arith.extui %ge3A_545 : vector<64x2048xi1> to vector<64x2048xi32>
      %reduce_sum3A_547 = arith.constant dense<0> : vector<64xi32>
      %reduce_sum3A_548 = vector.multi_reduction <add>, %convert_element_type3A_546, %reduce_sum3A_547 [1] : vector<64x2048xi32> to vector<64xi32>
      %broadcast_in_dim3A_549 = vector.shape_cast %reduce_sum3A_548 : vector<64xi32> to vector<64x1xi32>
      %ge3A_550 = arith.cmpi sge, %broadcast_in_dim3A_549, %select_n3A_326 : vector<64x1xi32>
      %select_n3A_551 = arith.select %ge3A_550, %or3A_540, %select_n3A_537 : vector<64x1xi1>, vector<64x1xi32>
      %or3A_552 = arith.constant 32768 : i32
      %or3A_553 = vector.broadcast %or3A_552 : i32 to vector<64x1xi32>
      %or3A_554 = arith.ori %select_n3A_551, %or3A_553 : vector<64x1xi32>
      %xor3A_555 = arith.constant -2147483648 : i32
      %xor3A_556 = vector.broadcast %xor3A_555 : i32 to vector<64x1xi32>
      %xor3A_557 = arith.xori %or3A_554, %xor3A_556 : vector<64x1xi32>
      %ge3A_558 = vector.broadcast %xor3A_557 : vector<64x1xi32> to vector<64x2048xi32>
      %ge3A_559 = arith.cmpi sge, %select_n3A_282, %ge3A_558 : vector<64x2048xi32>
      %convert_element_type3A_560 = arith.extui %ge3A_559 : vector<64x2048xi1> to vector<64x2048xi32>
      %reduce_sum3A_561 = arith.constant dense<0> : vector<64xi32>
      %reduce_sum3A_562 = vector.multi_reduction <add>, %convert_element_type3A_560, %reduce_sum3A_561 [1] : vector<64x2048xi32> to vector<64xi32>
      %broadcast_in_dim3A_563 = vector.shape_cast %reduce_sum3A_562 : vector<64xi32> to vector<64x1xi32>
      %ge3A_564 = arith.cmpi sge, %broadcast_in_dim3A_563, %select_n3A_326 : vector<64x1xi32>
      %select_n3A_565 = arith.select %ge3A_564, %or3A_554, %select_n3A_551 : vector<64x1xi1>, vector<64x1xi32>
      %or3A_566 = arith.constant 16384 : i32
      %or3A_567 = vector.broadcast %or3A_566 : i32 to vector<64x1xi32>
      %or3A_568 = arith.ori %select_n3A_565, %or3A_567 : vector<64x1xi32>
      %xor3A_569 = arith.constant -2147483648 : i32
      %xor3A_570 = vector.broadcast %xor3A_569 : i32 to vector<64x1xi32>
      %xor3A_571 = arith.xori %or3A_568, %xor3A_570 : vector<64x1xi32>
      %ge3A_572 = vector.broadcast %xor3A_571 : vector<64x1xi32> to vector<64x2048xi32>
      %ge3A_573 = arith.cmpi sge, %select_n3A_282, %ge3A_572 : vector<64x2048xi32>
      %convert_element_type3A_574 = arith.extui %ge3A_573 : vector<64x2048xi1> to vector<64x2048xi32>
      %reduce_sum3A_575 = arith.constant dense<0> : vector<64xi32>
      %reduce_sum3A_576 = vector.multi_reduction <add>, %convert_element_type3A_574, %reduce_sum3A_575 [1] : vector<64x2048xi32> to vector<64xi32>
      %broadcast_in_dim3A_577 = vector.shape_cast %reduce_sum3A_576 : vector<64xi32> to vector<64x1xi32>
      %ge3A_578 = arith.cmpi sge, %broadcast_in_dim3A_577, %select_n3A_326 : vector<64x1xi32>
      %select_n3A_579 = arith.select %ge3A_578, %or3A_568, %select_n3A_565 : vector<64x1xi1>, vector<64x1xi32>
      %or3A_580 = arith.constant 8192 : i32
      %or3A_581 = vector.broadcast %or3A_580 : i32 to vector<64x1xi32>
      %or3A_582 = arith.ori %select_n3A_579, %or3A_581 : vector<64x1xi32>
      %xor3A_583 = arith.constant -2147483648 : i32
      %xor3A_584 = vector.broadcast %xor3A_583 : i32 to vector<64x1xi32>
      %xor3A_585 = arith.xori %or3A_582, %xor3A_584 : vector<64x1xi32>
      %ge3A_586 = vector.broadcast %xor3A_585 : vector<64x1xi32> to vector<64x2048xi32>
      %ge3A_587 = arith.cmpi sge, %select_n3A_282, %ge3A_586 : vector<64x2048xi32>
      %convert_element_type3A_588 = arith.extui %ge3A_587 : vector<64x2048xi1> to vector<64x2048xi32>
      %reduce_sum3A_589 = arith.constant dense<0> : vector<64xi32>
      %reduce_sum3A_590 = vector.multi_reduction <add>, %convert_element_type3A_588, %reduce_sum3A_589 [1] : vector<64x2048xi32> to vector<64xi32>
      %broadcast_in_dim3A_591 = vector.shape_cast %reduce_sum3A_590 : vector<64xi32> to vector<64x1xi32>
      %ge3A_592 = arith.cmpi sge, %broadcast_in_dim3A_591, %select_n3A_326 : vector<64x1xi32>
      %select_n3A_593 = arith.select %ge3A_592, %or3A_582, %select_n3A_579 : vector<64x1xi1>, vector<64x1xi32>
      %or3A_594 = arith.constant 4096 : i32
      %or3A_595 = vector.broadcast %or3A_594 : i32 to vector<64x1xi32>
      %or3A_596 = arith.ori %select_n3A_593, %or3A_595 : vector<64x1xi32>
      %xor3A_597 = arith.constant -2147483648 : i32
      %xor3A_598 = vector.broadcast %xor3A_597 : i32 to vector<64x1xi32>
      %xor3A_599 = arith.xori %or3A_596, %xor3A_598 : vector<64x1xi32>
      %ge3A_600 = vector.broadcast %xor3A_599 : vector<64x1xi32> to vector<64x2048xi32>
      %ge3A_601 = arith.cmpi sge, %select_n3A_282, %ge3A_600 : vector<64x2048xi32>
      %convert_element_type3A_602 = arith.extui %ge3A_601 : vector<64x2048xi1> to vector<64x2048xi32>
      %reduce_sum3A_603 = arith.constant dense<0> : vector<64xi32>
      %reduce_sum3A_604 = vector.multi_reduction <add>, %convert_element_type3A_602, %reduce_sum3A_603 [1] : vector<64x2048xi32> to vector<64xi32>
      %broadcast_in_dim3A_605 = vector.shape_cast %reduce_sum3A_604 : vector<64xi32> to vector<64x1xi32>
      %ge3A_606 = arith.cmpi sge, %broadcast_in_dim3A_605, %select_n3A_326 : vector<64x1xi32>
      %select_n3A_607 = arith.select %ge3A_606, %or3A_596, %select_n3A_593 : vector<64x1xi1>, vector<64x1xi32>
      %or3A_608 = arith.constant 2048 : i32
      %or3A_609 = vector.broadcast %or3A_608 : i32 to vector<64x1xi32>
      %or3A_610 = arith.ori %select_n3A_607, %or3A_609 : vector<64x1xi32>
      %xor3A_611 = arith.constant -2147483648 : i32
      %xor3A_612 = vector.broadcast %xor3A_611 : i32 to vector<64x1xi32>
      %xor3A_613 = arith.xori %or3A_610, %xor3A_612 : vector<64x1xi32>
      %ge3A_614 = vector.broadcast %xor3A_613 : vector<64x1xi32> to vector<64x2048xi32>
      %ge3A_615 = arith.cmpi sge, %select_n3A_282, %ge3A_614 : vector<64x2048xi32>
      %convert_element_type3A_616 = arith.extui %ge3A_615 : vector<64x2048xi1> to vector<64x2048xi32>
      %reduce_sum3A_617 = arith.constant dense<0> : vector<64xi32>
      %reduce_sum3A_618 = vector.multi_reduction <add>, %convert_element_type3A_616, %reduce_sum3A_617 [1] : vector<64x2048xi32> to vector<64xi32>
      %broadcast_in_dim3A_619 = vector.shape_cast %reduce_sum3A_618 : vector<64xi32> to vector<64x1xi32>
      %ge3A_620 = arith.cmpi sge, %broadcast_in_dim3A_619, %select_n3A_326 : vector<64x1xi32>
      %select_n3A_621 = arith.select %ge3A_620, %or3A_610, %select_n3A_607 : vector<64x1xi1>, vector<64x1xi32>
      %or3A_622 = arith.constant 1024 : i32
      %or3A_623 = vector.broadcast %or3A_622 : i32 to vector<64x1xi32>
      %or3A_624 = arith.ori %select_n3A_621, %or3A_623 : vector<64x1xi32>
      %xor3A_625 = arith.constant -2147483648 : i32
      %xor3A_626 = vector.broadcast %xor3A_625 : i32 to vector<64x1xi32>
      %xor3A_627 = arith.xori %or3A_624, %xor3A_626 : vector<64x1xi32>
      %ge3A_628 = vector.broadcast %xor3A_627 : vector<64x1xi32> to vector<64x2048xi32>
      %ge3A_629 = arith.cmpi sge, %select_n3A_282, %ge3A_628 : vector<64x2048xi32>
      %convert_element_type3A_630 = arith.extui %ge3A_629 : vector<64x2048xi1> to vector<64x2048xi32>
      %reduce_sum3A_631 = arith.constant dense<0> : vector<64xi32>
      %reduce_sum3A_632 = vector.multi_reduction <add>, %convert_element_type3A_630, %reduce_sum3A_631 [1] : vector<64x2048xi32> to vector<64xi32>
      %broadcast_in_dim3A_633 = vector.shape_cast %reduce_sum3A_632 : vector<64xi32> to vector<64x1xi32>
      %ge3A_634 = arith.cmpi sge, %broadcast_in_dim3A_633, %select_n3A_326 : vector<64x1xi32>
      %select_n3A_635 = arith.select %ge3A_634, %or3A_624, %select_n3A_621 : vector<64x1xi1>, vector<64x1xi32>
      %or3A_636 = arith.constant 512 : i32
      %or3A_637 = vector.broadcast %or3A_636 : i32 to vector<64x1xi32>
      %or3A_638 = arith.ori %select_n3A_635, %or3A_637 : vector<64x1xi32>
      %xor3A_639 = arith.constant -2147483648 : i32
      %xor3A_640 = vector.broadcast %xor3A_639 : i32 to vector<64x1xi32>
      %xor3A_641 = arith.xori %or3A_638, %xor3A_640 : vector<64x1xi32>
      %ge3A_642 = vector.broadcast %xor3A_641 : vector<64x1xi32> to vector<64x2048xi32>
      %ge3A_643 = arith.cmpi sge, %select_n3A_282, %ge3A_642 : vector<64x2048xi32>
      %convert_element_type3A_644 = arith.extui %ge3A_643 : vector<64x2048xi1> to vector<64x2048xi32>
      %reduce_sum3A_645 = arith.constant dense<0> : vector<64xi32>
      %reduce_sum3A_646 = vector.multi_reduction <add>, %convert_element_type3A_644, %reduce_sum3A_645 [1] : vector<64x2048xi32> to vector<64xi32>
      %broadcast_in_dim3A_647 = vector.shape_cast %reduce_sum3A_646 : vector<64xi32> to vector<64x1xi32>
      %ge3A_648 = arith.cmpi sge, %broadcast_in_dim3A_647, %select_n3A_326 : vector<64x1xi32>
      %select_n3A_649 = arith.select %ge3A_648, %or3A_638, %select_n3A_635 : vector<64x1xi1>, vector<64x1xi32>
      %or3A_650 = arith.constant 256 : i32
      %or3A_651 = vector.broadcast %or3A_650 : i32 to vector<64x1xi32>
      %or3A_652 = arith.ori %select_n3A_649, %or3A_651 : vector<64x1xi32>
      %xor3A_653 = arith.constant -2147483648 : i32
      %xor3A_654 = vector.broadcast %xor3A_653 : i32 to vector<64x1xi32>
      %xor3A_655 = arith.xori %or3A_652, %xor3A_654 : vector<64x1xi32>
      %ge3A_656 = vector.broadcast %xor3A_655 : vector<64x1xi32> to vector<64x2048xi32>
      %ge3A_657 = arith.cmpi sge, %select_n3A_282, %ge3A_656 : vector<64x2048xi32>
      %convert_element_type3A_658 = arith.extui %ge3A_657 : vector<64x2048xi1> to vector<64x2048xi32>
      %reduce_sum3A_659 = arith.constant dense<0> : vector<64xi32>
      %reduce_sum3A_660 = vector.multi_reduction <add>, %convert_element_type3A_658, %reduce_sum3A_659 [1] : vector<64x2048xi32> to vector<64xi32>
      %broadcast_in_dim3A_661 = vector.shape_cast %reduce_sum3A_660 : vector<64xi32> to vector<64x1xi32>
      %ge3A_662 = arith.cmpi sge, %broadcast_in_dim3A_661, %select_n3A_326 : vector<64x1xi32>
      %select_n3A_663 = arith.select %ge3A_662, %or3A_652, %select_n3A_649 : vector<64x1xi1>, vector<64x1xi32>
      %or3A_664 = arith.constant 128 : i32
      %or3A_665 = vector.broadcast %or3A_664 : i32 to vector<64x1xi32>
      %or3A_666 = arith.ori %select_n3A_663, %or3A_665 : vector<64x1xi32>
      %xor3A_667 = arith.constant -2147483648 : i32
      %xor3A_668 = vector.broadcast %xor3A_667 : i32 to vector<64x1xi32>
      %xor3A_669 = arith.xori %or3A_666, %xor3A_668 : vector<64x1xi32>
      %ge3A_670 = vector.broadcast %xor3A_669 : vector<64x1xi32> to vector<64x2048xi32>
      %ge3A_671 = arith.cmpi sge, %select_n3A_282, %ge3A_670 : vector<64x2048xi32>
      %convert_element_type3A_672 = arith.extui %ge3A_671 : vector<64x2048xi1> to vector<64x2048xi32>
      %reduce_sum3A_673 = arith.constant dense<0> : vector<64xi32>
      %reduce_sum3A_674 = vector.multi_reduction <add>, %convert_element_type3A_672, %reduce_sum3A_673 [1] : vector<64x2048xi32> to vector<64xi32>
      %broadcast_in_dim3A_675 = vector.shape_cast %reduce_sum3A_674 : vector<64xi32> to vector<64x1xi32>
      %ge3A_676 = arith.cmpi sge, %broadcast_in_dim3A_675, %select_n3A_326 : vector<64x1xi32>
      %select_n3A_677 = arith.select %ge3A_676, %or3A_666, %select_n3A_663 : vector<64x1xi1>, vector<64x1xi32>
      %or3A_678 = arith.constant 64 : i32
      %or3A_679 = vector.broadcast %or3A_678 : i32 to vector<64x1xi32>
      %or3A_680 = arith.ori %select_n3A_677, %or3A_679 : vector<64x1xi32>
      %xor3A_681 = arith.constant -2147483648 : i32
      %xor3A_682 = vector.broadcast %xor3A_681 : i32 to vector<64x1xi32>
      %xor3A_683 = arith.xori %or3A_680, %xor3A_682 : vector<64x1xi32>
      %ge3A_684 = vector.broadcast %xor3A_683 : vector<64x1xi32> to vector<64x2048xi32>
      %ge3A_685 = arith.cmpi sge, %select_n3A_282, %ge3A_684 : vector<64x2048xi32>
      %convert_element_type3A_686 = arith.extui %ge3A_685 : vector<64x2048xi1> to vector<64x2048xi32>
      %reduce_sum3A_687 = arith.constant dense<0> : vector<64xi32>
      %reduce_sum3A_688 = vector.multi_reduction <add>, %convert_element_type3A_686, %reduce_sum3A_687 [1] : vector<64x2048xi32> to vector<64xi32>
      %broadcast_in_dim3A_689 = vector.shape_cast %reduce_sum3A_688 : vector<64xi32> to vector<64x1xi32>
      %ge3A_690 = arith.cmpi sge, %broadcast_in_dim3A_689, %select_n3A_326 : vector<64x1xi32>
      %select_n3A_691 = arith.select %ge3A_690, %or3A_680, %select_n3A_677 : vector<64x1xi1>, vector<64x1xi32>
      %or3A_692 = arith.constant 32 : i32
      %or3A_693 = vector.broadcast %or3A_692 : i32 to vector<64x1xi32>
      %or3A_694 = arith.ori %select_n3A_691, %or3A_693 : vector<64x1xi32>
      %xor3A_695 = arith.constant -2147483648 : i32
      %xor3A_696 = vector.broadcast %xor3A_695 : i32 to vector<64x1xi32>
      %xor3A_697 = arith.xori %or3A_694, %xor3A_696 : vector<64x1xi32>
      %ge3A_698 = vector.broadcast %xor3A_697 : vector<64x1xi32> to vector<64x2048xi32>
      %ge3A_699 = arith.cmpi sge, %select_n3A_282, %ge3A_698 : vector<64x2048xi32>
      %convert_element_type3A_700 = arith.extui %ge3A_699 : vector<64x2048xi1> to vector<64x2048xi32>
      %reduce_sum3A_701 = arith.constant dense<0> : vector<64xi32>
      %reduce_sum3A_702 = vector.multi_reduction <add>, %convert_element_type3A_700, %reduce_sum3A_701 [1] : vector<64x2048xi32> to vector<64xi32>
      %broadcast_in_dim3A_703 = vector.shape_cast %reduce_sum3A_702 : vector<64xi32> to vector<64x1xi32>
      %ge3A_704 = arith.cmpi sge, %broadcast_in_dim3A_703, %select_n3A_326 : vector<64x1xi32>
      %select_n3A_705 = arith.select %ge3A_704, %or3A_694, %select_n3A_691 : vector<64x1xi1>, vector<64x1xi32>
      %or3A_706 = arith.constant 16 : i32
      %or3A_707 = vector.broadcast %or3A_706 : i32 to vector<64x1xi32>
      %or3A_708 = arith.ori %select_n3A_705, %or3A_707 : vector<64x1xi32>
      %xor3A_709 = arith.constant -2147483648 : i32
      %xor3A_710 = vector.broadcast %xor3A_709 : i32 to vector<64x1xi32>
      %xor3A_711 = arith.xori %or3A_708, %xor3A_710 : vector<64x1xi32>
      %ge3A_712 = vector.broadcast %xor3A_711 : vector<64x1xi32> to vector<64x2048xi32>
      %ge3A_713 = arith.cmpi sge, %select_n3A_282, %ge3A_712 : vector<64x2048xi32>
      %convert_element_type3A_714 = arith.extui %ge3A_713 : vector<64x2048xi1> to vector<64x2048xi32>
      %reduce_sum3A_715 = arith.constant dense<0> : vector<64xi32>
      %reduce_sum3A_716 = vector.multi_reduction <add>, %convert_element_type3A_714, %reduce_sum3A_715 [1] : vector<64x2048xi32> to vector<64xi32>
      %broadcast_in_dim3A_717 = vector.shape_cast %reduce_sum3A_716 : vector<64xi32> to vector<64x1xi32>
      %ge3A_718 = arith.cmpi sge, %broadcast_in_dim3A_717, %select_n3A_326 : vector<64x1xi32>
      %select_n3A_719 = arith.select %ge3A_718, %or3A_708, %select_n3A_705 : vector<64x1xi1>, vector<64x1xi32>
      %or3A_720 = arith.constant 8 : i32
      %or3A_721 = vector.broadcast %or3A_720 : i32 to vector<64x1xi32>
      %or3A_722 = arith.ori %select_n3A_719, %or3A_721 : vector<64x1xi32>
      %xor3A_723 = arith.constant -2147483648 : i32
      %xor3A_724 = vector.broadcast %xor3A_723 : i32 to vector<64x1xi32>
      %xor3A_725 = arith.xori %or3A_722, %xor3A_724 : vector<64x1xi32>
      %ge3A_726 = vector.broadcast %xor3A_725 : vector<64x1xi32> to vector<64x2048xi32>
      %ge3A_727 = arith.cmpi sge, %select_n3A_282, %ge3A_726 : vector<64x2048xi32>
      %convert_element_type3A_728 = arith.extui %ge3A_727 : vector<64x2048xi1> to vector<64x2048xi32>
      %reduce_sum3A_729 = arith.constant dense<0> : vector<64xi32>
      %reduce_sum3A_730 = vector.multi_reduction <add>, %convert_element_type3A_728, %reduce_sum3A_729 [1] : vector<64x2048xi32> to vector<64xi32>
      %broadcast_in_dim3A_731 = vector.shape_cast %reduce_sum3A_730 : vector<64xi32> to vector<64x1xi32>
      %ge3A_732 = arith.cmpi sge, %broadcast_in_dim3A_731, %select_n3A_326 : vector<64x1xi32>
      %select_n3A_733 = arith.select %ge3A_732, %or3A_722, %select_n3A_719 : vector<64x1xi1>, vector<64x1xi32>
      %or3A_734 = arith.constant 4 : i32
      %or3A_735 = vector.broadcast %or3A_734 : i32 to vector<64x1xi32>
      %or3A_736 = arith.ori %select_n3A_733, %or3A_735 : vector<64x1xi32>
      %xor3A_737 = arith.constant -2147483648 : i32
      %xor3A_738 = vector.broadcast %xor3A_737 : i32 to vector<64x1xi32>
      %xor3A_739 = arith.xori %or3A_736, %xor3A_738 : vector<64x1xi32>
      %ge3A_740 = vector.broadcast %xor3A_739 : vector<64x1xi32> to vector<64x2048xi32>
      %ge3A_741 = arith.cmpi sge, %select_n3A_282, %ge3A_740 : vector<64x2048xi32>
      %convert_element_type3A_742 = arith.extui %ge3A_741 : vector<64x2048xi1> to vector<64x2048xi32>
      %reduce_sum3A_743 = arith.constant dense<0> : vector<64xi32>
      %reduce_sum3A_744 = vector.multi_reduction <add>, %convert_element_type3A_742, %reduce_sum3A_743 [1] : vector<64x2048xi32> to vector<64xi32>
      %broadcast_in_dim3A_745 = vector.shape_cast %reduce_sum3A_744 : vector<64xi32> to vector<64x1xi32>
      %ge3A_746 = arith.cmpi sge, %broadcast_in_dim3A_745, %select_n3A_326 : vector<64x1xi32>
      %select_n3A_747 = arith.select %ge3A_746, %or3A_736, %select_n3A_733 : vector<64x1xi1>, vector<64x1xi32>
      %or3A_748 = arith.constant 2 : i32
      %or3A_749 = vector.broadcast %or3A_748 : i32 to vector<64x1xi32>
      %or3A_750 = arith.ori %select_n3A_747, %or3A_749 : vector<64x1xi32>
      %xor3A_751 = arith.constant -2147483648 : i32
      %xor3A_752 = vector.broadcast %xor3A_751 : i32 to vector<64x1xi32>
      %xor3A_753 = arith.xori %or3A_750, %xor3A_752 : vector<64x1xi32>
      %ge3A_754 = vector.broadcast %xor3A_753 : vector<64x1xi32> to vector<64x2048xi32>
      %ge3A_755 = arith.cmpi sge, %select_n3A_282, %ge3A_754 : vector<64x2048xi32>
      %convert_element_type3A_756 = arith.extui %ge3A_755 : vector<64x2048xi1> to vector<64x2048xi32>
      %reduce_sum3A_757 = arith.constant dense<0> : vector<64xi32>
      %reduce_sum3A_758 = vector.multi_reduction <add>, %convert_element_type3A_756, %reduce_sum3A_757 [1] : vector<64x2048xi32> to vector<64xi32>
      %broadcast_in_dim3A_759 = vector.shape_cast %reduce_sum3A_758 : vector<64xi32> to vector<64x1xi32>
      %ge3A_760 = arith.cmpi sge, %broadcast_in_dim3A_759, %select_n3A_326 : vector<64x1xi32>
      %select_n3A_761 = arith.select %ge3A_760, %or3A_750, %select_n3A_747 : vector<64x1xi1>, vector<64x1xi32>
      %or3A_762 = arith.constant 1 : i32
      %or3A_763 = vector.broadcast %or3A_762 : i32 to vector<64x1xi32>
      %or3A_764 = arith.ori %select_n3A_761, %or3A_763 : vector<64x1xi32>
      %xor3A_765 = arith.constant -2147483648 : i32
      %xor3A_766 = vector.broadcast %xor3A_765 : i32 to vector<64x1xi32>
      %xor3A_767 = arith.xori %or3A_764, %xor3A_766 : vector<64x1xi32>
      %ge3A_768 = vector.broadcast %xor3A_767 : vector<64x1xi32> to vector<64x2048xi32>
      %ge3A_769 = arith.cmpi sge, %select_n3A_282, %ge3A_768 : vector<64x2048xi32>
      %convert_element_type3A_770 = arith.extui %ge3A_769 : vector<64x2048xi1> to vector<64x2048xi32>
      %reduce_sum3A_771 = arith.constant dense<0> : vector<64xi32>
      %reduce_sum3A_772 = vector.multi_reduction <add>, %convert_element_type3A_770, %reduce_sum3A_771 [1] : vector<64x2048xi32> to vector<64xi32>
      %broadcast_in_dim3A_773 = vector.shape_cast %reduce_sum3A_772 : vector<64xi32> to vector<64x1xi32>
      %ge3A_774 = arith.cmpi sge, %broadcast_in_dim3A_773, %select_n3A_326 : vector<64x1xi32>
      %select_n3A_775 = arith.select %ge3A_774, %or3A_764, %select_n3A_761 : vector<64x1xi1>, vector<64x1xi32>
      %xor3A_776 = arith.constant -2147483648 : i32
      %xor3A_777 = vector.broadcast %xor3A_776 : i32 to vector<64x1xi32>
      %xor3A_778 = arith.xori %select_n3A_775, %xor3A_777 : vector<64x1xi32>
      %gt3A = vector.broadcast %xor3A_778 : vector<64x1xi32> to vector<64x2048xi32>
      %gt3A_779 = arith.cmpi sgt, %select_n3A_282, %gt3A : vector<64x2048xi32>
      %eq3A_780 = vector.broadcast %xor3A_778 : vector<64x1xi32> to vector<64x2048xi32>
      %eq3A_781 = arith.cmpi eq, %select_n3A_282, %eq3A_780 : vector<64x2048xi32>
      %convert_element_type3A_782 = arith.extui %gt3A_779 : vector<64x2048xi1> to vector<64x2048xi32>
      %reduce_sum3A_783 = arith.constant dense<0> : vector<64xi32>
      %reduce_sum3A_784 = vector.multi_reduction <add>, %convert_element_type3A_782, %reduce_sum3A_783 [1] : vector<64x2048xi32> to vector<64xi32>
      %broadcast_in_dim3A_785 = vector.shape_cast %reduce_sum3A_784 : vector<64xi32> to vector<64x1xi32>
      %sub3A_786 = arith.subi %select_n3A_326, %broadcast_in_dim3A_785 : vector<64x1xi32>
      %convert_element_type3A_787 = arith.sitofp %sub3A_786 : vector<64x1xi32> to vector<64x1xf32>
      %iota3A_788 = tpu.iota {dimensions = array<i32: 0>} : vector<2048x2048xi32>
      %iota3A_789 = tpu.iota {dimensions = array<i32: 1>} : vector<2048x2048xi32>
      %le3A = arith.cmpi sle, %iota3A_788, %iota3A_789 : vector<2048x2048xi32>
      %convert_element_type3A_790 = arith.extui %le3A : vector<2048x2048xi1> to vector<2048x2048xi32>
      %convert_element_type3A_791 = arith.sitofp %convert_element_type3A_790 : vector<2048x2048xi32> to vector<2048x2048xf32>
      %convert_element_type3A_792 = arith.truncf %convert_element_type3A_791 : vector<2048x2048xf32> to vector<2048x2048xbf16>
      %convert_element_type3A_793 = arith.extui %eq3A_781 : vector<64x2048xi1> to vector<64x2048xi32>
      %convert_element_type3A_794 = arith.sitofp %convert_element_type3A_793 : vector<64x2048xi32> to vector<64x2048xf32>
      %convert_element_type3A_795 = arith.truncf %convert_element_type3A_794 : vector<64x2048xf32> to vector<64x2048xbf16>
      %dot_general3A = arith.constant dense<0.000000e+00> : vector<64x2048xf32>
      %dot_general3A_796 = tpu.matmul %convert_element_type3A_795, %convert_element_type3A_792, %dot_general3A {dimension_numbers = #tpu.dot_dimension_numbers<[1], [0], [0], [1], [0, 0, 1, 1], [], []>, transpose_lhs_hint = false} : vector<64x2048xbf16>, vector<2048x2048xbf16>, vector<64x2048xf32> -> vector<64x2048xf32>
      %le3A_797 = vector.broadcast %convert_element_type3A_787 : vector<64x1xf32> to vector<64x2048xf32>
      %le3A_798 = arith.cmpf ole, %dot_general3A_796, %le3A_797 : vector<64x2048xf32>
      %and3A_799 = arith.andi %eq3A_781, %le3A_798 : vector<64x2048xi1>
      %or3A_800 = arith.ori %gt3A_779, %and3A_799 : vector<64x2048xi1>
      %jit3A_801 = arith.constant 1.000000e+00 : f32
      %jit3A_802 = arith.constant 0.000000e+00 : f32
      %broadcast_in_dim3A_803 = vector.broadcast %jit3A_801 : f32 to vector<64x2048xf32>
      %broadcast_in_dim3A_804 = vector.broadcast %jit3A_802 : f32 to vector<64x2048xf32>
      %select_n3A_805 = arith.select %or3A_800, %broadcast_in_dim3A_803, %broadcast_in_dim3A_804 : vector<64x2048xi1>, vector<64x2048xf32>
      %slice3A_806 = vector.extract_strided_slice %select_n3A_805 {offsets = [0, 0], sizes = [20, 2048], strides = [1, 1]} : vector<64x2048xf32> to vector<20x2048xf32>
      %slice3A_807 = vector.extract_strided_slice %slice3A_806 {offsets = [0, 0], sizes = [1, 2048], strides = [1, 1]} : vector<20x2048xf32> to vector<1x2048xf32>
      %squeeze3A = vector.shape_cast %slice3A_807 : vector<1x2048xf32> to vector<2048xf32>
      %slice3A_808 = vector.extract_strided_slice %slice3A_806 {offsets = [4, 0], sizes = [1, 2048], strides = [1, 1]} : vector<20x2048xf32> to vector<1x2048xf32>
      %squeeze3A_809 = vector.shape_cast %slice3A_808 : vector<1x2048xf32> to vector<2048xf32>
      %add3A_810 = arith.addf %squeeze3A, %squeeze3A_809 : vector<2048xf32>
      %slice3A_811 = vector.extract_strided_slice %slice3A_806 {offsets = [8, 0], sizes = [1, 2048], strides = [1, 1]} : vector<20x2048xf32> to vector<1x2048xf32>
      %squeeze3A_812 = vector.shape_cast %slice3A_811 : vector<1x2048xf32> to vector<2048xf32>
      %add3A_813 = arith.addf %add3A_810, %squeeze3A_812 : vector<2048xf32>
      %slice3A_814 = vector.extract_strided_slice %slice3A_806 {offsets = [12, 0], sizes = [1, 2048], strides = [1, 1]} : vector<20x2048xf32> to vector<1x2048xf32>
      %squeeze3A_815 = vector.shape_cast %slice3A_814 : vector<1x2048xf32> to vector<2048xf32>
      %add3A_816 = arith.addf %add3A_813, %squeeze3A_815 : vector<2048xf32>
      %slice3A_817 = vector.extract_strided_slice %slice3A_806 {offsets = [16, 0], sizes = [1, 2048], strides = [1, 1]} : vector<20x2048xf32> to vector<1x2048xf32>
      %squeeze3A_818 = vector.shape_cast %slice3A_817 : vector<1x2048xf32> to vector<2048xf32>
      %add3A_819 = arith.addf %add3A_816, %squeeze3A_818 : vector<2048xf32>
      %div3A_820 = arith.constant 5.000000e+00 : f32
      %div3A_821 = vector.broadcast %div3A_820 : f32 to vector<2048xf32>
      %div3A_822 = arith.divf %add3A_819, %div3A_821 : vector<2048xf32>
      %swap3A = arith.constant 0 : index
      %swap3A_823 = arith.constant 0 : index
      %swap3A_824 = arith.constant 0 : index
      %swap3A_825 = vector.load %arg9[%swap3A, %swap3A_823, %swap3A_824] : memref<4x3x2048xf32, #tpu.memory_space<vmem>>, vector<1x1x2048xf32>
      %swap3A_826 = vector.shape_cast %swap3A_825 : vector<1x1x2048xf32> to vector<2048xf32>
      %swap3A_827 = vector.shape_cast %div3A_822 : vector<2048xf32> to vector<1x1x2048xf32>
      tpu.vector_store %arg9[%swap3A, %swap3A_823, %swap3A_824], %swap3A_827 {strides = array<i32>} : memref<4x3x2048xf32, #tpu.memory_space<vmem>>, vector<1x1x2048xf32>,
      %swap3A_828 = arith.constant 0 : index
      %swap3A_829 = arith.constant 0 : index
      %swap3A_830 = arith.constant 0 : index
      %swap3A_831 = vector.load %arg10[%swap3A_828, %swap3A_829, %swap3A_830] : memref<3x4x2048xf32, #tpu.memory_space<vmem>>, vector<1x1x2048xf32>
      %swap3A_832 = vector.shape_cast %swap3A_831 : vector<1x1x2048xf32> to vector<2048xf32>
      %swap3A_833 = vector.shape_cast %div3A_822 : vector<2048xf32> to vector<1x1x2048xf32>
      tpu.vector_store %arg10[%swap3A_828, %swap3A_829, %swap3A_830], %swap3A_833 {strides = array<i32>} : memref<3x4x2048xf32, #tpu.memory_space<vmem>>, vector<1x1x2048xf32>,
      %slice3A_834 = vector.extract_strided_slice %slice3A_806 {offsets = [1, 0], sizes = [1, 2048], strides = [1, 1]} : vector<20x2048xf32> to vector<1x2048xf32>
      %squeeze3A_835 = vector.shape_cast %slice3A_834 : vector<1x2048xf32> to vector<2048xf32>
      %slice3A_836 = vector.extract_strided_slice %slice3A_806 {offsets = [5, 0], sizes = [1, 2048], strides = [1, 1]} : vector<20x2048xf32> to vector<1x2048xf32>
      %squeeze3A_837 = vector.shape_cast %slice3A_836 : vector<1x2048xf32> to vector<2048xf32>
      %add3A_838 = arith.addf %squeeze3A_835, %squeeze3A_837 : vector<2048xf32>
      %slice3A_839 = vector.extract_strided_slice %slice3A_806 {offsets = [9, 0], sizes = [1, 2048], strides = [1, 1]} : vector<20x2048xf32> to vector<1x2048xf32>
      %squeeze3A_840 = vector.shape_cast %slice3A_839 : vector<1x2048xf32> to vector<2048xf32>
      %add3A_841 = arith.addf %add3A_838, %squeeze3A_840 : vector<2048xf32>
      %slice3A_842 = vector.extract_strided_slice %slice3A_806 {offsets = [13, 0], sizes = [1, 2048], strides = [1, 1]} : vector<20x2048xf32> to vector<1x2048xf32>
      %squeeze3A_843 = vector.shape_cast %slice3A_842 : vector<1x2048xf32> to vector<2048xf32>
      %add3A_844 = arith.addf %add3A_841, %squeeze3A_843 : vector<2048xf32>
      %slice3A_845 = vector.extract_strided_slice %slice3A_806 {offsets = [17, 0], sizes = [1, 2048], strides = [1, 1]} : vector<20x2048xf32> to vector<1x2048xf32>
      %squeeze3A_846 = vector.shape_cast %slice3A_845 : vector<1x2048xf32> to vector<2048xf32>
      %add3A_847 = arith.addf %add3A_844, %squeeze3A_846 : vector<2048xf32>
      %div3A_848 = arith.constant 5.000000e+00 : f32
      %div3A_849 = vector.broadcast %div3A_848 : f32 to vector<2048xf32>
      %div3A_850 = arith.divf %add3A_847, %div3A_849 : vector<2048xf32>
      %swap3A_851 = arith.constant 1 : index
      %swap3A_852 = arith.constant 0 : index
      %swap3A_853 = arith.constant 0 : index
      %swap3A_854 = vector.load %arg9[%swap3A_851, %swap3A_852, %swap3A_853] : memref<4x3x2048xf32, #tpu.memory_space<vmem>>, vector<1x1x2048xf32>
      %swap3A_855 = vector.shape_cast %swap3A_854 : vector<1x1x2048xf32> to vector<2048xf32>
      %swap3A_856 = vector.shape_cast %div3A_850 : vector<2048xf32> to vector<1x1x2048xf32>
      tpu.vector_store %arg9[%swap3A_851, %swap3A_852, %swap3A_853], %swap3A_856 {strides = array<i32>} : memref<4x3x2048xf32, #tpu.memory_space<vmem>>, vector<1x1x2048xf32>,
      %swap3A_857 = arith.constant 0 : index
      %swap3A_858 = arith.constant 1 : index
      %swap3A_859 = arith.constant 0 : index
      %swap3A_860 = vector.load %arg10[%swap3A_857, %swap3A_858, %swap3A_859] : memref<3x4x2048xf32, #tpu.memory_space<vmem>>, vector<1x1x2048xf32>
      %swap3A_861 = vector.shape_cast %swap3A_860 : vector<1x1x2048xf32> to vector<2048xf32>
      %swap3A_862 = vector.shape_cast %div3A_850 : vector<2048xf32> to vector<1x1x2048xf32>
      tpu.vector_store %arg10[%swap3A_857, %swap3A_858, %swap3A_859], %swap3A_862 {strides = array<i32>} : memref<3x4x2048xf32, #tpu.memory_space<vmem>>, vector<1x1x2048xf32>,
      %slice3A_863 = vector.extract_strided_slice %slice3A_806 {offsets = [2, 0], sizes = [1, 2048], strides = [1, 1]} : vector<20x2048xf32> to vector<1x2048xf32>
      %squeeze3A_864 = vector.shape_cast %slice3A_863 : vector<1x2048xf32> to vector<2048xf32>
      %slice3A_865 = vector.extract_strided_slice %slice3A_806 {offsets = [6, 0], sizes = [1, 2048], strides = [1, 1]} : vector<20x2048xf32> to vector<1x2048xf32>
      %squeeze3A_866 = vector.shape_cast %slice3A_865 : vector<1x2048xf32> to vector<2048xf32>
      %add3A_867 = arith.addf %squeeze3A_864, %squeeze3A_866 : vector<2048xf32>
      %slice3A_868 = vector.extract_strided_slice %slice3A_806 {offsets = [10, 0], sizes = [1, 2048], strides = [1, 1]} : vector<20x2048xf32> to vector<1x2048xf32>
      %squeeze3A_869 = vector.shape_cast %slice3A_868 : vector<1x2048xf32> to vector<2048xf32>
      %add3A_870 = arith.addf %add3A_867, %squeeze3A_869 : vector<2048xf32>
      %slice3A_871 = vector.extract_strided_slice %slice3A_806 {offsets = [14, 0], sizes = [1, 2048], strides = [1, 1]} : vector<20x2048xf32> to vector<1x2048xf32>
      %squeeze3A_872 = vector.shape_cast %slice3A_871 : vector<1x2048xf32> to vector<2048xf32>
      %add3A_873 = arith.addf %add3A_870, %squeeze3A_872 : vector<2048xf32>
      %slice3A_874 = vector.extract_strided_slice %slice3A_806 {offsets = [18, 0], sizes = [1, 2048], strides = [1, 1]} : vector<20x2048xf32> to vector<1x2048xf32>
      %squeeze3A_875 = vector.shape_cast %slice3A_874 : vector<1x2048xf32> to vector<2048xf32>
      %add3A_876 = arith.addf %add3A_873, %squeeze3A_875 : vector<2048xf32>
      %div3A_877 = arith.constant 5.000000e+00 : f32
      %div3A_878 = vector.broadcast %div3A_877 : f32 to vector<2048xf32>
      %div3A_879 = arith.divf %add3A_876, %div3A_878 : vector<2048xf32>
      %swap3A_880 = arith.constant 2 : index
      %swap3A_881 = arith.constant 0 : index
      %swap3A_882 = arith.constant 0 : index
      %swap3A_883 = vector.load %arg9[%swap3A_880, %swap3A_881, %swap3A_882] : memref<4x3x2048xf32, #tpu.memory_space<vmem>>, vector<1x1x2048xf32>
      %swap3A_884 = vector.shape_cast %swap3A_883 : vector<1x1x2048xf32> to vector<2048xf32>
      %swap3A_885 = vector.shape_cast %div3A_879 : vector<2048xf32> to vector<1x1x2048xf32>
      tpu.vector_store %arg9[%swap3A_880, %swap3A_881, %swap3A_882], %swap3A_885 {strides = array<i32>} : memref<4x3x2048xf32, #tpu.memory_space<vmem>>, vector<1x1x2048xf32>,
      %swap3A_886 = arith.constant 0 : index
      %swap3A_887 = arith.constant 2 : index
      %swap3A_888 = arith.constant 0 : index
      %swap3A_889 = vector.load %arg10[%swap3A_886, %swap3A_887, %swap3A_888] : memref<3x4x2048xf32, #tpu.memory_space<vmem>>, vector<1x1x2048xf32>
      %swap3A_890 = vector.shape_cast %swap3A_889 : vector<1x1x2048xf32> to vector<2048xf32>
      %swap3A_891 = vector.shape_cast %div3A_879 : vector<2048xf32> to vector<1x1x2048xf32>
      tpu.vector_store %arg10[%swap3A_886, %swap3A_887, %swap3A_888], %swap3A_891 {strides = array<i32>} : memref<3x4x2048xf32, #tpu.memory_space<vmem>>, vector<1x1x2048xf32>,
      %slice3A_892 = vector.extract_strided_slice %slice3A_806 {offsets = [3, 0], sizes = [1, 2048], strides = [1, 1]} : vector<20x2048xf32> to vector<1x2048xf32>
      %squeeze3A_893 = vector.shape_cast %slice3A_892 : vector<1x2048xf32> to vector<2048xf32>
      %slice3A_894 = vector.extract_strided_slice %slice3A_806 {offsets = [7, 0], sizes = [1, 2048], strides = [1, 1]} : vector<20x2048xf32> to vector<1x2048xf32>
      %squeeze3A_895 = vector.shape_cast %slice3A_894 : vector<1x2048xf32> to vector<2048xf32>
      %add3A_896 = arith.addf %squeeze3A_893, %squeeze3A_895 : vector<2048xf32>
      %slice3A_897 = vector.extract_strided_slice %slice3A_806 {offsets = [11, 0], sizes = [1, 2048], strides = [1, 1]} : vector<20x2048xf32> to vector<1x2048xf32>
      %squeeze3A_898 = vector.shape_cast %slice3A_897 : vector<1x2048xf32> to vector<2048xf32>
      %add3A_899 = arith.addf %add3A_896, %squeeze3A_898 : vector<2048xf32>
      %slice3A_900 = vector.extract_strided_slice %slice3A_806 {offsets = [15, 0], sizes = [1, 2048], strides = [1, 1]} : vector<20x2048xf32> to vector<1x2048xf32>
      %squeeze3A_901 = vector.shape_cast %slice3A_900 : vector<1x2048xf32> to vector<2048xf32>
      %add3A_902 = arith.addf %add3A_899, %squeeze3A_901 : vector<2048xf32>
      %slice3A_903 = vector.extract_strided_slice %slice3A_806 {offsets = [19, 0], sizes = [1, 2048], strides = [1, 1]} : vector<20x2048xf32> to vector<1x2048xf32>
      %squeeze3A_904 = vector.shape_cast %slice3A_903 : vector<1x2048xf32> to vector<2048xf32>
      %add3A_905 = arith.addf %add3A_902, %squeeze3A_904 : vector<2048xf32>
      %div3A_906 = arith.constant 5.000000e+00 : f32
      %div3A_907 = vector.broadcast %div3A_906 : f32 to vector<2048xf32>
      %div3A_908 = arith.divf %add3A_905, %div3A_907 : vector<2048xf32>
      %swap3A_909 = arith.constant 3 : index
      %swap3A_910 = arith.constant 0 : index
      %swap3A_911 = arith.constant 0 : index
      %swap3A_912 = vector.load %arg9[%swap3A_909, %swap3A_910, %swap3A_911] : memref<4x3x2048xf32, #tpu.memory_space<vmem>>, vector<1x1x2048xf32>
      %swap3A_913 = vector.shape_cast %swap3A_912 : vector<1x1x2048xf32> to vector<2048xf32>
      %swap3A_914 = vector.shape_cast %div3A_908 : vector<2048xf32> to vector<1x1x2048xf32>
      tpu.vector_store %arg9[%swap3A_909, %swap3A_910, %swap3A_911], %swap3A_914 {strides = array<i32>} : memref<4x3x2048xf32, #tpu.memory_space<vmem>>, vector<1x1x2048xf32>,
      %swap3A_915 = arith.constant 0 : index
      %swap3A_916 = arith.constant 3 : index
      %swap3A_917 = arith.constant 0 : index
      %swap3A_918 = vector.load %arg10[%swap3A_915, %swap3A_916, %swap3A_917] : memref<3x4x2048xf32, #tpu.memory_space<vmem>>, vector<1x1x2048xf32>
      %swap3A_919 = vector.shape_cast %swap3A_918 : vector<1x1x2048xf32> to vector<2048xf32>
      %swap3A_920 = vector.shape_cast %div3A_908 : vector<2048xf32> to vector<1x1x2048xf32>
      tpu.vector_store %arg10[%swap3A_915, %swap3A_916, %swap3A_917], %swap3A_920 {strides = array<i32>} : memref<3x4x2048xf32, #tpu.memory_space<vmem>>, vector<1x1x2048xf32>,
      %slice3A_921 = vector.extract_strided_slice %select_n3A_805 {offsets = [20, 0], sizes = [20, 2048], strides = [1, 1]} : vector<64x2048xf32> to vector<20x2048xf32>
      %slice3A_922 = vector.extract_strided_slice %slice3A_921 {offsets = [0, 0], sizes = [1, 2048], strides = [1, 1]} : vector<20x2048xf32> to vector<1x2048xf32>
      %squeeze3A_923 = vector.shape_cast %slice3A_922 : vector<1x2048xf32> to vector<2048xf32>
      %slice3A_924 = vector.extract_strided_slice %slice3A_921 {offsets = [4, 0], sizes = [1, 2048], strides = [1, 1]} : vector<20x2048xf32> to vector<1x2048xf32>
      %squeeze3A_925 = vector.shape_cast %slice3A_924 : vector<1x2048xf32> to vector<2048xf32>
      %add3A_926 = arith.addf %squeeze3A_923, %squeeze3A_925 : vector<2048xf32>
      %slice3A_927 = vector.extract_strided_slice %slice3A_921 {offsets = [8, 0], sizes = [1, 2048], strides = [1, 1]} : vector<20x2048xf32> to vector<1x2048xf32>
      %squeeze3A_928 = vector.shape_cast %slice3A_927 : vector<1x2048xf32> to vector<2048xf32>
      %add3A_929 = arith.addf %add3A_926, %squeeze3A_928 : vector<2048xf32>
      %slice3A_930 = vector.extract_strided_slice %slice3A_921 {offsets = [12, 0], sizes = [1, 2048], strides = [1, 1]} : vector<20x2048xf32> to vector<1x2048xf32>
      %squeeze3A_931 = vector.shape_cast %slice3A_930 : vector<1x2048xf32> to vector<2048xf32>
      %add3A_932 = arith.addf %add3A_929, %squeeze3A_931 : vector<2048xf32>
      %slice3A_933 = vector.extract_strided_slice %slice3A_921 {offsets = [16, 0], sizes = [1, 2048], strides = [1, 1]} : vector<20x2048xf32> to vector<1x2048xf32>
      %squeeze3A_934 = vector.shape_cast %slice3A_933 : vector<1x2048xf32> to vector<2048xf32>
      %add3A_935 = arith.addf %add3A_932, %squeeze3A_934 : vector<2048xf32>
      %div3A_936 = arith.constant 5.000000e+00 : f32
      %div3A_937 = vector.broadcast %div3A_936 : f32 to vector<2048xf32>
      %div3A_938 = arith.divf %add3A_935, %div3A_937 : vector<2048xf32>
      %swap3A_939 = arith.constant 0 : index
      %swap3A_940 = arith.constant 1 : index
      %swap3A_941 = arith.constant 0 : index
      %swap3A_942 = vector.load %arg9[%swap3A_939, %swap3A_940, %swap3A_941] : memref<4x3x2048xf32, #tpu.memory_space<vmem>>, vector<1x1x2048xf32>
      %swap3A_943 = vector.shape_cast %swap3A_942 : vector<1x1x2048xf32> to vector<2048xf32>
      %swap3A_944 = vector.shape_cast %div3A_938 : vector<2048xf32> to vector<1x1x2048xf32>
      tpu.vector_store %arg9[%swap3A_939, %swap3A_940, %swap3A_941], %swap3A_944 {strides = array<i32>} : memref<4x3x2048xf32, #tpu.memory_space<vmem>>, vector<1x1x2048xf32>,
      %swap3A_945 = arith.constant 1 : index
      %swap3A_946 = arith.constant 0 : index
      %swap3A_947 = arith.constant 0 : index
      %swap3A_948 = vector.load %arg10[%swap3A_945, %swap3A_946, %swap3A_947] : memref<3x4x2048xf32, #tpu.memory_space<vmem>>, vector<1x1x2048xf32>
      %swap3A_949 = vector.shape_cast %swap3A_948 : vector<1x1x2048xf32> to vector<2048xf32>
      %swap3A_950 = vector.shape_cast %div3A_938 : vector<2048xf32> to vector<1x1x2048xf32>
      tpu.vector_store %arg10[%swap3A_945, %swap3A_946, %swap3A_947], %swap3A_950 {strides = array<i32>} : memref<3x4x2048xf32, #tpu.memory_space<vmem>>, vector<1x1x2048xf32>,
      %slice3A_951 = vector.extract_strided_slice %slice3A_921 {offsets = [1, 0], sizes = [1, 2048], strides = [1, 1]} : vector<20x2048xf32> to vector<1x2048xf32>
      %squeeze3A_952 = vector.shape_cast %slice3A_951 : vector<1x2048xf32> to vector<2048xf32>
      %slice3A_953 = vector.extract_strided_slice %slice3A_921 {offsets = [5, 0], sizes = [1, 2048], strides = [1, 1]} : vector<20x2048xf32> to vector<1x2048xf32>
      %squeeze3A_954 = vector.shape_cast %slice3A_953 : vector<1x2048xf32> to vector<2048xf32>
      %add3A_955 = arith.addf %squeeze3A_952, %squeeze3A_954 : vector<2048xf32>
      %slice3A_956 = vector.extract_strided_slice %slice3A_921 {offsets = [9, 0], sizes = [1, 2048], strides = [1, 1]} : vector<20x2048xf32> to vector<1x2048xf32>
      %squeeze3A_957 = vector.shape_cast %slice3A_956 : vector<1x2048xf32> to vector<2048xf32>
      %add3A_958 = arith.addf %add3A_955, %squeeze3A_957 : vector<2048xf32>
      %slice3A_959 = vector.extract_strided_slice %slice3A_921 {offsets = [13, 0], sizes = [1, 2048], strides = [1, 1]} : vector<20x2048xf32> to vector<1x2048xf32>
      %squeeze3A_960 = vector.shape_cast %slice3A_959 : vector<1x2048xf32> to vector<2048xf32>
      %add3A_961 = arith.addf %add3A_958, %squeeze3A_960 : vector<2048xf32>
      %slice3A_962 = vector.extract_strided_slice %slice3A_921 {offsets = [17, 0], sizes = [1, 2048], strides = [1, 1]} : vector<20x2048xf32> to vector<1x2048xf32>
      %squeeze3A_963 = vector.shape_cast %slice3A_962 : vector<1x2048xf32> to vector<2048xf32>
      %add3A_964 = arith.addf %add3A_961, %squeeze3A_963 : vector<2048xf32>
      %div3A_965 = arith.constant 5.000000e+00 : f32
      %div3A_966 = vector.broadcast %div3A_965 : f32 to vector<2048xf32>
      %div3A_967 = arith.divf %add3A_964, %div3A_966 : vector<2048xf32>
      %swap3A_968 = arith.constant 1 : index
      %swap3A_969 = arith.constant 1 : index
      %swap3A_970 = arith.constant 0 : index
      %swap3A_971 = vector.load %arg9[%swap3A_968, %swap3A_969, %swap3A_970] : memref<4x3x2048xf32, #tpu.memory_space<vmem>>, vector<1x1x2048xf32>
      %swap3A_972 = vector.shape_cast %swap3A_971 : vector<1x1x2048xf32> to vector<2048xf32>
      %swap3A_973 = vector.shape_cast %div3A_967 : vector<2048xf32> to vector<1x1x2048xf32>
      tpu.vector_store %arg9[%swap3A_968, %swap3A_969, %swap3A_970], %swap3A_973 {strides = array<i32>} : memref<4x3x2048xf32, #tpu.memory_space<vmem>>, vector<1x1x2048xf32>,
      %swap3A_974 = arith.constant 1 : index
      %swap3A_975 = arith.constant 1 : index
      %swap3A_976 = arith.constant 0 : index
      %swap3A_977 = vector.load %arg10[%swap3A_974, %swap3A_975, %swap3A_976] : memref<3x4x2048xf32, #tpu.memory_space<vmem>>, vector<1x1x2048xf32>
      %swap3A_978 = vector.shape_cast %swap3A_977 : vector<1x1x2048xf32> to vector<2048xf32>
      %swap3A_979 = vector.shape_cast %div3A_967 : vector<2048xf32> to vector<1x1x2048xf32>
      tpu.vector_store %arg10[%swap3A_974, %swap3A_975, %swap3A_976], %swap3A_979 {strides = array<i32>} : memref<3x4x2048xf32, #tpu.memory_space<vmem>>, vector<1x1x2048xf32>,
      %slice3A_980 = vector.extract_strided_slice %slice3A_921 {offsets = [2, 0], sizes = [1, 2048], strides = [1, 1]} : vector<20x2048xf32> to vector<1x2048xf32>
      %squeeze3A_981 = vector.shape_cast %slice3A_980 : vector<1x2048xf32> to vector<2048xf32>
      %slice3A_982 = vector.extract_strided_slice %slice3A_921 {offsets = [6, 0], sizes = [1, 2048], strides = [1, 1]} : vector<20x2048xf32> to vector<1x2048xf32>
      %squeeze3A_983 = vector.shape_cast %slice3A_982 : vector<1x2048xf32> to vector<2048xf32>
      %add3A_984 = arith.addf %squeeze3A_981, %squeeze3A_983 : vector<2048xf32>
      %slice3A_985 = vector.extract_strided_slice %slice3A_921 {offsets = [10, 0], sizes = [1, 2048], strides = [1, 1]} : vector<20x2048xf32> to vector<1x2048xf32>
      %squeeze3A_986 = vector.shape_cast %slice3A_985 : vector<1x2048xf32> to vector<2048xf32>
      %add3A_987 = arith.addf %add3A_984, %squeeze3A_986 : vector<2048xf32>
      %slice3A_988 = vector.extract_strided_slice %slice3A_921 {offsets = [14, 0], sizes = [1, 2048], strides = [1, 1]} : vector<20x2048xf32> to vector<1x2048xf32>
      %squeeze3A_989 = vector.shape_cast %slice3A_988 : vector<1x2048xf32> to vector<2048xf32>
      %add3A_990 = arith.addf %add3A_987, %squeeze3A_989 : vector<2048xf32>
      %slice3A_991 = vector.extract_strided_slice %slice3A_921 {offsets = [18, 0], sizes = [1, 2048], strides = [1, 1]} : vector<20x2048xf32> to vector<1x2048xf32>
      %squeeze3A_992 = vector.shape_cast %slice3A_991 : vector<1x2048xf32> to vector<2048xf32>
      %add3A_993 = arith.addf %add3A_990, %squeeze3A_992 : vector<2048xf32>
      %div3A_994 = arith.constant 5.000000e+00 : f32
      %div3A_995 = vector.broadcast %div3A_994 : f32 to vector<2048xf32>
      %div3A_996 = arith.divf %add3A_993, %div3A_995 : vector<2048xf32>
      %swap3A_997 = arith.constant 2 : index
      %swap3A_998 = arith.constant 1 : index
      %swap3A_999 = arith.constant 0 : index
      %swap3A_1000 = vector.load %arg9[%swap3A_997, %swap3A_998, %swap3A_999] : memref<4x3x2048xf32, #tpu.memory_space<vmem>>, vector<1x1x2048xf32>
      %swap3A_1001 = vector.shape_cast %swap3A_1000 : vector<1x1x2048xf32> to vector<2048xf32>
      %swap3A_1002 = vector.shape_cast %div3A_996 : vector<2048xf32> to vector<1x1x2048xf32>
      tpu.vector_store %arg9[%swap3A_997, %swap3A_998, %swap3A_999], %swap3A_1002 {strides = array<i32>} : memref<4x3x2048xf32, #tpu.memory_space<vmem>>, vector<1x1x2048xf32>,
      %swap3A_1003 = arith.constant 1 : index
      %swap3A_1004 = arith.constant 2 : index
      %swap3A_1005 = arith.constant 0 : index
      %swap3A_1006 = vector.load %arg10[%swap3A_1003, %swap3A_1004, %swap3A_1005] : memref<3x4x2048xf32, #tpu.memory_space<vmem>>, vector<1x1x2048xf32>
      %swap3A_1007 = vector.shape_cast %swap3A_1006 : vector<1x1x2048xf32> to vector<2048xf32>
      %swap3A_1008 = vector.shape_cast %div3A_996 : vector<2048xf32> to vector<1x1x2048xf32>
      tpu.vector_store %arg10[%swap3A_1003, %swap3A_1004, %swap3A_1005], %swap3A_1008 {strides = array<i32>} : memref<3x4x2048xf32, #tpu.memory_space<vmem>>, vector<1x1x2048xf32>,
      %slice3A_1009 = vector.extract_strided_slice %slice3A_921 {offsets = [3, 0], sizes = [1, 2048], strides = [1, 1]} : vector<20x2048xf32> to vector<1x2048xf32>
      %squeeze3A_1010 = vector.shape_cast %slice3A_1009 : vector<1x2048xf32> to vector<2048xf32>
      %slice3A_1011 = vector.extract_strided_slice %slice3A_921 {offsets = [7, 0], sizes = [1, 2048], strides = [1, 1]} : vector<20x2048xf32> to vector<1x2048xf32>
      %squeeze3A_1012 = vector.shape_cast %slice3A_1011 : vector<1x2048xf32> to vector<2048xf32>
      %add3A_1013 = arith.addf %squeeze3A_1010, %squeeze3A_1012 : vector<2048xf32>
      %slice3A_1014 = vector.extract_strided_slice %slice3A_921 {offsets = [11, 0], sizes = [1, 2048], strides = [1, 1]} : vector<20x2048xf32> to vector<1x2048xf32>
      %squeeze3A_1015 = vector.shape_cast %slice3A_1014 : vector<1x2048xf32> to vector<2048xf32>
      %add3A_1016 = arith.addf %add3A_1013, %squeeze3A_1015 : vector<2048xf32>
      %slice3A_1017 = vector.extract_strided_slice %slice3A_921 {offsets = [15, 0], sizes = [1, 2048], strides = [1, 1]} : vector<20x2048xf32> to vector<1x2048xf32>
      %squeeze3A_1018 = vector.shape_cast %slice3A_1017 : vector<1x2048xf32> to vector<2048xf32>
      %add3A_1019 = arith.addf %add3A_1016, %squeeze3A_1018 : vector<2048xf32>
      %slice3A_1020 = vector.extract_strided_slice %slice3A_921 {offsets = [19, 0], sizes = [1, 2048], strides = [1, 1]} : vector<20x2048xf32> to vector<1x2048xf32>
      %squeeze3A_1021 = vector.shape_cast %slice3A_1020 : vector<1x2048xf32> to vector<2048xf32>
      %add3A_1022 = arith.addf %add3A_1019, %squeeze3A_1021 : vector<2048xf32>
      %div3A_1023 = arith.constant 5.000000e+00 : f32
      %div3A_1024 = vector.broadcast %div3A_1023 : f32 to vector<2048xf32>
      %div3A_1025 = arith.divf %add3A_1022, %div3A_1024 : vector<2048xf32>
      %swap3A_1026 = arith.constant 3 : index
      %swap3A_1027 = arith.constant 1 : index
      %swap3A_1028 = arith.constant 0 : index
      %swap3A_1029 = vector.load %arg9[%swap3A_1026, %swap3A_1027, %swap3A_1028] : memref<4x3x2048xf32, #tpu.memory_space<vmem>>, vector<1x1x2048xf32>
      %swap3A_1030 = vector.shape_cast %swap3A_1029 : vector<1x1x2048xf32> to vector<2048xf32>
      %swap3A_1031 = vector.shape_cast %div3A_1025 : vector<2048xf32> to vector<1x1x2048xf32>
      tpu.vector_store %arg9[%swap3A_1026, %swap3A_1027, %swap3A_1028], %swap3A_1031 {strides = array<i32>} : memref<4x3x2048xf32, #tpu.memory_space<vmem>>, vector<1x1x2048xf32>,
      %swap3A_1032 = arith.constant 1 : index
      %swap3A_1033 = arith.constant 3 : index
      %swap3A_1034 = arith.constant 0 : index
      %swap3A_1035 = vector.load %arg10[%swap3A_1032, %swap3A_1033, %swap3A_1034] : memref<3x4x2048xf32, #tpu.memory_space<vmem>>, vector<1x1x2048xf32>
      %swap3A_1036 = vector.shape_cast %swap3A_1035 : vector<1x1x2048xf32> to vector<2048xf32>
      %swap3A_1037 = vector.shape_cast %div3A_1025 : vector<2048xf32> to vector<1x1x2048xf32>
      tpu.vector_store %arg10[%swap3A_1032, %swap3A_1033, %swap3A_1034], %swap3A_1037 {strides = array<i32>} : memref<3x4x2048xf32, #tpu.memory_space<vmem>>, vector<1x1x2048xf32>,
      %slice3A_1038 = vector.extract_strided_slice %select_n3A_805 {offsets = [40, 0], sizes = [20, 2048], strides = [1, 1]} : vector<64x2048xf32> to vector<20x2048xf32>
      %slice3A_1039 = vector.extract_strided_slice %slice3A_1038 {offsets = [0, 0], sizes = [1, 2048], strides = [1, 1]} : vector<20x2048xf32> to vector<1x2048xf32>
      %squeeze3A_1040 = vector.shape_cast %slice3A_1039 : vector<1x2048xf32> to vector<2048xf32>
      %slice3A_1041 = vector.extract_strided_slice %slice3A_1038 {offsets = [4, 0], sizes = [1, 2048], strides = [1, 1]} : vector<20x2048xf32> to vector<1x2048xf32>
      %squeeze3A_1042 = vector.shape_cast %slice3A_1041 : vector<1x2048xf32> to vector<2048xf32>
      %add3A_1043 = arith.addf %squeeze3A_1040, %squeeze3A_1042 : vector<2048xf32>
      %slice3A_1044 = vector.extract_strided_slice %slice3A_1038 {offsets = [8, 0], sizes = [1, 2048], strides = [1, 1]} : vector<20x2048xf32> to vector<1x2048xf32>
      %squeeze3A_1045 = vector.shape_cast %slice3A_1044 : vector<1x2048xf32> to vector<2048xf32>
      %add3A_1046 = arith.addf %add3A_1043, %squeeze3A_1045 : vector<2048xf32>
      %slice3A_1047 = vector.extract_strided_slice %slice3A_1038 {offsets = [12, 0], sizes = [1, 2048], strides = [1, 1]} : vector<20x2048xf32> to vector<1x2048xf32>
      %squeeze3A_1048 = vector.shape_cast %slice3A_1047 : vector<1x2048xf32> to vector<2048xf32>
      %add3A_1049 = arith.addf %add3A_1046, %squeeze3A_1048 : vector<2048xf32>
      %slice3A_1050 = vector.extract_strided_slice %slice3A_1038 {offsets = [16, 0], sizes = [1, 2048], strides = [1, 1]} : vector<20x2048xf32> to vector<1x2048xf32>
      %squeeze3A_1051 = vector.shape_cast %slice3A_1050 : vector<1x2048xf32> to vector<2048xf32>
      %add3A_1052 = arith.addf %add3A_1049, %squeeze3A_1051 : vector<2048xf32>
      %div3A_1053 = arith.constant 5.000000e+00 : f32
      %div3A_1054 = vector.broadcast %div3A_1053 : f32 to vector<2048xf32>
      %div3A_1055 = arith.divf %add3A_1052, %div3A_1054 : vector<2048xf32>
      %swap3A_1056 = arith.constant 0 : index
      %swap3A_1057 = arith.constant 2 : index
      %swap3A_1058 = arith.constant 0 : index
      %swap3A_1059 = vector.load %arg9[%swap3A_1056, %swap3A_1057, %swap3A_1058] : memref<4x3x2048xf32, #tpu.memory_space<vmem>>, vector<1x1x2048xf32>
      %swap3A_1060 = vector.shape_cast %swap3A_1059 : vector<1x1x2048xf32> to vector<2048xf32>
      %swap3A_1061 = vector.shape_cast %div3A_1055 : vector<2048xf32> to vector<1x1x2048xf32>
      tpu.vector_store %arg9[%swap3A_1056, %swap3A_1057, %swap3A_1058], %swap3A_1061 {strides = array<i32>} : memref<4x3x2048xf32, #tpu.memory_space<vmem>>, vector<1x1x2048xf32>,
      %swap3A_1062 = arith.constant 2 : index
      %swap3A_1063 = arith.constant 0 : index
      %swap3A_1064 = arith.constant 0 : index
      %swap3A_1065 = vector.load %arg10[%swap3A_1062, %swap3A_1063, %swap3A_1064] : memref<3x4x2048xf32, #tpu.memory_space<vmem>>, vector<1x1x2048xf32>
      %swap3A_1066 = vector.shape_cast %swap3A_1065 : vector<1x1x2048xf32> to vector<2048xf32>
      %swap3A_1067 = vector.shape_cast %div3A_1055 : vector<2048xf32> to vector<1x1x2048xf32>
      tpu.vector_store %arg10[%swap3A_1062, %swap3A_1063, %swap3A_1064], %swap3A_1067 {strides = array<i32>} : memref<3x4x2048xf32, #tpu.memory_space<vmem>>, vector<1x1x2048xf32>,
      %swap3A_1068 = arith.constant 0 : index
      %swap3A_1069 = arith.constant 0 : index
      %swap3A_1070 = vector.load %arg11[%swap3A_1068, %swap3A_1069] : memref<4x2048xf32, #tpu.memory_space<vmem>>, vector<1x2048xf32>
      %swap3A_1071 = vector.shape_cast %swap3A_1070 : vector<1x2048xf32> to vector<2048xf32>
      %swap3A_1072 = vector.shape_cast %div3A_1055 : vector<2048xf32> to vector<1x2048xf32>
      tpu.vector_store %arg11[%swap3A_1068, %swap3A_1069], %swap3A_1072 {strides = array<i32>} : memref<4x2048xf32, #tpu.memory_space<vmem>>, vector<1x2048xf32>,
      %slice3A_1073 = vector.extract_strided_slice %slice3A_1038 {offsets = [1, 0], sizes = [1, 2048], strides = [1, 1]} : vector<20x2048xf32> to vector<1x2048xf32>
      %squeeze3A_1074 = vector.shape_cast %slice3A_1073 : vector<1x2048xf32> to vector<2048xf32>
      %slice3A_1075 = vector.extract_strided_slice %slice3A_1038 {offsets = [5, 0], sizes = [1, 2048], strides = [1, 1]} : vector<20x2048xf32> to vector<1x2048xf32>
      %squeeze3A_1076 = vector.shape_cast %slice3A_1075 : vector<1x2048xf32> to vector<2048xf32>
      %add3A_1077 = arith.addf %squeeze3A_1074, %squeeze3A_1076 : vector<2048xf32>
      %slice3A_1078 = vector.extract_strided_slice %slice3A_1038 {offsets = [9, 0], sizes = [1, 2048], strides = [1, 1]} : vector<20x2048xf32> to vector<1x2048xf32>
      %squeeze3A_1079 = vector.shape_cast %slice3A_1078 : vector<1x2048xf32> to vector<2048xf32>
      %add3A_1080 = arith.addf %add3A_1077, %squeeze3A_1079 : vector<2048xf32>
      %slice3A_1081 = vector.extract_strided_slice %slice3A_1038 {offsets = [13, 0], sizes = [1, 2048], strides = [1, 1]} : vector<20x2048xf32> to vector<1x2048xf32>
      %squeeze3A_1082 = vector.shape_cast %slice3A_1081 : vector<1x2048xf32> to vector<2048xf32>
      %add3A_1083 = arith.addf %add3A_1080, %squeeze3A_1082 : vector<2048xf32>
      %slice3A_1084 = vector.extract_strided_slice %slice3A_1038 {offsets = [17, 0], sizes = [1, 2048], strides = [1, 1]} : vector<20x2048xf32> to vector<1x2048xf32>
      %squeeze3A_1085 = vector.shape_cast %slice3A_1084 : vector<1x2048xf32> to vector<2048xf32>
      %add3A_1086 = arith.addf %add3A_1083, %squeeze3A_1085 : vector<2048xf32>
      %div3A_1087 = arith.constant 5.000000e+00 : f32
      %div3A_1088 = vector.broadcast %div3A_1087 : f32 to vector<2048xf32>
      %div3A_1089 = arith.divf %add3A_1086, %div3A_1088 : vector<2048xf32>
      %swap3A_1090 = arith.constant 1 : index
      %swap3A_1091 = arith.constant 2 : index
      %swap3A_1092 = arith.constant 0 : index
      %swap3A_1093 = vector.load %arg9[%swap3A_1090, %swap3A_1091, %swap3A_1092] : memref<4x3x2048xf32, #tpu.memory_space<vmem>>, vector<1x1x2048xf32>
      %swap3A_1094 = vector.shape_cast %swap3A_1093 : vector<1x1x2048xf32> to vector<2048xf32>
      %swap3A_1095 = vector.shape_cast %div3A_1089 : vector<2048xf32> to vector<1x1x2048xf32>
      tpu.vector_store %arg9[%swap3A_1090, %swap3A_1091, %swap3A_1092], %swap3A_1095 {strides = array<i32>} : memref<4x3x2048xf32, #tpu.memory_space<vmem>>, vector<1x1x2048xf32>,
      %swap3A_1096 = arith.constant 2 : index
      %swap3A_1097 = arith.constant 1 : index
      %swap3A_1098 = arith.constant 0 : index
      %swap3A_1099 = vector.load %arg10[%swap3A_1096, %swap3A_1097, %swap3A_1098] : memref<3x4x2048xf32, #tpu.memory_space<vmem>>, vector<1x1x2048xf32>
      %swap3A_1100 = vector.shape_cast %swap3A_1099 : vector<1x1x2048xf32> to vector<2048xf32>
      %swap3A_1101 = vector.shape_cast %div3A_1089 : vector<2048xf32> to vector<1x1x2048xf32>
      tpu.vector_store %arg10[%swap3A_1096, %swap3A_1097, %swap3A_1098], %swap3A_1101 {strides = array<i32>} : memref<3x4x2048xf32, #tpu.memory_space<vmem>>, vector<1x1x2048xf32>,
      %swap3A_1102 = arith.constant 1 : index
      %swap3A_1103 = arith.constant 0 : index
      %swap3A_1104 = vector.load %arg11[%swap3A_1102, %swap3A_1103] : memref<4x2048xf32, #tpu.memory_space<vmem>>, vector<1x2048xf32>
      %swap3A_1105 = vector.shape_cast %swap3A_1104 : vector<1x2048xf32> to vector<2048xf32>
      %swap3A_1106 = vector.shape_cast %div3A_1089 : vector<2048xf32> to vector<1x2048xf32>
      tpu.vector_store %arg11[%swap3A_1102, %swap3A_1103], %swap3A_1106 {strides = array<i32>} : memref<4x2048xf32, #tpu.memory_space<vmem>>, vector<1x2048xf32>,
      %slice3A_1107 = vector.extract_strided_slice %slice3A_1038 {offsets = [2, 0], sizes = [1, 2048], strides = [1, 1]} : vector<20x2048xf32> to vector<1x2048xf32>
      %squeeze3A_1108 = vector.shape_cast %slice3A_1107 : vector<1x2048xf32> to vector<2048xf32>
      %slice3A_1109 = vector.extract_strided_slice %slice3A_1038 {offsets = [6, 0], sizes = [1, 2048], strides = [1, 1]} : vector<20x2048xf32> to vector<1x2048xf32>
      %squeeze3A_1110 = vector.shape_cast %slice3A_1109 : vector<1x2048xf32> to vector<2048xf32>
      %add3A_1111 = arith.addf %squeeze3A_1108, %squeeze3A_1110 : vector<2048xf32>
      %slice3A_1112 = vector.extract_strided_slice %slice3A_1038 {offsets = [10, 0], sizes = [1, 2048], strides = [1, 1]} : vector<20x2048xf32> to vector<1x2048xf32>
      %squeeze3A_1113 = vector.shape_cast %slice3A_1112 : vector<1x2048xf32> to vector<2048xf32>
      %add3A_1114 = arith.addf %add3A_1111, %squeeze3A_1113 : vector<2048xf32>
      %slice3A_1115 = vector.extract_strided_slice %slice3A_1038 {offsets = [14, 0], sizes = [1, 2048], strides = [1, 1]} : vector<20x2048xf32> to vector<1x2048xf32>
      %squeeze3A_1116 = vector.shape_cast %slice3A_1115 : vector<1x2048xf32> to vector<2048xf32>
      %add3A_1117 = arith.addf %add3A_1114, %squeeze3A_1116 : vector<2048xf32>
      %slice3A_1118 = vector.extract_strided_slice %slice3A_1038 {offsets = [18, 0], sizes = [1, 2048], strides = [1, 1]} : vector<20x2048xf32> to vector<1x2048xf32>
      %squeeze3A_1119 = vector.shape_cast %slice3A_1118 : vector<1x2048xf32> to vector<2048xf32>
      %add3A_1120 = arith.addf %add3A_1117, %squeeze3A_1119 : vector<2048xf32>
      %div3A_1121 = arith.constant 5.000000e+00 : f32
      %div3A_1122 = vector.broadcast %div3A_1121 : f32 to vector<2048xf32>
      %div3A_1123 = arith.divf %add3A_1120, %div3A_1122 : vector<2048xf32>
      %swap3A_1124 = arith.constant 2 : index
      %swap3A_1125 = arith.constant 2 : index
      %swap3A_1126 = arith.constant 0 : index
      %swap3A_1127 = vector.load %arg9[%swap3A_1124, %swap3A_1125, %swap3A_1126] : memref<4x3x2048xf32, #tpu.memory_space<vmem>>, vector<1x1x2048xf32>
      %swap3A_1128 = vector.shape_cast %swap3A_1127 : vector<1x1x2048xf32> to vector<2048xf32>
      %swap3A_1129 = vector.shape_cast %div3A_1123 : vector<2048xf32> to vector<1x1x2048xf32>
      tpu.vector_store %arg9[%swap3A_1124, %swap3A_1125, %swap3A_1126], %swap3A_1129 {strides = array<i32>} : memref<4x3x2048xf32, #tpu.memory_space<vmem>>, vector<1x1x2048xf32>,
      %swap3A_1130 = arith.constant 2 : index
      %swap3A_1131 = arith.constant 2 : index
      %swap3A_1132 = arith.constant 0 : index
      %swap3A_1133 = vector.load %arg10[%swap3A_1130, %swap3A_1131, %swap3A_1132] : memref<3x4x2048xf32, #tpu.memory_space<vmem>>, vector<1x1x2048xf32>
      %swap3A_1134 = vector.shape_cast %swap3A_1133 : vector<1x1x2048xf32> to vector<2048xf32>
      %swap3A_1135 = vector.shape_cast %div3A_1123 : vector<2048xf32> to vector<1x1x2048xf32>
      tpu.vector_store %arg10[%swap3A_1130, %swap3A_1131, %swap3A_1132], %swap3A_1135 {strides = array<i32>} : memref<3x4x2048xf32, #tpu.memory_space<vmem>>, vector<1x1x2048xf32>,
      %swap3A_1136 = arith.constant 2 : index
      %swap3A_1137 = arith.constant 0 : index
      %swap3A_1138 = vector.load %arg11[%swap3A_1136, %swap3A_1137] : memref<4x2048xf32, #tpu.memory_space<vmem>>, vector<1x2048xf32>
      %swap3A_1139 = vector.shape_cast %swap3A_1138 : vector<1x2048xf32> to vector<2048xf32>
      %swap3A_1140 = vector.shape_cast %div3A_1123 : vector<2048xf32> to vector<1x2048xf32>
      tpu.vector_store %arg11[%swap3A_1136, %swap3A_1137], %swap3A_1140 {strides = array<i32>} : memref<4x2048xf32, #tpu.memory_space<vmem>>, vector<1x2048xf32>,
      %slice3A_1141 = vector.extract_strided_slice %slice3A_1038 {offsets = [3, 0], sizes = [1, 2048], strides = [1, 1]} : vector<20x2048xf32> to vector<1x2048xf32>
      %squeeze3A_1142 = vector.shape_cast %slice3A_1141 : vector<1x2048xf32> to vector<2048xf32>
      %slice3A_1143 = vector.extract_strided_slice %slice3A_1038 {offsets = [7, 0], sizes = [1, 2048], strides = [1, 1]} : vector<20x2048xf32> to vector<1x2048xf32>
      %squeeze3A_1144 = vector.shape_cast %slice3A_1143 : vector<1x2048xf32> to vector<2048xf32>
      %add3A_1145 = arith.addf %squeeze3A_1142, %squeeze3A_1144 : vector<2048xf32>
      %slice3A_1146 = vector.extract_strided_slice %slice3A_1038 {offsets = [11, 0], sizes = [1, 2048], strides = [1, 1]} : vector<20x2048xf32> to vector<1x2048xf32>
      %squeeze3A_1147 = vector.shape_cast %slice3A_1146 : vector<1x2048xf32> to vector<2048xf32>
      %add3A_1148 = arith.addf %add3A_1145, %squeeze3A_1147 : vector<2048xf32>
      %slice3A_1149 = vector.extract_strided_slice %slice3A_1038 {offsets = [15, 0], sizes = [1, 2048], strides = [1, 1]} : vector<20x2048xf32> to vector<1x2048xf32>
      %squeeze3A_1150 = vector.shape_cast %slice3A_1149 : vector<1x2048xf32> to vector<2048xf32>
      %add3A_1151 = arith.addf %add3A_1148, %squeeze3A_1150 : vector<2048xf32>
      %slice3A_1152 = vector.extract_strided_slice %slice3A_1038 {offsets = [19, 0], sizes = [1, 2048], strides = [1, 1]} : vector<20x2048xf32> to vector<1x2048xf32>
      %squeeze3A_1153 = vector.shape_cast %slice3A_1152 : vector<1x2048xf32> to vector<2048xf32>
      %add3A_1154 = arith.addf %add3A_1151, %squeeze3A_1153 : vector<2048xf32>
      %div3A_1155 = arith.constant 5.000000e+00 : f32
      %div3A_1156 = vector.broadcast %div3A_1155 : f32 to vector<2048xf32>
      %div3A_1157 = arith.divf %add3A_1154, %div3A_1156 : vector<2048xf32>
      %swap3A_1158 = arith.constant 3 : index
      %swap3A_1159 = arith.constant 2 : index
      %swap3A_1160 = arith.constant 0 : index
      %swap3A_1161 = vector.load %arg9[%swap3A_1158, %swap3A_1159, %swap3A_1160] : memref<4x3x2048xf32, #tpu.memory_space<vmem>>, vector<1x1x2048xf32>
      %swap3A_1162 = vector.shape_cast %swap3A_1161 : vector<1x1x2048xf32> to vector<2048xf32>
      %swap3A_1163 = vector.shape_cast %div3A_1157 : vector<2048xf32> to vector<1x1x2048xf32>
      tpu.vector_store %arg9[%swap3A_1158, %swap3A_1159, %swap3A_1160], %swap3A_1163 {strides = array<i32>} : memref<4x3x2048xf32, #tpu.memory_space<vmem>>, vector<1x1x2048xf32>,
      %swap3A_1164 = arith.constant 2 : index
      %swap3A_1165 = arith.constant 3 : index
      %swap3A_1166 = arith.constant 0 : index
      %swap3A_1167 = vector.load %arg10[%swap3A_1164, %swap3A_1165, %swap3A_1166] : memref<3x4x2048xf32, #tpu.memory_space<vmem>>, vector<1x1x2048xf32>
      %swap3A_1168 = vector.shape_cast %swap3A_1167 : vector<1x1x2048xf32> to vector<2048xf32>
      %swap3A_1169 = vector.shape_cast %div3A_1157 : vector<2048xf32> to vector<1x1x2048xf32>
      tpu.vector_store %arg10[%swap3A_1164, %swap3A_1165, %swap3A_1166], %swap3A_1169 {strides = array<i32>} : memref<3x4x2048xf32, #tpu.memory_space<vmem>>, vector<1x1x2048xf32>,
      %swap3A_1170 = arith.constant 3 : index
      %swap3A_1171 = arith.constant 0 : index
      %swap3A_1172 = vector.load %arg11[%swap3A_1170, %swap3A_1171] : memref<4x2048xf32, #tpu.memory_space<vmem>>, vector<1x2048xf32>
      %swap3A_1173 = vector.shape_cast %swap3A_1172 : vector<1x2048xf32> to vector<2048xf32>
      %swap3A_1174 = vector.shape_cast %div3A_1157 : vector<2048xf32> to vector<1x2048xf32>
      tpu.vector_store %arg11[%swap3A_1170, %swap3A_1171], %swap3A_1174 {strides = array<i32>} : memref<4x2048xf32, #tpu.memory_space<vmem>>, vector<1x2048xf32>,
    } else {
    }
    return
  }
  func.func @transform_0(%arg0: i32) -> (i32, i32) {
    %min3A = arith.constant 7 : i32
    %min3A_0 = arith.minsi %arg0, %min3A : i32
    %c0_i32 = arith.constant 0 : i32
    %c0_i32_1 = arith.constant 0 : i32
    return %min3A_0, %c0_i32 : i32, i32
  }
  func.func @transform_1(%arg0: i32) -> i32 {
    %c0_i32 = arith.constant 0 : i32
    %c0_i32_0 = arith.constant 0 : i32
    return %c0_i32 : i32
  }
  func.func @transform_2(%arg0: i32) -> i32 {
    %c0_i32 = arith.constant 0 : i32
    %c0_i32_0 = arith.constant 0 : i32
    return %c0_i32 : i32
  }
  func.func @transform_3(%arg0: i32) -> (i32, i32) {
    %c0_i32 = arith.constant 0 : i32
    %c0_i32_0 = arith.constant 0 : i32
    %c0_i32_1 = arith.constant 0 : i32
    return %c0_i32, %c0_i32_0 : i32, i32
  }
  func.func @transform_4(%arg0: i32) -> i32 {
    %c0_i32 = arith.constant 0 : i32
    %c0_i32_0 = arith.constant 0 : i32
    return %c0_i32 : i32
  }
  func.func @transform_5(%arg0: i32) -> i32 {
    %c0_i32 = arith.constant 0 : i32
    %c0_i32_0 = arith.constant 0 : i32
    return %c0_i32 : i32
  }
  func.func @transform_6(%arg0: i32) -> i32 {
    %c0_i32 = arith.constant 0 : i32
    %c0_i32_0 = arith.constant 0 : i32
    return %c0_i32 : i32
  }
  func.func @transform_7(%arg0: i32) -> (i32, i32) {
    %c0_i32 = arith.constant 0 : i32
    %c0_i32_0 = arith.constant 0 : i32
    %c0_i32_1 = arith.constant 0 : i32
    return %c0_i32, %c0_i32_0 : i32, i32
  }
  func.func @transform_8(%arg0: i32) -> (i32, i32, i32) {
    %c0_i32 = arith.constant 0 : i32
    %c0_i32_0 = arith.constant 0 : i32
    %c0_i32_1 = arith.constant 0 : i32
    %c0_i32_2 = arith.constant 0 : i32
    return %c0_i32, %c0_i32_0, %c0_i32_1 : i32, i32, i32
  }
  func.func @transform_9(%arg0: i32) -> (i32, i32, i32) {
    %c0_i32 = arith.constant 0 : i32
    %c0_i32_0 = arith.constant 0 : i32
    %c0_i32_1 = arith.constant 0 : i32
    %c0_i32_2 = arith.constant 0 : i32
    return %c0_i32, %c0_i32_0, %c0_i32_1 : i32, i32, i32
  }
  func.func @transform_10(%arg0: i32) -> (i32, i32) {
    %c0_i32 = arith.constant 0 : i32
    %c0_i32_0 = arith.constant 0 : i32
    %c0_i32_1 = arith.constant 0 : i32
    return %c0_i32, %c0_i32_0 : i32, i32
  }
}

module attributes {stable_mosaic.version = 14 : i64} {
  func.func @_pool_body(%arg0: i32, %arg1: memref<2048x1024xf32, #tpu.memory_space<vmem>>, %arg2: memref<1x3x2048xf32, #tpu.memory_space<vmem>>, %arg3: memref<1x128xf32, #tpu.memory_space<vmem>>) attributes {dimension_semantics = [#tpu.dimension_semantics<arbitrary>], iteration_bounds = array<i64: 4>, scalar_prefetch = 0 : i64, scratch_operands = 0 : i64, tpu.core_type = #tpu.core_type<tc>, window_params = [{transform_indices = @transform_0, window_bounds = array<i64: 2048, 1024>}, {transform_indices = @transform_1, window_bounds = array<i64: 1, 3, 2048>}, {pipeline_mode = #tpu.pipeline_mode<synchronous>, transform_indices = @transform_2, window_bounds = array<i64: 1, 128>}]} {
    %get3A = arith.constant 0 : index
    %get3A_0 = arith.constant 0 : index
    %get3A_1 = vector.load %arg1[%get3A, %get3A_0] : memref<2048x1024xf32, #tpu.memory_space<vmem>>, vector<2048x1024xf32>
    %get3A_2 = arith.constant 0 : index
    %get3A_3 = arith.constant 0 : index
    %get3A_4 = arith.constant 0 : index
    %get3A_5 = vector.load %arg2[%get3A_2, %get3A_3, %get3A_4] : memref<1x3x2048xf32, #tpu.memory_space<vmem>>, vector<1x3x2048xf32>
    %get3A_6 = vector.shape_cast %get3A_5 : vector<1x3x2048xf32> to vector<3x2048xf32>
    %broadcast_in_dim3A = arith.constant 1.000000e+00 : f32
    %broadcast_in_dim3A_7 = vector.broadcast %broadcast_in_dim3A : f32 to vector<1x2048xf32>
    %slice3A = vector.extract_strided_slice %get3A_6 {offsets = [0, 0], sizes = [1, 2048], strides = [1, 1]} : vector<3x2048xf32> to vector<1x2048xf32>
    %mul3A = arith.mulf %slice3A, %slice3A : vector<1x2048xf32>
    %slice3A_8 = vector.extract_strided_slice %get3A_6 {offsets = [1, 0], sizes = [1, 2048], strides = [1, 1]} : vector<3x2048xf32> to vector<1x2048xf32>
    %mul3A_9 = arith.mulf %slice3A_8, %slice3A_8 : vector<1x2048xf32>
    %slice3A_10 = vector.extract_strided_slice %get3A_6 {offsets = [2, 0], sizes = [1, 2048], strides = [1, 1]} : vector<3x2048xf32> to vector<1x2048xf32>
    %mul3A_11 = arith.mulf %slice3A_10, %slice3A_10 : vector<1x2048xf32>
    %broadcast_in_dim3A_12 = arith.constant 0.000000e+00 : f32
    %broadcast_in_dim3A_13 = vector.broadcast %broadcast_in_dim3A_12 : f32 to vector<4x2048xf32>
    %concatenate3A = tpu.concatenate %broadcast_in_dim3A_7, %mul3A, %mul3A_9, %mul3A_11, %broadcast_in_dim3A_13 in 0 : vector<1x2048xf32>, vector<1x2048xf32>, vector<1x2048xf32>, vector<1x2048xf32>, vector<4x2048xf32> -> vector<8x2048xf32>
    %dot_general3A = arith.constant dense<0.000000e+00> : vector<8x1024xf32>
    %dot_general3A_14 = tpu.matmul %concatenate3A, %get3A_1, %dot_general3A {dimension_numbers = #tpu.dot_dimension_numbers<[1], [0], [0], [1], [0, 0, 1, 1], [], []>, transpose_lhs_hint = false} : vector<8x2048xf32>, vector<2048x1024xf32>, vector<8x1024xf32> -> vector<8x1024xf32>
    %slice3A_15 = vector.extract_strided_slice %dot_general3A_14 {offsets = [0, 0], sizes = [1, 1024], strides = [1, 1]} : vector<8x1024xf32> to vector<1x1024xf32>
    %div3A = arith.constant 2.048000e+03 : f32
    %div3A_16 = vector.broadcast %div3A : f32 to vector<1x1024xf32>
    %div3A_17 = arith.divf %slice3A_15, %div3A_16 : vector<1x1024xf32>
    %iota3A = tpu.iota {dimensions = array<i32: 1>} : vector<1x128xi32>
    %broadcast_in_dim3A_18 = arith.constant 0.000000e+00 : f32
    %broadcast_in_dim3A_19 = vector.broadcast %broadcast_in_dim3A_18 : f32 to vector<1x128xf32>
    %slice3A_20 = vector.extract_strided_slice %get3A_6 {offsets = [0, 0], sizes = [1, 2048], strides = [1, 1]} : vector<3x2048xf32> to vector<1x2048xf32>
    %reduce_sum3A = vector.shape_cast %slice3A_20 : vector<1x2048xf32> to vector<1x1x2048xf32>
    %reduce_sum3A_21 = arith.constant dense<0.000000e+00> : vector<1xf32>
    %reduce_sum3A_22 = vector.multi_reduction <add>, %reduce_sum3A, %reduce_sum3A_21 [1, 2] : vector<1x1x2048xf32> to vector<1xf32>
    %reduce_sum3A_23 = vector.shape_cast %reduce_sum3A_22 : vector<1xf32> to vector<1x1x1xf32>
    %reduce_sum3A_24 = vector.extract %reduce_sum3A_23[0, 0, 0] : f32 from vector<1x1x1xf32>
    %jit3A = arith.constant 9.99999997E-7 : f32
    %max3A = arith.maximumf %jit3A, %reduce_sum3A_24 : f32
    %slice3A_25 = vector.extract_strided_slice %dot_general3A_14 {offsets = [1, 0], sizes = [1, 1024], strides = [1, 1]} : vector<8x1024xf32> to vector<1x1024xf32>
    %div3A_26 = vector.broadcast %max3A : f32 to vector<1x1024xf32>
    %div3A_27 = arith.divf %slice3A_25, %div3A_26 : vector<1x1024xf32>
    %sub3A = arith.subf %div3A_27, %div3A_17 : vector<1x1024xf32>
    %mul3A_28 = arith.mulf %sub3A, %sub3A : vector<1x1024xf32>
    %reduce_sum3A_29 = vector.shape_cast %mul3A_28 : vector<1x1024xf32> to vector<1x1x1024xf32>
    %reduce_sum3A_30 = arith.constant dense<0.000000e+00> : vector<1xf32>
    %reduce_sum3A_31 = vector.multi_reduction <add>, %reduce_sum3A_29, %reduce_sum3A_30 [1, 2] : vector<1x1x1024xf32> to vector<1xf32>
    %reduce_sum3A_32 = vector.shape_cast %reduce_sum3A_31 : vector<1xf32> to vector<1x1x1xf32>
    %reduce_sum3A_33 = vector.extract %reduce_sum3A_32[0, 0, 0] : f32 from vector<1x1x1xf32>
    %eq3A = arith.constant 0 : i32
    %eq3A_34 = vector.broadcast %eq3A : i32 to vector<1x128xi32>
    %eq3A_35 = arith.cmpi eq, %iota3A, %eq3A_34 : vector<1x128xi32>
    %jit3A_36 = arith.constant 0.000000e+00 : f32
    %broadcast_in_dim3A_37 = vector.broadcast %reduce_sum3A_33 : f32 to vector<1x128xf32>
    %broadcast_in_dim3A_38 = vector.broadcast %jit3A_36 : f32 to vector<1x128xf32>
    %select_n3A = arith.select %eq3A_35, %broadcast_in_dim3A_37, %broadcast_in_dim3A_38 : vector<1x128xi1>, vector<1x128xf32>
    %add3A = arith.addf %broadcast_in_dim3A_19, %select_n3A : vector<1x128xf32>
    %add3A_39 = arith.constant 4 : i32
    %add3A_40 = arith.addi %add3A_39, %arg0 : i32
    %eq3A_41 = vector.broadcast %add3A_40 : i32 to vector<1x128xi32>
    %eq3A_42 = arith.cmpi eq, %iota3A, %eq3A_41 : vector<1x128xi32>
    %jit3A_43 = arith.constant 0.000000e+00 : f32
    %broadcast_in_dim3A_44 = vector.broadcast %reduce_sum3A_24 : f32 to vector<1x128xf32>
    %broadcast_in_dim3A_45 = vector.broadcast %jit3A_43 : f32 to vector<1x128xf32>
    %select_n3A_46 = arith.select %eq3A_42, %broadcast_in_dim3A_44, %broadcast_in_dim3A_45 : vector<1x128xi1>, vector<1x128xf32>
    %add3A_47 = arith.addf %add3A, %select_n3A_46 : vector<1x128xf32>
    %slice3A_48 = vector.extract_strided_slice %get3A_6 {offsets = [1, 0], sizes = [1, 2048], strides = [1, 1]} : vector<3x2048xf32> to vector<1x2048xf32>
    %reduce_sum3A_49 = vector.shape_cast %slice3A_48 : vector<1x2048xf32> to vector<1x1x2048xf32>
    %reduce_sum3A_50 = arith.constant dense<0.000000e+00> : vector<1xf32>
    %reduce_sum3A_51 = vector.multi_reduction <add>, %reduce_sum3A_49, %reduce_sum3A_50 [1, 2] : vector<1x1x2048xf32> to vector<1xf32>
    %reduce_sum3A_52 = vector.shape_cast %reduce_sum3A_51 : vector<1xf32> to vector<1x1x1xf32>
    %reduce_sum3A_53 = vector.extract %reduce_sum3A_52[0, 0, 0] : f32 from vector<1x1x1xf32>
    %jit3A_54 = arith.constant 9.99999997E-7 : f32
    %max3A_55 = arith.maximumf %jit3A_54, %reduce_sum3A_53 : f32
    %slice3A_56 = vector.extract_strided_slice %dot_general3A_14 {offsets = [2, 0], sizes = [1, 1024], strides = [1, 1]} : vector<8x1024xf32> to vector<1x1024xf32>
    %div3A_57 = vector.broadcast %max3A_55 : f32 to vector<1x1024xf32>
    %div3A_58 = arith.divf %slice3A_56, %div3A_57 : vector<1x1024xf32>
    %sub3A_59 = arith.subf %div3A_58, %div3A_17 : vector<1x1024xf32>
    %mul3A_60 = arith.mulf %sub3A_59, %sub3A_59 : vector<1x1024xf32>
    %reduce_sum3A_61 = vector.shape_cast %mul3A_60 : vector<1x1024xf32> to vector<1x1x1024xf32>
    %reduce_sum3A_62 = arith.constant dense<0.000000e+00> : vector<1xf32>
    %reduce_sum3A_63 = vector.multi_reduction <add>, %reduce_sum3A_61, %reduce_sum3A_62 [1, 2] : vector<1x1x1024xf32> to vector<1xf32>
    %reduce_sum3A_64 = vector.shape_cast %reduce_sum3A_63 : vector<1xf32> to vector<1x1x1xf32>
    %reduce_sum3A_65 = vector.extract %reduce_sum3A_64[0, 0, 0] : f32 from vector<1x1x1xf32>
    %eq3A_66 = arith.constant 1 : i32
    %eq3A_67 = vector.broadcast %eq3A_66 : i32 to vector<1x128xi32>
    %eq3A_68 = arith.cmpi eq, %iota3A, %eq3A_67 : vector<1x128xi32>
    %jit3A_69 = arith.constant 0.000000e+00 : f32
    %broadcast_in_dim3A_70 = vector.broadcast %reduce_sum3A_65 : f32 to vector<1x128xf32>
    %broadcast_in_dim3A_71 = vector.broadcast %jit3A_69 : f32 to vector<1x128xf32>
    %select_n3A_72 = arith.select %eq3A_68, %broadcast_in_dim3A_70, %broadcast_in_dim3A_71 : vector<1x128xi1>, vector<1x128xf32>
    %add3A_73 = arith.addf %add3A_47, %select_n3A_72 : vector<1x128xf32>
    %add3A_74 = arith.constant 8 : i32
    %add3A_75 = arith.addi %add3A_74, %arg0 : i32
    %eq3A_76 = vector.broadcast %add3A_75 : i32 to vector<1x128xi32>
    %eq3A_77 = arith.cmpi eq, %iota3A, %eq3A_76 : vector<1x128xi32>
    %jit3A_78 = arith.constant 0.000000e+00 : f32
    %broadcast_in_dim3A_79 = vector.broadcast %reduce_sum3A_53 : f32 to vector<1x128xf32>
    %broadcast_in_dim3A_80 = vector.broadcast %jit3A_78 : f32 to vector<1x128xf32>
    %select_n3A_81 = arith.select %eq3A_77, %broadcast_in_dim3A_79, %broadcast_in_dim3A_80 : vector<1x128xi1>, vector<1x128xf32>
    %add3A_82 = arith.addf %add3A_73, %select_n3A_81 : vector<1x128xf32>
    %slice3A_83 = vector.extract_strided_slice %get3A_6 {offsets = [2, 0], sizes = [1, 2048], strides = [1, 1]} : vector<3x2048xf32> to vector<1x2048xf32>
    %reduce_sum3A_84 = vector.shape_cast %slice3A_83 : vector<1x2048xf32> to vector<1x1x2048xf32>
    %reduce_sum3A_85 = arith.constant dense<0.000000e+00> : vector<1xf32>
    %reduce_sum3A_86 = vector.multi_reduction <add>, %reduce_sum3A_84, %reduce_sum3A_85 [1, 2] : vector<1x1x2048xf32> to vector<1xf32>
    %reduce_sum3A_87 = vector.shape_cast %reduce_sum3A_86 : vector<1xf32> to vector<1x1x1xf32>
    %reduce_sum3A_88 = vector.extract %reduce_sum3A_87[0, 0, 0] : f32 from vector<1x1x1xf32>
    %jit3A_89 = arith.constant 9.99999997E-7 : f32
    %max3A_90 = arith.maximumf %jit3A_89, %reduce_sum3A_88 : f32
    %slice3A_91 = vector.extract_strided_slice %dot_general3A_14 {offsets = [3, 0], sizes = [1, 1024], strides = [1, 1]} : vector<8x1024xf32> to vector<1x1024xf32>
    %div3A_92 = vector.broadcast %max3A_90 : f32 to vector<1x1024xf32>
    %div3A_93 = arith.divf %slice3A_91, %div3A_92 : vector<1x1024xf32>
    %sub3A_94 = arith.subf %div3A_93, %div3A_17 : vector<1x1024xf32>
    %mul3A_95 = arith.mulf %sub3A_94, %sub3A_94 : vector<1x1024xf32>
    %reduce_sum3A_96 = vector.shape_cast %mul3A_95 : vector<1x1024xf32> to vector<1x1x1024xf32>
    %reduce_sum3A_97 = arith.constant dense<0.000000e+00> : vector<1xf32>
    %reduce_sum3A_98 = vector.multi_reduction <add>, %reduce_sum3A_96, %reduce_sum3A_97 [1, 2] : vector<1x1x1024xf32> to vector<1xf32>
    %reduce_sum3A_99 = vector.shape_cast %reduce_sum3A_98 : vector<1xf32> to vector<1x1x1xf32>
    %reduce_sum3A_100 = vector.extract %reduce_sum3A_99[0, 0, 0] : f32 from vector<1x1x1xf32>
    %eq3A_101 = arith.constant 2 : i32
    %eq3A_102 = vector.broadcast %eq3A_101 : i32 to vector<1x128xi32>
    %eq3A_103 = arith.cmpi eq, %iota3A, %eq3A_102 : vector<1x128xi32>
    %jit3A_104 = arith.constant 0.000000e+00 : f32
    %broadcast_in_dim3A_105 = vector.broadcast %reduce_sum3A_100 : f32 to vector<1x128xf32>
    %broadcast_in_dim3A_106 = vector.broadcast %jit3A_104 : f32 to vector<1x128xf32>
    %select_n3A_107 = arith.select %eq3A_103, %broadcast_in_dim3A_105, %broadcast_in_dim3A_106 : vector<1x128xi1>, vector<1x128xf32>
    %add3A_108 = arith.addf %add3A_82, %select_n3A_107 : vector<1x128xf32>
    %add3A_109 = arith.constant 12 : i32
    %add3A_110 = arith.addi %add3A_109, %arg0 : i32
    %eq3A_111 = vector.broadcast %add3A_110 : i32 to vector<1x128xi32>
    %eq3A_112 = arith.cmpi eq, %iota3A, %eq3A_111 : vector<1x128xi32>
    %jit3A_113 = arith.constant 0.000000e+00 : f32
    %broadcast_in_dim3A_114 = vector.broadcast %reduce_sum3A_88 : f32 to vector<1x128xf32>
    %broadcast_in_dim3A_115 = vector.broadcast %jit3A_113 : f32 to vector<1x128xf32>
    %select_n3A_116 = arith.select %eq3A_112, %broadcast_in_dim3A_114, %broadcast_in_dim3A_115 : vector<1x128xi1>, vector<1x128xf32>
    %add3A_117 = arith.addf %add3A_108, %select_n3A_116 : vector<1x128xf32>
    %eq3A_118 = arith.constant 0 : i32
    %eq3A_119 = arith.cmpi eq, %arg0, %eq3A_118 : i32
    %convert_element_type3A = arith.extui %eq3A_119 : i1 to i32
    %cond3A = arith.constant 0 : i32
    %cond3A_120 = arith.cmpi ne, %convert_element_type3A, %cond3A : i32
    scf.if %cond3A_120 {
      %swap3A = arith.constant 0 : index
      %swap3A_130 = arith.constant 0 : index
      %swap3A_131 = vector.load %arg3[%swap3A, %swap3A_130] : memref<1x128xf32, #tpu.memory_space<vmem>>, vector<1x128xf32>
      tpu.vector_store %arg3[%swap3A, %swap3A_130], %add3A_117 {strides = array<i32>} : memref<1x128xf32, #tpu.memory_space<vmem>>, vector<1x128xf32>,
    } else {
    }
    %gt3A = arith.constant 0 : i32
    %gt3A_121 = arith.cmpi sgt, %arg0, %gt3A : i32
    %convert_element_type3A_122 = arith.extui %gt3A_121 : i1 to i32
    %cond3A_123 = arith.constant 0 : i32
    %cond3A_124 = arith.cmpi ne, %convert_element_type3A_122, %cond3A_123 : i32
    scf.if %cond3A_124 {
      %get3A_130 = arith.constant 0 : index
      %get3A_131 = arith.constant 0 : index
      %get3A_132 = vector.load %arg3[%get3A_130, %get3A_131] : memref<1x128xf32, #tpu.memory_space<vmem>>, vector<1x128xf32>
      %add3A_133 = arith.addf %get3A_132, %add3A_117 : vector<1x128xf32>
      %swap3A = arith.constant 0 : index
      %swap3A_134 = arith.constant 0 : index
      %swap3A_135 = vector.load %arg3[%swap3A, %swap3A_134] : memref<1x128xf32, #tpu.memory_space<vmem>>, vector<1x128xf32>
      tpu.vector_store %arg3[%swap3A, %swap3A_134], %add3A_133 {strides = array<i32>} : memref<1x128xf32, #tpu.memory_space<vmem>>, vector<1x128xf32>,
    } else {
    }
    %eq3A_125 = arith.constant 3 : i32
    %eq3A_126 = arith.cmpi eq, %arg0, %eq3A_125 : i32
    %convert_element_type3A_127 = arith.extui %eq3A_126 : i1 to i32
    %cond3A_128 = arith.constant 0 : i32
    %cond3A_129 = arith.cmpi ne, %convert_element_type3A_127, %cond3A_128 : i32
    scf.if %cond3A_129 {
      %get3A_130 = arith.constant 0 : index
      %get3A_131 = arith.constant 0 : index
      %get3A_132 = vector.load %arg3[%get3A_130, %get3A_131] : memref<1x128xf32, #tpu.memory_space<vmem>>, vector<1x128xf32>
      %mul3A_133 = arith.constant 2.44140625E-4 : f32
      %mul3A_134 = vector.broadcast %mul3A_133 : f32 to vector<1x128xf32>
      %mul3A_135 = arith.mulf %get3A_132, %mul3A_134 : vector<1x128xf32>
      %lt3A = arith.constant 3 : i32
      %lt3A_136 = vector.broadcast %lt3A : i32 to vector<1x128xi32>
      %lt3A_137 = arith.cmpi slt, %iota3A, %lt3A_136 : vector<1x128xi32>
      %jit3A_138 = arith.constant 0.000000e+00 : f32
      %broadcast_in_dim3A_139 = vector.broadcast %jit3A_138 : f32 to vector<1x128xf32>
      %select_n3A_140 = arith.select %lt3A_137, %mul3A_135, %broadcast_in_dim3A_139 : vector<1x128xi1>, vector<1x128xf32>
      %reduce_sum3A_141 = vector.shape_cast %select_n3A_140 : vector<1x128xf32> to vector<1x1x128xf32>
      %reduce_sum3A_142 = arith.constant dense<0.000000e+00> : vector<1xf32>
      %reduce_sum3A_143 = vector.multi_reduction <add>, %reduce_sum3A_141, %reduce_sum3A_142 [1, 2] : vector<1x1x128xf32> to vector<1xf32>
      %reduce_sum3A_144 = vector.shape_cast %reduce_sum3A_143 : vector<1xf32> to vector<1x1x1xf32>
      %reduce_sum3A_145 = vector.extract %reduce_sum3A_144[0, 0, 0] : f32 from vector<1x1x1xf32>
      %div3A_146 = arith.constant 3.000000e+00 : f32
      %div3A_147 = arith.divf %reduce_sum3A_145, %div3A_146 : f32
      %div3A_148 = arith.constant 2.048000e+03 : f32
      %div3A_149 = vector.broadcast %div3A_148 : f32 to vector<1x128xf32>
      %div3A_150 = arith.divf %get3A_132, %div3A_149 : vector<1x128xf32>
      %lt3A_151 = arith.constant 3 : i32
      %lt3A_152 = vector.broadcast %lt3A_151 : i32 to vector<1x128xi32>
      %lt3A_153 = arith.cmpi slt, %iota3A, %lt3A_152 : vector<1x128xi32>
      %eq3A_154 = arith.constant 3 : i32
      %eq3A_155 = vector.broadcast %eq3A_154 : i32 to vector<1x128xi32>
      %eq3A_156 = arith.cmpi eq, %iota3A, %eq3A_155 : vector<1x128xi32>
      %broadcast_in_dim3A_157 = vector.broadcast %div3A_147 : f32 to vector<1x128xf32>
      %select_n3A_158 = arith.select %eq3A_156, %broadcast_in_dim3A_157, %div3A_150 : vector<1x128xi1>, vector<1x128xf32>
      %select_n3A_159 = arith.select %lt3A_153, %mul3A_135, %select_n3A_158 : vector<1x128xi1>, vector<1x128xf32>
      %swap3A = arith.constant 0 : index
      %swap3A_160 = arith.constant 0 : index
      %swap3A_161 = vector.load %arg3[%swap3A, %swap3A_160] : memref<1x128xf32, #tpu.memory_space<vmem>>, vector<1x128xf32>
      tpu.vector_store %arg3[%swap3A, %swap3A_160], %select_n3A_159 {strides = array<i32>} : memref<1x128xf32, #tpu.memory_space<vmem>>, vector<1x128xf32>,
    } else {
    }
    return
  }
  func.func @transform_0(%arg0: i32) -> (i32, i32) {
    %c0_i32 = arith.constant 0 : i32
    %c0_i32_0 = arith.constant 0 : i32
    return %arg0, %c0_i32 : i32, i32
  }
  func.func @transform_1(%arg0: i32) -> (i32, i32, i32) {
    %c0_i32 = arith.constant 0 : i32
    %c0_i32_0 = arith.constant 0 : i32
    %c0_i32_1 = arith.constant 0 : i32
    return %arg0, %c0_i32, %c0_i32_0 : i32, i32, i32
  }
  func.func @transform_2(%arg0: i32) -> (i32, i32) {
    %c0_i32 = arith.constant 0 : i32
    %c0_i32_0 = arith.constant 0 : i32
    %c0_i32_1 = arith.constant 0 : i32
    return %c0_i32, %c0_i32_0 : i32, i32
  }
}

</mosaic_0001>

<sc_bundles>
// kernel: kernel.5.cloned.1.call-start
scs
__scs_entry_jumppad:
0x0: {  	(pc) =	sbr.rel $0x88, $3  }
0x1: {  	(tag) =	ssettag $0x0;
	lr =	simm.s32 $0x1  }
0x2: {  	[smem:$0x3F98] =	sst lr;
	_ =	strace $0xD0000000  }
0x3: {  	_ = 	snop  }
0x4: {  	_ = 	snop  }
0x5: {  	_ = 	snop  }
0x6: {  	_ = 	snop  }
0x7: {  	_ = 	snop  }
__scs_overlays_trampoline_lowered:
0x8: {  	[smem:$0x3FA7] =	sst s0  }
0x9: {  	[smem:$0x3FA8] =	sst s1  }
0xa: {  	[smem:$0x3FA9] =	sst s2  }
0xb: {  	[smem:$0x3FAA] =	sst s3  }
0xc: {  	[smem:$0x3FAB] =	sst s4  }
0xd: {  	[smem:$0x3FAC] =	sst s5  }
0xe: {  	[smem:$0x3FAD] =	sst s6  }
0xf: {  	[smem:$0x3FAE] =	sst s7  }
0x10: {  	[smem:$0x3FAF] =	sst s8  }
0x11: {  	[smem:$0x3FB0] =	sst s9;
	s0 =	simm.s32 @!p0 $0x0  }
0x12: {  	s1 =	sld [smem:$0x3F96];
	s0 =	simm.s32 @p0 $0x1  }
0x13: {  	[smem:$0x3FB1] =	sst s0;
	s0 =	simm.s32 @!p1 $0x0  }
0x14: {  	s2 =	sld [smem:$0x3F95];
	s0 =	simm.s32 @p1 $0x1  }
0x15: {  	[smem:$0x3FB2] =	sst s0;
	s0 =	simm.s32 @!p2 $0x0  }
0x16: {  	s3 =	sld [smem:$0x3FDB];
	s0 =	simm.s32 @p2 $0x1  }
0x17: {  	s4 =	simm.s32 $0x1BF5;
	[smem:$0x3FB4] =	sst s0  }
0x18: {  	s0 =	sld [smem:$0x3F97];
	_ =	swait.ge [sflag:s4], $0x0  }
0x19: {  	s7 =	sld [smem:$0x3F98]  }
0x1a: {  	s8 =	sadd.s32 $0xFFFFE003, lr  }
0x1b: {  	s9 =	sadd.s32 $0xFFFFFEF7, lr;
	s5 =	simm.s32 $0xFFFFFFFF;
	p2 =	slt.u32 s8, $0xFFFFF086  }
0x1c: {  	p1 =	slt.u32 s9, $0xF7A;
	s5 =	simm.s32 @!p2 $0x0  }
0x1d: {  	s5 =	simm.s32 @p1 $0x1;
	p0 =	seq.s32 s7, s2  }
0x1e: {  	s7 =	smul.u32 @!p0 $0xF7A, s2;
	p2 =	seq.s32 @!p0 s5, $0x0  }
0x1f: {  	s9 =	smul.u32 $0xF7A, s1;
	s8 =	simm.s32 @!p0 $0x1BF5;
	p2 =	por !p2, p0  }
0x20: {  	[sflag:s8] =	ssyncset.s32 @!p0 $0xFFFFF086;
	s6 =	sadd.s32 @!p0 s3, s7;
	s7 =	simm.s32 @!p0 $0x108  }
0x21: {  	s3 =	sadd.s32 s3, s9;
	s6 =	sadd.s32 @!p0 $0x88, s6;
	s7 =	simm.s32 @p2 $0x1082  }
0x22: {  	[simem:s7], [sflag:s8] =	dma.local @!p0 [hbm:s6], $0xF7A  }
0x23: {  	s9 =	sor.u32 $0xD0000000, s2;
	s6 =	simm.s32 $0x108;
	_ =	swait.ge @!p0 [sflag:s8], $0x0  }
0x24: {  	s3 =	sadd.s32 $0x88, s3;
	s6 =	simm.s32 @!p1 $0x1082;
	[sflag:s4] =	ssyncset.s32 $0xFFFFF086  }
0x25: {  	[simem:s6], [sflag:s4] =	dma.local [hbm:s3], $0xF7A  }
0x26: {  	[smem:$0x3F98] =	sst s1;
	(tag) =	ssettag s2;
	_ =	strace s9  }
0x27: {  	s1 =	sld [smem:$0x3FA8]  }
0x28: {  	s2 =	sld [smem:$0x3FA9]  }
0x29: {  	s4 =	sld [smem:$0x3FAB]  }
0x2a: {  	p0 =	seq.s32 s5, $0x0;
	s5 =	sld [smem:$0x3FAC]  }
0x2b: {  	s6 =	sld [smem:$0x3FAD]  }
0x2c: {  	s7 =	sld [smem:$0x3FAE]  }
0x2d: {  	s3 =	simm.s32 $0x108;
	s8 =	sld [smem:$0x3FAF]  }
0x2e: {  	s3 =	simm.s32 @!p0 $0x1082;
	s9 =	sld [smem:$0x3FB0]  }
0x2f: {  	lr =	sadd.s32 s0, s3;
	s0 =	sld [smem:$0x3FA7]  }
0x30: {  	s3 =	sld [smem:$0x3FAA]  }
0x31: {  	[smem:$0x3FB3] =	sst s10  }
0x32: {  	s10 =	sld [smem:$0x3FB1];
	_ =	sdelay $0x3  }
0x33: {  	p0 =	seq.s32 s10, $0x1;
	s10 =	sld [smem:$0x3FB3];
	_ =	sdelay $0x3  }
0x34: {  	[smem:$0x3FB3] =	sst s10  }
0x35: {  	s10 =	sld [smem:$0x3FB2];
	_ =	sdelay $0x3  }
0x36: {  	p1 =	seq.s32 s10, $0x1;
	s10 =	sld [smem:$0x3FB3];
	_ =	sdelay $0x3  }
0x37: {  	[smem:$0x3FB3] =	sst s10  }
0x38: {  	s10 =	sld [smem:$0x3FB4]  }
0x39: {  	_ = 	snop;
	(pc) =	sbr.ind lr, $3  }
0x3a: {  	_ = 	snop  }
0x3b: {  	_ = 	snop  }
0x3c: {  	p2 =	seq.s32 s10, $0x1;
	s10 =	sld [smem:$0x3FB3]  }
0x3d: {  	_ =	shalt  }
0x3e: {  	_ =	shalt  }
0x3f: {  	_ =	shalt  }
0x40: {  	_ =	shalt  }
0x41: {  	_ =	shalt  }
0x42: {  	_ =	shalt  }
0x43: {  	_ =	shalt  }
0x44: {  	_ =	shalt  }
0x45: {  	_ =	shalt  }
0x46: {  	_ =	shalt  }
0x47: {  	_ =	shalt  }
0x48: {  	_ =	shalt  }
0x49: {  	_ =	shalt  }
0x4a: {  	_ =	shalt  }
0x4b: {  	_ =	shalt  }
0x4c: {  	_ =	shalt  }
0x4d: {  	_ =	shalt  }
0x4e: {  	_ =	shalt  }
0x4f: {  	_ =	shalt  }
0x50: {  	_ =	shalt  }
0x51: {  	_ =	shalt  }
0x52: {  	_ =	shalt  }
0x53: {  	_ =	shalt  }
0x54: {  	_ =	shalt  }
0x55: {  	_ =	shalt  }
0x56: {  	_ =	shalt  }
0x57: {  	_ =	shalt  }
0x58: {  	_ =	shalt  }
0x59: {  	_ =	shalt  }
0x5a: {  	_ =	shalt  }
0x5b: {  	_ =	shalt  }
0x5c: {  	_ =	shalt  }
0x5d: {  	_ =	shalt  }
0x5e: {  	_ =	shalt  }
0x5f: {  	_ =	shalt  }
0x60: {  	_ =	shalt  }
0x61: {  	_ =	shalt  }
0x62: {  	_ =	shalt  }
0x63: {  	_ =	shalt  }
0x64: {  	_ =	shalt  }
0x65: {  	_ =	shalt  }
0x66: {  	_ =	shalt  }
0x67: {  	_ =	shalt  }
0x68: {  	_ =	shalt  }
0x69: {  	_ =	shalt  }
0x6a: {  	_ =	shalt  }
0x6b: {  	_ =	shalt  }
0x6c: {  	_ =	shalt  }
0x6d: {  	_ =	shalt  }
0x6e: {  	_ =	shalt  }
0x6f: {  	_ =	shalt  }
0x70: {  	_ =	shalt  }
0x71: {  	_ =	shalt  }
0x72: {  	_ =	shalt  }
0x73: {  	_ =	shalt  }
0x74: {  	_ =	shalt  }
0x75: {  	_ =	shalt  }
0x76: {  	_ =	shalt  }
0x77: {  	_ =	shalt  }
0x78: {  	_ =	shalt  }
0x79: {  	_ =	shalt  }
0x7a: {  	_ =	shalt  }
0x7b: {  	_ =	shalt  }
0x7c: {  	_ =	shalt  }
0x7d: {  	_ =	shalt  }
0x7e: {  	_ =	shalt  }
0x7f: {  	_ =	shalt  }
0x80: {  	_ =	shalt  }
0x81: {  	_ =	shalt  }
0x82: {  	_ =	shalt  }
0x83: {  	_ =	shalt  }
0x84: {  	_ =	shalt  }
0x85: {  	_ =	shalt  }
0x86: {  	_ =	shalt  }
0x87: {  	_ =	shalt  }
.Lfunc_end0:
.L_simem_size_0:
called_computation_lowered:
.L_overlay_start_0:
0x88: {  	s2 =	sld [smem:$0x3FD9]  }
0x89: {  	s3 =	sld [smem:$0x3FFE];
	_ =	sdelay $0x1  }
0x8a: {  	s1 =	srdreg.scid  }
0x8b: {  	s0 =	sand.u32 $0x1, s1  }
0x8c: {  	s17 =	sshll.u32 s0, $0xA;
	s2 =	sadd.s32 s3, s2  }
0x8d: {  	s2 =	sadd.s32 s2, s17  }
0x8e: {  	[smem:$0x3FBF] =	sst s2  }
0x8f: {  	_ = 	snop  }
0x90: {  	s2 =	sld [smem:$0x3FC1];
	(tm) =	ssettm $0x1  }
0x91: {  	s18 =	sld [smem:$0x3FFB];
	_ =	sdelay $0x3  }
0x92: {  	_ =	strace s18  }
0x93: {  	s3 =	sld [smem:$0x3FFC];
	_ =	sdelay $0x3  }
0x94: {  	_ =	strace s3  }
0x95: {  	s3 =	sld [smem:$0x3FFD];
	_ =	sdelay $0x3  }
0x96: {  	_ =	strace s3  }
0x97: {  	_ =	strace $0x8FFFFFFF  }
0x98: {  	s19 =	sld [smem:$0x3FDB];
	_ =	sdelay $0x1  }
0x99: {  	s4 =	simm.s32 $_scs_section_size  }
0x9a: {  	s5 =	simm.s32 $_size__tile_overlayer_lowered;
	s6 =	simm.s32 $_tile_overlayer_lowered  }
0x9b: {  	s22 =	simm.s32 $0x1BFF;
	s21 =	sshll.u32 s6, $0x1;
	s3 =	sadd.s32 s4, s19  }
0x9c: {  	s7 =	simm.s32 $0x0;
	s20 =	sshll.u32 s5, $0x1;
	s5 =	sadd.s32 s21, s3  }
0x9d: {  	[timem:s7], [sflag:s22] =	dma.local [hbm:s5], s20  }
0x9e: {  	_ =	swait.ge [sflag:s22], s20  }
0x9f: {  	s4 =	ssub.s32 $0x0, s20;
	[sflag:s22] =	ssyncset.done $0x0  }
0xa0: {  	[sflag:s22] =	ssyncadd.s32 s4;
	_ =	sdelay $0x1  }
0xa1: {  	s23 =	simm.s32 $0x1B8B  }
0xa2: {  	_ =	swait.ge [sflag:s23], $0x1  }
0xa3: {  	[sflag:s23] =	ssyncset.done $0x0  }
0xa4: {  	s25 =	simm.s32 $0x1B8E;
	s24 =	sld [smem:$0x3FFE];
	[sflag:s23] =	ssyncadd.s32 $0xFFFFFFFF  }
0xa5: {  	s26 =	simm.s32 $execute0_lowered;
	[smem:$0x3FD2] =	sst s25  }
0xa6: {  	s5 =	sshll.u32 s26, $0x1;
	_ =	strace $0x80000046;
	[dreg:$0x1] =	wrdreg $0xFFFFFFFF  }
0xa7: {  	s28 =	simm.s32 $_size_execute0_lowered;
	s3 =	sadd.s32 s3, s5;
	[dreg:$0x0] =	wrdreg $0x0  }
0xa8: {  	s5 =	sshll.u32 s28, $0x1;
	[dreg:$0x2] =	wrdreg s3  }
0xa9: {  	[dreg:$0x3] =	wrdreg s5  }
0xaa: {  	[dreg:$0x4] =	wrdreg $0xC0  }
0xab: {  	_ =	task [dreg:s7], $0x5FFFF  }
0xac: {  	[dreg:$0x1] =	wrdreg $0xFFFFFFFF  }
0xad: {  	[dreg:$0x0] =	wrdreg $0x60  }
0xae: {  	[dreg:$0x2] =	wrdreg s2  }
0xaf: {  	[dreg:$0x3] =	wrdreg s24  }
0xb0: {  	[dreg:$0x4] =	wrdreg $0x9  }
0xb1: {  	_ =	task.clear_ibuf [dreg:s7], $0x5FFFF;
	_ =	strace $0x90000046  }
0xb2: {  	s29 =	simm.s32 $0x9;
	_ =	strace $0x80000048  }
0xb3: {  	_ =	swait.ge [sflag:s29], $0x1  }
0xb4: {  	[sflag:s29] =	ssyncadd.s32 $0xFFFFFFFF  }
0xb5: {  	_ =	strace $0x90000048  }
0xb6: {  	_ =	sfence  }
0xb7: {  	s30 =	sld [smem:$0x0];
	_ =	sdelay $0x2  }
0xb8: {  	s31 =	sshll.u32 s1, $0xD;
	s1 =	sshrl.u32 s1, $0x2  }
0xb9: {  	s3 =	sand.u32 $0x4000, s31;
	s1 =	sadd.s32 s1, s30  }
0xba: {  	s0 =	sor.u32 s3, s0;
	s1 =	sshll.u32 s1, $0x11  }
0xbb: {  	s0 =	sor.u32 s1, s0  }
0xbc: {  	s0 =	sadd.s32 $0x8F2B, s0  }
0xbd: {  	[sflag:s0] =	ssyncadd.remote.s32 $0x1  }
0xbe: {  	_ =	sfence.sel $0xFFFF  }
0xbf: {  	[dreg:$0x0] =	wrdreg $0xFFFFFFFF;
	(pc) =	sbr.abs _section_cstart, $3  }
0xc0: {  	[dreg:$0x1] =	wrdreg $0xFFFFFFFF  }
0xc1: {  	_ =	task.clear_ibuf [dreg:s7], $0x2FFFF;
	_ =	strace $0x9FFFFFFF  }
0xc2: {  	(tm) =	ssettm $0x7FFFFFFF  }
0xc3: {  	_ =	shalt  }
tec
execute0_lowered:
.L_overlay_start_1:
0x0: {  	(tag) =	ssettag $0x1  }
0x1: {  	s0 =	srdreg.scid;
	s2 =	rddreg [dreg:$0x0]  }
0x2: {  	s1 =	stileid.u32;
	s4 =	rddreg [dreg:$0x1]  }
0x3: {  	s3 =	simm.s32 $0x0;
	s8 =	simm.s32 $0x3;
	s9 =	simm.s32 $0x400  }
0x4: {  	s28 =	simm.s32 $0x3400;
	s29 =	simm.s32 $0x3C00;
	s30 =	simm.s32 $0x4400  }
0x5: {  	s31 =	simm.s32 $0x4C00;
	s0 =	sand.u32 $0x1, s0;
	s1 =	sshll.u32 s1, $0x1  }
0x6: {  	s16 =	simm.s32 $0x5400;
	s15 =	simm.s32 $0x5C00;
	s1 =	sor.u32 s0, s1  }
0x7: {  	s11 =	simm.s32 $0x6C00;
	s12 =	simm.s32 $0x7400;
	s5 =	sshll.u32 s1, $0x7  }
0x8: {  	s13 =	simm.s32 $0x7C00;
	s1 =	sshll.u32 s1, $0xF;
	s5 =	sadd.s32 s5, s4  }
0x9: {  	[smem:$0x7FF] =	sst s3;
	s1 =	sadd.s32 s1, s4;
	s18 =	sadd.s32 $0x800, s5  }
0xa: {  	_ =	strace $0x80000047;
	s19 =	sadd.s32 $0x1800, s1;
	[dreg:$0x3] =	wrdreg s18  }
0xb: {  	s6 =	sadd.s32 $0x300, s2;
	s20 =	sadd.s32 $0x2800, s1;
	[dreg:$0x4] =	wrdreg s19  }
0xc: {  	s0 =	ssub.s32 $0x2, s0;
	s21 =	sadd.s32 $0x3800, s1;
	[dreg:$0x5] =	wrdreg s20  }
0xd: {  	s24 =	sshrl.u32 s0, $0x1;
	s22 =	sadd.s32 $0x4800, s1;
	[dreg:$0x6] =	wrdreg s21  }
0xe: {  	s0 =	ssub.s32 s0, s24;
	s23 =	sadd.s32 $0x5800, s1;
	[dreg:$0x7] =	wrdreg s22  }
0xf: {  	s4 =	sadd.s32 $0x100, s2;
	s25 =	sadd.s32 $0x6800, s1;
	[dreg:$0x8] =	wrdreg s23  }
0x10: {  	s24 =	simm.s32 $0x2400;
	s26 =	sadd.s32 $0x7800, s1;
	[dreg:$0x9] =	wrdreg s25  }
0x11: {  	s1 =	sadd.s32 $0x8800, s1;
	s5 =	sadd.s32 $0x200, s2;
	[dreg:$0xa] =	wrdreg s26  }
0x12: {  	v2 =	vlaneseq.u32;
	s7 =	smax.u32 s0, $0x1;
	[dreg:$0xb] =	wrdreg s1;
	s25 =	simm.s32 $0x8400  }
0x13: {  	vm0 =	vmmov $0xffff;
	v1 =	vshrl.u32 v2, $0x3;
	s18 =	simm.s32 $0x1;
	s19 =	simm.s32 $0x2;
	s21 =	simm.s32 $0xC00  }
0x14: {  	v0 =	vand.u32 $0x7, v2;
	v2 =	vor.u32 $0x8, v2;
	v1 =	vmul.u32 $0x8, v1;
	s22 =	simm.s32 $0x1400;
	s23 =	simm.s32 $0x1C00;
	s26 =	simm.s32 $0x2C00  }
.LBB2_1:
0x15: {  	s20 =	rddreg [dreg:$0x3]  }
0x16: {  	[tilespmem:s3], [sflag:$0x3] =	stream.linear.gather [hbm4b:s20+s3], $0x400, $0x38;
	[tilespmem:$0x10400] =	vst v63  }
0x17: {  	_ =	swait.ge [sflag:s8], $0x400  }
0x18: {  	[sflag:s8] =	ssyncset.done $0x0  }
0x19: {  	[sflag:s8] =	ssyncadd.s32 $0xFFFFFC00  }
0x1a: {  	v3 =	vld [tilespmem:$0x0];
	_ =	sdelay $0x4  }
0x1b: {  	v4 =	vshll.u32 v3, $0x3  }
0x1c: {  	v3 =	vand.u32 $0x7, v3;
	v4 =	vand.u32 $0xFFFFFFC0, v4  }
0x1d: {  	v3 =	vor.u32 v3, v4  }
0x1e: {  	v4 =	vperm.xlane v3, v0;
	_ =	sdelay $0x1  }
0x1f: {  	v4 =	vadd.s32 v1, v4;
	_ =	sdelay $0x4  }
0x20: {  	[tilespmem:s9], [sflag:$0x1] =	stream.indirect_vreg.gather [hbm4b:s2+s3], $0x80, v4, vm0, $0xb8;
	[tilespmem:$0x10400] =	vst v63  }
0x21: {  	v3 =	vperm.xlane v3, v2  }
0x22: {  	[tilespmem:s21], [sflag:$0x1] =	stream.indirect_vreg.gather [hbm4b:s4+s3], $0x80, v4, vm0, $0xb8;
	[tilespmem:$0x10400] =	vst v63  }
0x23: {  	v3 =	vadd.s32 v1, v3  }
0x24: {  	[tilespmem:s22], [sflag:$0x1] =	stream.indirect_vreg.gather [hbm4b:s5+s3], $0x80, v4, vm0, $0xb8;
	[tilespmem:$0x10400] =	vst v63  }
0x25: {  	_ = 	snop  }
0x26: {  	[tilespmem:s23], [sflag:$0x1] =	stream.indirect_vreg.gather [hbm4b:s6+s3], $0x80, v4, vm0, $0xb8;
	[tilespmem:$0x10400] =	vst v63  }
0x27: {  	_ = 	snop  }
0x28: {  	[tilespmem:s24], [sflag:$0x1] =	stream.indirect_vreg.gather [hbm4b:s2+s3], $0x80, v3, vm0, $0xb8;
	[tilespmem:$0x10400] =	vst v63  }
0x29: {  	_ = 	snop  }
0x2a: {  	[tilespmem:s26], [sflag:$0x1] =	stream.indirect_vreg.gather [hbm4b:s4+s3], $0x80, v3, vm0, $0xb8;
	[tilespmem:$0x10400] =	vst v63  }
0x2b: {  	_ = 	snop  }
0x2c: {  	[tilespmem:s28], [sflag:$0x1] =	stream.indirect_vreg.gather [hbm4b:s5+s3], $0x80, v3, vm0, $0xb8;
	[tilespmem:$0x10400] =	vst v63  }
0x2d: {  	_ = 	snop  }
0x2e: {  	[tilespmem:s29], [sflag:$0x1] =	stream.indirect_vreg.gather [hbm4b:s6+s3], $0x80, v3, vm0, $0xb8;
	[tilespmem:$0x10400] =	vst v63  }
0x2f: {  	v3 =	vld [tilespmem:$0x10];
	_ =	sdelay $0x4  }
0x30: {  	v49 =	vshll.u32 v3, $0x3  }
0x31: {  	v3 =	vand.u32 $0x7, v3;
	v4 =	vand.u32 $0xFFFFFFC0, v49  }
0x32: {  	v3 =	vor.u32 v3, v4  }
0x33: {  	v4 =	vperm.xlane v3, v0;
	_ =	sdelay $0x1  }
0x34: {  	v4 =	vadd.s32 v1, v4;
	_ =	sdelay $0x4  }
0x35: {  	[tilespmem:s30], [sflag:$0x1] =	stream.indirect_vreg.gather [hbm4b:s2+s3], $0x80, v4, vm0, $0xb8;
	[tilespmem:$0x10400] =	vst v63  }
0x36: {  	v3 =	vperm.xlane v3, v2  }
0x37: {  	[tilespmem:s31], [sflag:$0x1] =	stream.indirect_vreg.gather [hbm4b:s4+s3], $0x80, v4, vm0, $0xb8;
	[tilespmem:$0x10400] =	vst v63  }
0x38: {  	v3 =	vadd.s32 v1, v3  }
0x39: {  	[tilespmem:s16], [sflag:$0x1] =	stream.indirect_vreg.gather [hbm4b:s5+s3], $0x80, v4, vm0, $0xb8;
	[tilespmem:$0x10400] =	vst v63  }
0x3a: {  	_ = 	snop  }
0x3b: {  	[tilespmem:s15], [sflag:$0x1] =	stream.indirect_vreg.gather [hbm4b:s6+s3], $0x80, v4, vm0, $0xb8;
	[tilespmem:$0x10400] =	vst v63  }
0x3c: {  	s10 =	simm.s32 $0x6400  }
0x3d: {  	[tilespmem:s10], [sflag:$0x1] =	stream.indirect_vreg.gather [hbm4b:s2+s3], $0x80, v3, vm0, $0xb8;
	[tilespmem:$0x10400] =	vst v63  }
0x3e: {  	_ = 	snop  }
0x3f: {  	[tilespmem:s11], [sflag:$0x1] =	stream.indirect_vreg.gather [hbm4b:s4+s3], $0x80, v3, vm0, $0xb8;
	[tilespmem:$0x10400] =	vst v63  }
0x40: {  	_ = 	snop  }
0x41: {  	[tilespmem:s12], [sflag:$0x1] =	stream.indirect_vreg.gather [hbm4b:s5+s3], $0x80, v3, vm0, $0xb8;
	[tilespmem:$0x10400] =	vst v63  }
0x42: {  	_ = 	snop  }
0x43: {  	[tilespmem:s13], [sflag:$0x1] =	stream.indirect_vreg.gather [hbm4b:s6+s3], $0x80, v3, vm0, $0xb8;
	[tilespmem:$0x10400] =	vst v63  }
0x44: {  	v3 =	vld [tilespmem:$0x80];
	_ =	sdelay $0x4  }
0x45: {  	v50 =	vshll.u32 v3, $0x3  }
0x46: {  	v3 =	vand.u32 $0x7, v3;
	v4 =	vand.u32 $0xFFFFFFC0, v50  }
0x47: {  	v3 =	vor.u32 v3, v4  }
0x48: {  	v4 =	vperm.xlane v3, v0;
	_ =	sdelay $0x1  }
0x49: {  	v4 =	vadd.s32 v1, v4;
	_ =	sdelay $0x4  }
0x4a: {  	[tilespmem:s25], [sflag:$0x2] =	stream.indirect_vreg.gather [hbm4b:s2+s3], $0x80, v4, vm0, $0xb8;
	[tilespmem:$0x10400] =	vst v63  }
0x4b: {  	s14 =	simm.s32 $0x8C00;
	v3 =	vperm.xlane v3, v2  }
0x4c: {  	[tilespmem:s14], [sflag:$0x2] =	stream.indirect_vreg.gather [hbm4b:s4+s3], $0x80, v4, vm0, $0xb8;
	[tilespmem:$0x10400] =	vst v63  }
0x4d: {  	s17 =	simm.s32 $0x9400;
	v3 =	vadd.s32 v1, v3  }
0x4e: {  	[tilespmem:s17], [sflag:$0x2] =	stream.indirect_vreg.gather [hbm4b:s5+s3], $0x80, v4, vm0, $0xb8;
	[tilespmem:$0x10400] =	vst v63  }
0x4f: {  	s20 =	simm.s32 $0x9C00  }
0x50: {  	[tilespmem:s20], [sflag:$0x2] =	stream.indirect_vreg.gather [hbm4b:s6+s3], $0x80, v4, vm0, $0xb8;
	[tilespmem:$0x10400] =	vst v63  }
0x51: {  	s1 =	simm.s32 $0xA400  }
0x52: {  	[tilespmem:s1], [sflag:$0x2] =	stream.indirect_vreg.gather [hbm4b:s2+s3], $0x80, v3, vm0, $0xb8;
	[tilespmem:$0x10400] =	vst v63  }
0x53: {  	s17 =	simm.s32 $0xAC00  }
0x54: {  	[tilespmem:s17], [sflag:$0x2] =	stream.indirect_vreg.gather [hbm4b:s4+s3], $0x80, v3, vm0, $0xb8;
	[tilespmem:$0x10400] =	vst v63  }
0x55: {  	s1 =	simm.s32 $0xB400  }
0x56: {  	[tilespmem:s1], [sflag:$0x2] =	stream.indirect_vreg.gather [hbm4b:s5+s3], $0x80, v3, vm0, $0xb8;
	[tilespmem:$0x10400] =	vst v63  }
0x57: {  	s14 =	simm.s32 $0xBC00  }
0x58: {  	[tilespmem:s14], [sflag:$0x2] =	stream.indirect_vreg.gather [hbm4b:s6+s3], $0x80, v3, vm0, $0xb8;
	[tilespmem:$0x10400] =	vst v63  }
0x59: {  	v3 =	vld [tilespmem:$0x90];
	_ =	sdelay $0x4  }
0x5a: {  	v51 =	vshll.u32 v3, $0x3  }
0x5b: {  	v3 =	vand.u32 $0x7, v3;
	v4 =	vand.u32 $0xFFFFFFC0, v51  }
0x5c: {  	v3 =	vor.u32 v3, v4  }
0x5d: {  	v4 =	vperm.xlane v3, v0;
	_ =	sdelay $0x1  }
0x5e: {  	v4 =	vadd.s32 v1, v4;
	_ =	sdelay $0x3  }
0x5f: {  	s17 =	simm.s32 $0xC400  }
0x60: {  	[tilespmem:s17], [sflag:$0x2] =	stream.indirect_vreg.gather [hbm4b:s2+s3], $0x80, v4, vm0, $0xb8;
	[tilespmem:$0x10400] =	vst v63  }
0x61: {  	s1 =	simm.s32 $0xCC00;
	v3 =	vperm.xlane v3, v2  }
0x62: {  	[tilespmem:s1], [sflag:$0x2] =	stream.indirect_vreg.gather [hbm4b:s4+s3], $0x80, v4, vm0, $0xb8;
	[tilespmem:$0x10400] =	vst v63  }
0x63: {  	v3 =	vadd.s32 v1, v3;
	s1 =	simm.s32 $0xD400  }
0x64: {  	[tilespmem:s1], [sflag:$0x2] =	stream.indirect_vreg.gather [hbm4b:s5+s3], $0x80, v4, vm0, $0xb8;
	[tilespmem:$0x10400] =	vst v63  }
0x65: {  	s1 =	simm.s32 $0xDC00  }
0x66: {  	[tilespmem:s1], [sflag:$0x2] =	stream.indirect_vreg.gather [hbm4b:s6+s3], $0x80, v4, vm0, $0xb8;
	[tilespmem:$0x10400] =	vst v63  }
0x67: {  	s1 =	simm.s32 $0xE400  }
0x68: {  	[tilespmem:s1], [sflag:$0x2] =	stream.indirect_vreg.gather [hbm4b:s2+s3], $0x80, v3, vm0, $0xb8;
	[tilespmem:$0x10400] =	vst v63  }
0x69: {  	s1 =	simm.s32 $0xEC00  }
0x6a: {  	[tilespmem:s1], [sflag:$0x2] =	stream.indirect_vreg.gather [hbm4b:s4+s3], $0x80, v3, vm0, $0xb8;
	[tilespmem:$0x10400] =	vst v63  }
0x6b: {  	s1 =	simm.s32 $0xF400  }
0x6c: {  	[tilespmem:s1], [sflag:$0x2] =	stream.indirect_vreg.gather [hbm4b:s5+s3], $0x80, v3, vm0, $0xb8;
	[tilespmem:$0x10400] =	vst v63  }
0x6d: {  	s1 =	simm.s32 $0xFC00  }
0x6e: {  	[tilespmem:s1], [sflag:$0x2] =	stream.indirect_vreg.gather [hbm4b:s6+s3], $0x80, v3, vm0, $0xb8;
	[tilespmem:$0x10400] =	vst v63  }
0x6f: {  	_ =	swait.ge [sflag:s18], $0x8000  }
0x70: {  	[sflag:s18] =	ssyncset.done $0x0  }
0x71: {  	s1 =	rddreg [dreg:$0x4];
	[sflag:s18] =	ssyncadd.s32 $0xFFFF8000  }
0x72: {  	[hbm4b:s1+s3] =	stream.linear.scatter [tilespmem:s9], [sflag:$0x3], $0x8000, $0x38;
	[tilespmem:$0x10400] =	vst v63  }
0x73: {  	_ =	swait.ge [sflag:s8], $0x8000  }
0x74: {  	[sflag:s8] =	ssyncset.done $0x0  }
0x75: {  	[sflag:s8] =	ssyncadd.s32 $0xFFFF8000  }
0x76: {  	v3 =	vld [tilespmem:$0x100];
	_ =	sdelay $0x4  }
0x77: {  	v52 =	vshll.u32 v3, $0x3  }
0x78: {  	v3 =	vand.u32 $0x7, v3;
	v4 =	vand.u32 $0xFFFFFFC0, v52  }
0x79: {  	v3 =	vor.u32 v3, v4  }
0x7a: {  	v4 =	vperm.xlane v3, v0;
	_ =	sdelay $0x1  }
0x7b: {  	v4 =	vadd.s32 v1, v4;
	_ =	sdelay $0x4  }
0x7c: {  	[tilespmem:s9], [sflag:$0x1] =	stream.indirect_vreg.gather [hbm4b:s2+s3], $0x80, v4, vm0, $0xb8;
	[tilespmem:$0x10400] =	vst v63  }
0x7d: {  	v3 =	vperm.xlane v3, v2  }
0x7e: {  	[tilespmem:s21], [sflag:$0x1] =	stream.indirect_vreg.gather [hbm4b:s4+s3], $0x80, v4, vm0, $0xb8;
	[tilespmem:$0x10400] =	vst v63  }
0x7f: {  	v3 =	vadd.s32 v1, v3  }
0x80: {  	[tilespmem:s22], [sflag:$0x1] =	stream.indirect_vreg.gather [hbm4b:s5+s3], $0x80, v4, vm0, $0xb8;
	[tilespmem:$0x10400] =	vst v63  }
0x81: {  	_ = 	snop  }
0x82: {  	[tilespmem:s23], [sflag:$0x1] =	stream.indirect_vreg.gather [hbm4b:s6+s3], $0x80, v4, vm0, $0xb8;
	[tilespmem:$0x10400] =	vst v63  }
0x83: {  	_ = 	snop  }
0x84: {  	[tilespmem:s24], [sflag:$0x1] =	stream.indirect_vreg.gather [hbm4b:s2+s3], $0x80, v3, vm0, $0xb8;
	[tilespmem:$0x10400] =	vst v63  }
0x85: {  	_ = 	snop  }
0x86: {  	[tilespmem:s26], [sflag:$0x1] =	stream.indirect_vreg.gather [hbm4b:s4+s3], $0x80, v3, vm0, $0xb8;
	[tilespmem:$0x10400] =	vst v63  }
0x87: {  	_ = 	snop  }
0x88: {  	[tilespmem:s28], [sflag:$0x1] =	stream.indirect_vreg.gather [hbm4b:s5+s3], $0x80, v3, vm0, $0xb8;
	[tilespmem:$0x10400] =	vst v63  }
0x89: {  	_ = 	snop  }
0x8a: {  	[tilespmem:s29], [sflag:$0x1] =	stream.indirect_vreg.gather [hbm4b:s6+s3], $0x80, v3, vm0, $0xb8;
	[tilespmem:$0x10400] =	vst v63  }
0x8b: {  	v3 =	vld [tilespmem:$0x110];
	_ =	sdelay $0x4  }
0x8c: {  	v53 =	vshll.u32 v3, $0x3  }
0x8d: {  	v3 =	vand.u32 $0x7, v3;
	v4 =	vand.u32 $0xFFFFFFC0, v53  }
0x8e: {  	v3 =	vor.u32 v3, v4  }
0x8f: {  	v4 =	vperm.xlane v3, v0;
	_ =	sdelay $0x1  }
0x90: {  	v4 =	vadd.s32 v1, v4;
	_ =	sdelay $0x4  }
0x91: {  	[tilespmem:s30], [sflag:$0x1] =	stream.indirect_vreg.gather [hbm4b:s2+s3], $0x80, v4, vm0, $0xb8;
	[tilespmem:$0x10400] =	vst v63  }
0x92: {  	v3 =	vperm.xlane v3, v2  }
0x93: {  	[tilespmem:s31], [sflag:$0x1] =	stream.indirect_vreg.gather [hbm4b:s4+s3], $0x80, v4, vm0, $0xb8;
	[tilespmem:$0x10400] =	vst v63  }
0x94: {  	v3 =	vadd.s32 v1, v3  }
0x95: {  	[tilespmem:s16], [sflag:$0x1] =	stream.indirect_vreg.gather [hbm4b:s5+s3], $0x80, v4, vm0, $0xb8;
	[tilespmem:$0x10400] =	vst v63  }
0x96: {  	_ = 	snop  }
0x97: {  	[tilespmem:s15], [sflag:$0x1] =	stream.indirect_vreg.gather [hbm4b:s6+s3], $0x80, v4, vm0, $0xb8;
	[tilespmem:$0x10400] =	vst v63  }
0x98: {  	_ = 	snop  }
0x99: {  	[tilespmem:s10], [sflag:$0x1] =	stream.indirect_vreg.gather [hbm4b:s2+s3], $0x80, v3, vm0, $0xb8;
	[tilespmem:$0x10400] =	vst v63  }
0x9a: {  	_ = 	snop  }
0x9b: {  	[tilespmem:s11], [sflag:$0x1] =	stream.indirect_vreg.gather [hbm4b:s4+s3], $0x80, v3, vm0, $0xb8;
	[tilespmem:$0x10400] =	vst v63  }
0x9c: {  	_ = 	snop  }
0x9d: {  	[tilespmem:s12], [sflag:$0x1] =	stream.indirect_vreg.gather [hbm4b:s5+s3], $0x80, v3, vm0, $0xb8;
	[tilespmem:$0x10400] =	vst v63  }
0x9e: {  	_ = 	snop  }
0x9f: {  	[tilespmem:s13], [sflag:$0x1] =	stream.indirect_vreg.gather [hbm4b:s6+s3], $0x80, v3, vm0, $0xb8;
	[tilespmem:$0x10400] =	vst v63  }
0xa0: {  	_ =	swait.ge [sflag:s19], $0x8000  }
0xa1: {  	[sflag:s19] =	ssyncset.done $0x0  }
0xa2: {  	s1 =	rddreg [dreg:$0x5];
	[sflag:s19] =	ssyncadd.s32 $0xFFFF8000  }
0xa3: {  	[hbm4b:s1+s3] =	stream.linear.scatter [tilespmem:s25], [sflag:$0x3], $0x8000, $0x38;
	[tilespmem:$0x10400] =	vst v63  }
0xa4: {  	_ =	swait.ge [sflag:s8], $0x8000  }
0xa5: {  	[sflag:s8] =	ssyncset.done $0x0  }
0xa6: {  	[sflag:s8] =	ssyncadd.s32 $0xFFFF8000  }
0xa7: {  	v3 =	vld [tilespmem:$0x180];
	_ =	sdelay $0x4  }
0xa8: {  	v54 =	vshll.u32 v3, $0x3  }
0xa9: {  	v3 =	vand.u32 $0x7, v3;
	v4 =	vand.u32 $0xFFFFFFC0, v54  }
0xaa: {  	v3 =	vor.u32 v3, v4  }
0xab: {  	v4 =	vperm.xlane v3, v0;
	_ =	sdelay $0x1  }
0xac: {  	v4 =	vadd.s32 v1, v4;
	_ =	sdelay $0x4  }
0xad: {  	[tilespmem:s25], [sflag:$0x2] =	stream.indirect_vreg.gather [hbm4b:s2+s3], $0x80, v4, vm0, $0xb8;
	[tilespmem:$0x10400] =	vst v63  }
0xae: {  	s0 =	simm.s32 $0x8C00;
	v3 =	vperm.xlane v3, v2  }
0xaf: {  	[tilespmem:s0], [sflag:$0x2] =	stream.indirect_vreg.gather [hbm4b:s4+s3], $0x80, v4, vm0, $0xb8;
	[tilespmem:$0x10400] =	vst v63  }
0xb0: {  	v3 =	vadd.s32 v1, v3;
	s0 =	simm.s32 $0x9400  }
0xb1: {  	[tilespmem:s0], [sflag:$0x2] =	stream.indirect_vreg.gather [hbm4b:s5+s3], $0x80, v4, vm0, $0xb8;
	[tilespmem:$0x10400] =	vst v63  }
0xb2: {  	s1 =	simm.s32 $0x9C00  }
0xb3: {  	[tilespmem:s1], [sflag:$0x2] =	stream.indirect_vreg.gather [hbm4b:s6+s3], $0x80, v4, vm0, $0xb8;
	[tilespmem:$0x10400] =	vst v63  }
0xb4: {  	s20 =	simm.s32 $0xA400  }
0xb5: {  	[tilespmem:s20], [sflag:$0x2] =	stream.indirect_vreg.gather [hbm4b:s2+s3], $0x80, v3, vm0, $0xb8;
	[tilespmem:$0x10400] =	vst v63  }
0xb6: {  	s20 =	simm.s32 $0xAC00  }
0xb7: {  	[tilespmem:s20], [sflag:$0x2] =	stream.indirect_vreg.gather [hbm4b:s4+s3], $0x80, v3, vm0, $0xb8;
	[tilespmem:$0x10400] =	vst v63  }
0xb8: {  	s20 =	simm.s32 $0xB400  }
0xb9: {  	[tilespmem:s20], [sflag:$0x2] =	stream.indirect_vreg.gather [hbm4b:s5+s3], $0x80, v3, vm0, $0xb8;
	[tilespmem:$0x10400] =	vst v63  }
0xba: {  	s14 =	simm.s32 $0xBC00  }
0xbb: {  	[tilespmem:s14], [sflag:$0x2] =	stream.indirect_vreg.gather [hbm4b:s6+s3], $0x80, v3, vm0, $0xb8;
	[tilespmem:$0x10400] =	vst v63  }
0xbc: {  	v3 =	vld [tilespmem:$0x190];
	_ =	sdelay $0x4  }
0xbd: {  	v55 =	vshll.u32 v3, $0x3  }
0xbe: {  	v3 =	vand.u32 $0x7, v3;
	v4 =	vand.u32 $0xFFFFFFC0, v55  }
0xbf: {  	v3 =	vor.u32 v3, v4  }
0xc0: {  	v4 =	vperm.xlane v3, v0;
	_ =	sdelay $0x1  }
0xc1: {  	v4 =	vadd.s32 v1, v4;
	_ =	sdelay $0x3  }
0xc2: {  	s17 =	simm.s32 $0xC400  }
0xc3: {  	[tilespmem:s17], [sflag:$0x2] =	stream.indirect_vreg.gather [hbm4b:s2+s3], $0x80, v4, vm0, $0xb8;
	[tilespmem:$0x10400] =	vst v63  }
0xc4: {  	s20 =	simm.s32 $0xCC00;
	v3 =	vperm.xlane v3, v2  }
0xc5: {  	[tilespmem:s20], [sflag:$0x2] =	stream.indirect_vreg.gather [hbm4b:s4+s3], $0x80, v4, vm0, $0xb8;
	[tilespmem:$0x10400] =	vst v63  }
0xc6: {  	v3 =	vadd.s32 v1, v3;
	s17 =	simm.s32 $0xD400  }
0xc7: {  	[tilespmem:s17], [sflag:$0x2] =	stream.indirect_vreg.gather [hbm4b:s5+s3], $0x80, v4, vm0, $0xb8;
	[tilespmem:$0x10400] =	vst v63  }
0xc8: {  	s20 =	simm.s32 $0xDC00  }
0xc9: {  	[tilespmem:s20], [sflag:$0x2] =	stream.indirect_vreg.gather [hbm4b:s6+s3], $0x80, v4, vm0, $0xb8;
	[tilespmem:$0x10400] =	vst v63  }
0xca: {  	s17 =	simm.s32 $0xE400  }
0xcb: {  	[tilespmem:s17], [sflag:$0x2] =	stream.indirect_vreg.gather [hbm4b:s2+s3], $0x80, v3, vm0, $0xb8;
	[tilespmem:$0x10400] =	vst v63  }
0xcc: {  	s20 =	simm.s32 $0xEC00  }
0xcd: {  	[tilespmem:s20], [sflag:$0x2] =	stream.indirect_vreg.gather [hbm4b:s4+s3], $0x80, v3, vm0, $0xb8;
	[tilespmem:$0x10400] =	vst v63  }
0xce: {  	s17 =	simm.s32 $0xF400  }
0xcf: {  	[tilespmem:s17], [sflag:$0x2] =	stream.indirect_vreg.gather [hbm4b:s5+s3], $0x80, v3, vm0, $0xb8;
	[tilespmem:$0x10400] =	vst v63  }
0xd0: {  	s20 =	simm.s32 $0xFC00  }
0xd1: {  	[tilespmem:s20], [sflag:$0x2] =	stream.indirect_vreg.gather [hbm4b:s6+s3], $0x80, v3, vm0, $0xb8;
	[tilespmem:$0x10400] =	vst v63  }
0xd2: {  	_ =	swait.ge [sflag:s18], $0x8000  }
0xd3: {  	[sflag:s18] =	ssyncset.done $0x0  }
0xd4: {  	s17 =	rddreg [dreg:$0x6];
	[sflag:s18] =	ssyncadd.s32 $0xFFFF8000  }
0xd5: {  	[hbm4b:s17+s3] =	stream.linear.scatter [tilespmem:s9], [sflag:$0x3], $0x8000, $0x38;
	[tilespmem:$0x10400] =	vst v63  }
0xd6: {  	_ =	swait.ge [sflag:s8], $0x8000  }
0xd7: {  	[sflag:s8] =	ssyncset.done $0x0  }
0xd8: {  	[sflag:s8] =	ssyncadd.s32 $0xFFFF8000  }
0xd9: {  	v3 =	vld [tilespmem:$0x200];
	_ =	sdelay $0x4  }
0xda: {  	v56 =	vshll.u32 v3, $0x3  }
0xdb: {  	v3 =	vand.u32 $0x7, v3;
	v4 =	vand.u32 $0xFFFFFFC0, v56  }
0xdc: {  	v3 =	vor.u32 v3, v4  }
0xdd: {  	v4 =	vperm.xlane v3, v0;
	_ =	sdelay $0x1  }
0xde: {  	v4 =	vadd.s32 v1, v4;
	_ =	sdelay $0x4  }
0xdf: {  	[tilespmem:s9], [sflag:$0x1] =	stream.indirect_vreg.gather [hbm4b:s2+s3], $0x80, v4, vm0, $0xb8;
	[tilespmem:$0x10400] =	vst v63  }
0xe0: {  	v3 =	vperm.xlane v3, v2  }
0xe1: {  	[tilespmem:s21], [sflag:$0x1] =	stream.indirect_vreg.gather [hbm4b:s4+s3], $0x80, v4, vm0, $0xb8;
	[tilespmem:$0x10400] =	vst v63  }
0xe2: {  	v3 =	vadd.s32 v1, v3  }
0xe3: {  	[tilespmem:s22], [sflag:$0x1] =	stream.indirect_vreg.gather [hbm4b:s5+s3], $0x80, v4, vm0, $0xb8;
	[tilespmem:$0x10400] =	vst v63  }
0xe4: {  	_ = 	snop  }
0xe5: {  	[tilespmem:s23], [sflag:$0x1] =	stream.indirect_vreg.gather [hbm4b:s6+s3], $0x80, v4, vm0, $0xb8;
	[tilespmem:$0x10400] =	vst v63  }
0xe6: {  	_ = 	snop  }
0xe7: {  	[tilespmem:s24], [sflag:$0x1] =	stream.indirect_vreg.gather [hbm4b:s2+s3], $0x80, v3, vm0, $0xb8;
	[tilespmem:$0x10400] =	vst v63  }
0xe8: {  	_ = 	snop  }
0xe9: {  	[tilespmem:s26], [sflag:$0x1] =	stream.indirect_vreg.gather [hbm4b:s4+s3], $0x80, v3, vm0, $0xb8;
	[tilespmem:$0x10400] =	vst v63  }
0xea: {  	_ = 	snop  }
0xeb: {  	[tilespmem:s28], [sflag:$0x1] =	stream.indirect_vreg.gather [hbm4b:s5+s3], $0x80, v3, vm0, $0xb8;
	[tilespmem:$0x10400] =	vst v63  }
0xec: {  	_ = 	snop  }
0xed: {  	[tilespmem:s29], [sflag:$0x1] =	stream.indirect_vreg.gather [hbm4b:s6+s3], $0x80, v3, vm0, $0xb8;
	[tilespmem:$0x10400] =	vst v63  }
0xee: {  	v3 =	vld [tilespmem:$0x210];
	_ =	sdelay $0x4  }
0xef: {  	v57 =	vshll.u32 v3, $0x3  }
0xf0: {  	v3 =	vand.u32 $0x7, v3;
	v4 =	vand.u32 $0xFFFFFFC0, v57  }
0xf1: {  	v3 =	vor.u32 v3, v4  }
0xf2: {  	v4 =	vperm.xlane v3, v0;
	_ =	sdelay $0x1  }
0xf3: {  	v4 =	vadd.s32 v1, v4;
	_ =	sdelay $0x4  }
0xf4: {  	[tilespmem:s30], [sflag:$0x1] =	stream.indirect_vreg.gather [hbm4b:s2+s3], $0x80, v4, vm0, $0xb8;
	[tilespmem:$0x10400] =	vst v63  }
0xf5: {  	v3 =	vperm.xlane v3, v2  }
0xf6: {  	[tilespmem:s31], [sflag:$0x1] =	stream.indirect_vreg.gather [hbm4b:s4+s3], $0x80, v4, vm0, $0xb8;
	[tilespmem:$0x10400] =	vst v63  }
0xf7: {  	v3 =	vadd.s32 v1, v3  }
0xf8: {  	[tilespmem:s16], [sflag:$0x1] =	stream.indirect_vreg.gather [hbm4b:s5+s3], $0x80, v4, vm0, $0xb8;
	[tilespmem:$0x10400] =	vst v63  }
0xf9: {  	_ = 	snop  }
0xfa: {  	[tilespmem:s15], [sflag:$0x1] =	stream.indirect_vreg.gather [hbm4b:s6+s3], $0x80, v4, vm0, $0xb8;
	[tilespmem:$0x10400] =	vst v63  }
0xfb: {  	_ = 	snop  }
0xfc: {  	[tilespmem:s10], [sflag:$0x1] =	stream.indirect_vreg.gather [hbm4b:s2+s3], $0x80, v3, vm0, $0xb8;
	[tilespmem:$0x10400] =	vst v63  }
0xfd: {  	_ = 	snop  }
0xfe: {  	[tilespmem:s11], [sflag:$0x1] =	stream.indirect_vreg.gather [hbm4b:s4+s3], $0x80, v3, vm0, $0xb8;
	[tilespmem:$0x10400] =	vst v63  }
0xff: {  	_ = 	snop  }
0x100: {  	[tilespmem:s12], [sflag:$0x1] =	stream.indirect_vreg.gather [hbm4b:s5+s3], $0x80, v3, vm0, $0xb8;
	[tilespmem:$0x10400] =	vst v63  }
0x101: {  	_ = 	snop  }
0x102: {  	[tilespmem:s13], [sflag:$0x1] =	stream.indirect_vreg.gather [hbm4b:s6+s3], $0x80, v3, vm0, $0xb8;
	[tilespmem:$0x10400] =	vst v63  }
0x103: {  	_ =	swait.ge [sflag:s19], $0x8000  }
0x104: {  	[sflag:s19] =	ssyncset.done $0x0  }
0x105: {  	s14 =	rddreg [dreg:$0x7];
	[sflag:s19] =	ssyncadd.s32 $0xFFFF8000  }
0x106: {  	[hbm4b:s14+s3] =	stream.linear.scatter [tilespmem:s25], [sflag:$0x3], $0x8000, $0x38;
	[tilespmem:$0x10400] =	vst v63  }
0x107: {  	_ =	swait.ge [sflag:s8], $0x8000  }
0x108: {  	[sflag:s8] =	ssyncset.done $0x0  }
0x109: {  	[sflag:s8] =	ssyncadd.s32 $0xFFFF8000  }
0x10a: {  	v3 =	vld [tilespmem:$0x280];
	_ =	sdelay $0x4  }
0x10b: {  	v58 =	vshll.u32 v3, $0x3  }
0x10c: {  	v3 =	vand.u32 $0x7, v3;
	v4 =	vand.u32 $0xFFFFFFC0, v58  }
0x10d: {  	v3 =	vor.u32 v3, v4  }
0x10e: {  	v4 =	vperm.xlane v3, v0;
	_ =	sdelay $0x1  }
0x10f: {  	v4 =	vadd.s32 v1, v4;
	_ =	sdelay $0x4  }
0x110: {  	[tilespmem:s25], [sflag:$0x2] =	stream.indirect_vreg.gather [hbm4b:s2+s3], $0x80, v4, vm0, $0xb8;
	[tilespmem:$0x10400] =	vst v63  }
0x111: {  	s17 =	simm.s32 $0x8C00;
	v3 =	vperm.xlane v3, v2  }
0x112: {  	[tilespmem:s17], [sflag:$0x2] =	stream.indirect_vreg.gather [hbm4b:s4+s3], $0x80, v4, vm0, $0xb8;
	[tilespmem:$0x10400] =	vst v63  }
0x113: {  	v3 =	vadd.s32 v1, v3  }
0x114: {  	[tilespmem:s0], [sflag:$0x2] =	stream.indirect_vreg.gather [hbm4b:s5+s3], $0x80, v4, vm0, $0xb8;
	[tilespmem:$0x10400] =	vst v63  }
0x115: {  	_ = 	snop  }
0x116: {  	[tilespmem:s1], [sflag:$0x2] =	stream.indirect_vreg.gather [hbm4b:s6+s3], $0x80, v4, vm0, $0xb8;
	[tilespmem:$0x10400] =	vst v63  }
0x117: {  	s20 =	simm.s32 $0xA400  }
0x118: {  	[tilespmem:s20], [sflag:$0x2] =	stream.indirect_vreg.gather [hbm4b:s2+s3], $0x80, v3, vm0, $0xb8;
	[tilespmem:$0x10400] =	vst v63  }
0x119: {  	s17 =	simm.s32 $0xAC00  }
0x11a: {  	[tilespmem:s17], [sflag:$0x2] =	stream.indirect_vreg.gather [hbm4b:s4+s3], $0x80, v3, vm0, $0xb8;
	[tilespmem:$0x10400] =	vst v63  }
0x11b: {  	s20 =	simm.s32 $0xB400  }
0x11c: {  	[tilespmem:s20], [sflag:$0x2] =	stream.indirect_vreg.gather [hbm4b:s5+s3], $0x80, v3, vm0, $0xb8;
	[tilespmem:$0x10400] =	vst v63  }
0x11d: {  	s20 =	simm.s32 $0xBC00  }
0x11e: {  	[tilespmem:s20], [sflag:$0x2] =	stream.indirect_vreg.gather [hbm4b:s6+s3], $0x80, v3, vm0, $0xb8;
	[tilespmem:$0x10400] =	vst v63  }
0x11f: {  	v3 =	vld [tilespmem:$0x290];
	_ =	sdelay $0x4  }
0x120: {  	v59 =	vshll.u32 v3, $0x3  }
0x121: {  	v3 =	vand.u32 $0x7, v3;
	v4 =	vand.u32 $0xFFFFFFC0, v59  }
0x122: {  	v3 =	vor.u32 v3, v4  }
0x123: {  	v4 =	vperm.xlane v3, v0;
	_ =	sdelay $0x1  }
0x124: {  	v4 =	vadd.s32 v1, v4;
	_ =	sdelay $0x3  }
0x125: {  	s20 =	simm.s32 $0xC400  }
0x126: {  	[tilespmem:s20], [sflag:$0x2] =	stream.indirect_vreg.gather [hbm4b:s2+s3], $0x80, v4, vm0, $0xb8;
	[tilespmem:$0x10400] =	vst v63  }
0x127: {  	v3 =	vperm.xlane v3, v2;
	s20 =	simm.s32 $0xCC00  }
0x128: {  	[tilespmem:s20], [sflag:$0x2] =	stream.indirect_vreg.gather [hbm4b:s4+s3], $0x80, v4, vm0, $0xb8;
	[tilespmem:$0x10400] =	vst v63  }
0x129: {  	v3 =	vadd.s32 v1, v3;
	s20 =	simm.s32 $0xD400  }
0x12a: {  	[tilespmem:s20], [sflag:$0x2] =	stream.indirect_vreg.gather [hbm4b:s5+s3], $0x80, v4, vm0, $0xb8;
	[tilespmem:$0x10400] =	vst v63  }
0x12b: {  	s20 =	simm.s32 $0xDC00  }
0x12c: {  	[tilespmem:s20], [sflag:$0x2] =	stream.indirect_vreg.gather [hbm4b:s6+s3], $0x80, v4, vm0, $0xb8;
	[tilespmem:$0x10400] =	vst v63  }
0x12d: {  	s20 =	simm.s32 $0xE400  }
0x12e: {  	[tilespmem:s20], [sflag:$0x2] =	stream.indirect_vreg.gather [hbm4b:s2+s3], $0x80, v3, vm0, $0xb8;
	[tilespmem:$0x10400] =	vst v63  }
0x12f: {  	s20 =	simm.s32 $0xEC00  }
0x130: {  	[tilespmem:s20], [sflag:$0x2] =	stream.indirect_vreg.gather [hbm4b:s4+s3], $0x80, v3, vm0, $0xb8;
	[tilespmem:$0x10400] =	vst v63  }
0x131: {  	s20 =	simm.s32 $0xF400  }
0x132: {  	[tilespmem:s20], [sflag:$0x2] =	stream.indirect_vreg.gather [hbm4b:s5+s3], $0x80, v3, vm0, $0xb8;
	[tilespmem:$0x10400] =	vst v63  }
0x133: {  	s20 =	simm.s32 $0xFC00  }
0x134: {  	[tilespmem:s20], [sflag:$0x2] =	stream.indirect_vreg.gather [hbm4b:s6+s3], $0x80, v3, vm0, $0xb8;
	[tilespmem:$0x10400] =	vst v63  }
0x135: {  	_ =	swait.ge [sflag:s18], $0x8000  }
0x136: {  	[sflag:s18] =	ssyncset.done $0x0  }
0x137: {  	s20 =	rddreg [dreg:$0x8];
	[sflag:s18] =	ssyncadd.s32 $0xFFFF8000  }
0x138: {  	[hbm4b:s20+s3] =	stream.linear.scatter [tilespmem:s9], [sflag:$0x3], $0x8000, $0x38;
	[tilespmem:$0x10400] =	vst v63  }
0x139: {  	_ =	swait.ge [sflag:s8], $0x8000  }
0x13a: {  	[sflag:s8] =	ssyncset.done $0x0  }
0x13b: {  	[sflag:s8] =	ssyncadd.s32 $0xFFFF8000  }
0x13c: {  	v3 =	vld [tilespmem:$0x300];
	_ =	sdelay $0x4  }
0x13d: {  	v60 =	vshll.u32 v3, $0x3  }
0x13e: {  	v3 =	vand.u32 $0x7, v3;
	v4 =	vand.u32 $0xFFFFFFC0, v60  }
0x13f: {  	v3 =	vor.u32 v3, v4  }
0x140: {  	v4 =	vperm.xlane v3, v0;
	_ =	sdelay $0x1  }
0x141: {  	v4 =	vadd.s32 v1, v4;
	_ =	sdelay $0x4  }
0x142: {  	[tilespmem:s9], [sflag:$0x1] =	stream.indirect_vreg.gather [hbm4b:s2+s3], $0x80, v4, vm0, $0xb8;
	[tilespmem:$0x10400] =	vst v63  }
0x143: {  	v3 =	vperm.xlane v3, v2  }
0x144: {  	[tilespmem:s21], [sflag:$0x1] =	stream.indirect_vreg.gather [hbm4b:s4+s3], $0x80, v4, vm0, $0xb8;
	[tilespmem:$0x10400] =	vst v63  }
0x145: {  	v3 =	vadd.s32 v1, v3  }
0x146: {  	[tilespmem:s22], [sflag:$0x1] =	stream.indirect_vreg.gather [hbm4b:s5+s3], $0x80, v4, vm0, $0xb8;
	[tilespmem:$0x10400] =	vst v63  }
0x147: {  	_ = 	snop  }
0x148: {  	[tilespmem:s23], [sflag:$0x1] =	stream.indirect_vreg.gather [hbm4b:s6+s3], $0x80, v4, vm0, $0xb8;
	[tilespmem:$0x10400] =	vst v63  }
0x149: {  	_ = 	snop  }
0x14a: {  	[tilespmem:s24], [sflag:$0x1] =	stream.indirect_vreg.gather [hbm4b:s2+s3], $0x80, v3, vm0, $0xb8;
	[tilespmem:$0x10400] =	vst v63  }
0x14b: {  	_ = 	snop  }
0x14c: {  	[tilespmem:s26], [sflag:$0x1] =	stream.indirect_vreg.gather [hbm4b:s4+s3], $0x80, v3, vm0, $0xb8;
	[tilespmem:$0x10400] =	vst v63  }
0x14d: {  	_ = 	snop  }
0x14e: {  	[tilespmem:s28], [sflag:$0x1] =	stream.indirect_vreg.gather [hbm4b:s5+s3], $0x80, v3, vm0, $0xb8;
	[tilespmem:$0x10400] =	vst v63  }
0x14f: {  	_ = 	snop  }
0x150: {  	[tilespmem:s29], [sflag:$0x1] =	stream.indirect_vreg.gather [hbm4b:s6+s3], $0x80, v3, vm0, $0xb8;
	[tilespmem:$0x10400] =	vst v63  }
0x151: {  	v3 =	vld [tilespmem:$0x310];
	_ =	sdelay $0x4  }
0x152: {  	v61 =	vshll.u32 v3, $0x3  }
0x153: {  	v3 =	vand.u32 $0x7, v3;
	v4 =	vand.u32 $0xFFFFFFC0, v61  }
0x154: {  	v3 =	vor.u32 v3, v4  }
0x155: {  	v4 =	vperm.xlane v3, v0;
	_ =	sdelay $0x1  }
0x156: {  	v4 =	vadd.s32 v1, v4;
	_ =	sdelay $0x4  }
0x157: {  	[tilespmem:s30], [sflag:$0x1] =	stream.indirect_vreg.gather [hbm4b:s2+s3], $0x80, v4, vm0, $0xb8;
	[tilespmem:$0x10400] =	vst v63  }
0x158: {  	v3 =	vperm.xlane v3, v2  }
0x159: {  	[tilespmem:s31], [sflag:$0x1] =	stream.indirect_vreg.gather [hbm4b:s4+s3], $0x80, v4, vm0, $0xb8;
	[tilespmem:$0x10400] =	vst v63  }
0x15a: {  	v3 =	vadd.s32 v1, v3  }
0x15b: {  	[tilespmem:s16], [sflag:$0x1] =	stream.indirect_vreg.gather [hbm4b:s5+s3], $0x80, v4, vm0, $0xb8;
	[tilespmem:$0x10400] =	vst v63  }
0x15c: {  	_ = 	snop  }
0x15d: {  	[tilespmem:s15], [sflag:$0x1] =	stream.indirect_vreg.gather [hbm4b:s6+s3], $0x80, v4, vm0, $0xb8;
	[tilespmem:$0x10400] =	vst v63  }
0x15e: {  	_ = 	snop  }
0x15f: {  	[tilespmem:s10], [sflag:$0x1] =	stream.indirect_vreg.gather [hbm4b:s2+s3], $0x80, v3, vm0, $0xb8;
	[tilespmem:$0x10400] =	vst v63  }
0x160: {  	_ = 	snop  }
0x161: {  	[tilespmem:s11], [sflag:$0x1] =	stream.indirect_vreg.gather [hbm4b:s4+s3], $0x80, v3, vm0, $0xb8;
	[tilespmem:$0x10400] =	vst v63  }
0x162: {  	_ = 	snop  }
0x163: {  	[tilespmem:s12], [sflag:$0x1] =	stream.indirect_vreg.gather [hbm4b:s5+s3], $0x80, v3, vm0, $0xb8;
	[tilespmem:$0x10400] =	vst v63  }
0x164: {  	_ = 	snop  }
0x165: {  	[tilespmem:s13], [sflag:$0x1] =	stream.indirect_vreg.gather [hbm4b:s6+s3], $0x80, v3, vm0, $0xb8;
	[tilespmem:$0x10400] =	vst v63  }
0x166: {  	_ =	swait.ge [sflag:s19], $0x8000  }
0x167: {  	[sflag:s19] =	ssyncset.done $0x0  }
0x168: {  	s10 =	rddreg [dreg:$0x9];
	[sflag:s19] =	ssyncadd.s32 $0xFFFF8000  }
0x169: {  	[hbm4b:s10+s3] =	stream.linear.scatter [tilespmem:s25], [sflag:$0x3], $0x8000, $0x38;
	[tilespmem:$0x10400] =	vst v63  }
0x16a: {  	_ =	swait.ge [sflag:s8], $0x8000  }
0x16b: {  	[sflag:s8] =	ssyncset.done $0x0  }
0x16c: {  	[sflag:s8] =	ssyncadd.s32 $0xFFFF8000  }
0x16d: {  	v3 =	vld [tilespmem:$0x380];
	_ =	sdelay $0x4  }
0x16e: {  	v62 =	vshll.u32 v3, $0x3  }
0x16f: {  	v3 =	vand.u32 $0x7, v3;
	v4 =	vand.u32 $0xFFFFFFC0, v62  }
0x170: {  	v3 =	vor.u32 v3, v4  }
0x171: {  	v4 =	vperm.xlane v3, v0;
	_ =	sdelay $0x1  }
0x172: {  	v4 =	vadd.s32 v1, v4;
	_ =	sdelay $0x4  }
0x173: {  	[tilespmem:s25], [sflag:$0x2] =	stream.indirect_vreg.gather [hbm4b:s2+s3], $0x80, v4, vm0, $0xb8;
	[tilespmem:$0x10400] =	vst v63  }
0x174: {  	s20 =	simm.s32 $0x8C00;
	v3 =	vperm.xlane v3, v2  }
0x175: {  	[tilespmem:s20], [sflag:$0x2] =	stream.indirect_vreg.gather [hbm4b:s4+s3], $0x80, v4, vm0, $0xb8;
	[tilespmem:$0x10400] =	vst v63  }
0x176: {  	s0 =	simm.s32 $0x9400;
	v3 =	vadd.s32 v1, v3  }
0x177: {  	[tilespmem:s0], [sflag:$0x2] =	stream.indirect_vreg.gather [hbm4b:s5+s3], $0x80, v4, vm0, $0xb8;
	[tilespmem:$0x10400] =	vst v63  }
0x178: {  	s1 =	simm.s32 $0x9C00  }
0x179: {  	[tilespmem:s1], [sflag:$0x2] =	stream.indirect_vreg.gather [hbm4b:s6+s3], $0x80, v4, vm0, $0xb8;
	[tilespmem:$0x10400] =	vst v63  }
0x17a: {  	s10 =	simm.s32 $0xA400  }
0x17b: {  	[tilespmem:s10], [sflag:$0x2] =	stream.indirect_vreg.gather [hbm4b:s2+s3], $0x80, v3, vm0, $0xb8;
	[tilespmem:$0x10400] =	vst v63  }
0x17c: {  	s14 =	simm.s32 $0xAC00  }
0x17d: {  	[tilespmem:s14], [sflag:$0x2] =	stream.indirect_vreg.gather [hbm4b:s4+s3], $0x80, v3, vm0, $0xb8;
	[tilespmem:$0x10400] =	vst v63  }
0x17e: {  	s17 =	simm.s32 $0xB400  }
0x17f: {  	[tilespmem:s17], [sflag:$0x2] =	stream.indirect_vreg.gather [hbm4b:s5+s3], $0x80, v3, vm0, $0xb8;
	[tilespmem:$0x10400] =	vst v63  }
0x180: {  	s17 =	simm.s32 $0xBC00  }
0x181: {  	[tilespmem:s17], [sflag:$0x2] =	stream.indirect_vreg.gather [hbm4b:s6+s3], $0x80, v3, vm0, $0xb8;
	[tilespmem:$0x10400] =	vst v63  }
0x182: {  	v3 =	vld [tilespmem:$0x390];
	_ =	sdelay $0x4  }
0x183: {  	v63 =	vshll.u32 v3, $0x3  }
0x184: {  	v3 =	vand.u32 $0x7, v3;
	v4 =	vand.u32 $0xFFFFFFC0, v63  }
0x185: {  	v3 =	vor.u32 v3, v4  }
0x186: {  	v4 =	vperm.xlane v3, v0;
	_ =	sdelay $0x1  }
0x187: {  	v4 =	vadd.s32 v1, v4;
	_ =	sdelay $0x3  }
0x188: {  	s20 =	simm.s32 $0xC400  }
0x189: {  	[tilespmem:s20], [sflag:$0x2] =	stream.indirect_vreg.gather [hbm4b:s2+s3], $0x80, v4, vm0, $0xb8;
	[tilespmem:$0x10400] =	vst v63  }
0x18a: {  	s1 =	simm.s32 $0xCC00;
	v3 =	vperm.xlane v3, v2  }
0x18b: {  	[tilespmem:s1], [sflag:$0x2] =	stream.indirect_vreg.gather [hbm4b:s4+s3], $0x80, v4, vm0, $0xb8;
	[tilespmem:$0x10400] =	vst v63  }
0x18c: {  	s10 =	simm.s32 $0xD400;
	v3 =	vadd.s32 v1, v3  }
0x18d: {  	[tilespmem:s10], [sflag:$0x2] =	stream.indirect_vreg.gather [hbm4b:s5+s3], $0x80, v4, vm0, $0xb8;
	[tilespmem:$0x10400] =	vst v63  }
0x18e: {  	s14 =	simm.s32 $0xDC00  }
0x18f: {  	[tilespmem:s14], [sflag:$0x2] =	stream.indirect_vreg.gather [hbm4b:s6+s3], $0x80, v4, vm0, $0xb8;
	[tilespmem:$0x10400] =	vst v63  }
0x190: {  	s17 =	simm.s32 $0xE400  }
0x191: {  	[tilespmem:s17], [sflag:$0x2] =	stream.indirect_vreg.gather [hbm4b:s2+s3], $0x80, v3, vm0, $0xb8;
	[tilespmem:$0x10400] =	vst v63  }
0x192: {  	s20 =	simm.s32 $0xEC00  }
0x193: {  	[tilespmem:s20], [sflag:$0x2] =	stream.indirect_vreg.gather [hbm4b:s4+s3], $0x80, v3, vm0, $0xb8;
	[tilespmem:$0x10400] =	vst v63  }
0x194: {  	s1 =	simm.s32 $0xF400  }
0x195: {  	[tilespmem:s1], [sflag:$0x2] =	stream.indirect_vreg.gather [hbm4b:s5+s3], $0x80, v3, vm0, $0xb8;
	[tilespmem:$0x10400] =	vst v63  }
0x196: {  	s10 =	simm.s32 $0xFC00  }
0x197: {  	[tilespmem:s10], [sflag:$0x2] =	stream.indirect_vreg.gather [hbm4b:s6+s3], $0x80, v3, vm0, $0xb8;
	[tilespmem:$0x10400] =	vst v63  }
0x198: {  	_ =	swait.ge [sflag:s18], $0x8000  }
0x199: {  	[sflag:s18] =	ssyncset.done $0x0  }
0x19a: {  	s14 =	rddreg [dreg:$0xa];
	[sflag:s18] =	ssyncadd.s32 $0xFFFF8000  }
0x19b: {  	[hbm4b:s14+s3] =	stream.linear.scatter [tilespmem:s9], [sflag:$0x3], $0x8000, $0x38;
	[tilespmem:$0x10400] =	vst v63  }
0x19c: {  	_ =	swait.ge [sflag:s8], $0x8000  }
0x19d: {  	[sflag:s8] =	ssyncset.done $0x0  }
0x19e: {  	[sflag:s8] =	ssyncadd.s32 $0xFFFF8000  }
0x19f: {  	_ =	swait.ge [sflag:s19], $0x8000  }
0x1a0: {  	p0 =	sne.s32 s7, $0x1;
	[sflag:s19] =	ssyncset.done $0x0  }
.Ltmp0:
0x1a1: {  	s17 =	rddreg [dreg:$0xb];
	[sflag:s19] =	ssyncadd.s32 $0xFFFF8000;
	(pc) =	sbr.rel @p0 .LBB2_1-.Ltmp0, $4  }
0x1a2: {  	[hbm4b:s17+s3] =	stream.linear.scatter [tilespmem:s25], [sflag:$0x3], $0x8000, $0x38;
	[tilespmem:$0x10400] =	vst v63  }
0x1a3: {  	_ =	swait.ge [sflag:s8], $0x8000  }
0x1a4: {  	[sflag:s8] =	ssyncset.done $0x0  }
0x1a5: {  	s7 =	sadd.s32 $0xFFFFFFFF, s7;
	[sflag:s8] =	ssyncadd.s32 $0xFFFF8000  }
0x1a6: {  	_ =	sfence.sel $0x180000  }
0x1a7: {  	[bflag:$0x0] =	sbarrier.arrive $0xFFFF  }
0x1a8: {  	_ =	strace $0x90000047  }
0x1a9: {  	s0 =	stileid.u32;
	[bflag:$0x2] =	sbarrier.arrive $0xFFFF  }
0x1aa: {  	p0 =	sne.s32 s0, $0x0;
	s0 =	rddreg [dreg:$0x2]  }
0x1ab: {  	s0 =	sadd.s32 @!p0 $0x100000, s0  }
0x1ac: {  	[sflag:s0] =	ssyncadd.tile.s32 @!p0 $0x1;
	_ =	shalt  }
.Lfunc_end2:
_tile_overlayer_lowered:
.L_overlay_start_2:
0x1ad: {  	(tag) =	ssettag $0x2  }
0x1ae: {  	s0 =	rddreg [dreg:$0x0];
	s2 =	stileid.u32  }
0x1af: {  	s1 =	rddreg [dreg:$0x1];
	p0 =	sne.s32 s2, $0x0  }
0x1b0: {  	s3 =	rddreg [dreg:$0x2];
	[bflag:$0x3] =	sbarrier.arrive $0xFFFF;
	s2 =	simm.s32 @!p0 $0x1C03  }
0x1b1: {  	[timem:s3], [sflag:s2] =	dma.local @!p0 [hbm:s0], s1  }
0x1b2: {  	s0 =	simm.s32 @!p0 $0x3  }
0x1b3: {  	_ =	swait.ge @!p0 [sflag:s0], s1  }
0x1b4: {  	s1 =	ssub.s32 @!p0 $0x0, s1;
	[sflag:s0] =	ssyncset.done @!p0 $0x0  }
0x1b5: {  	[sflag:s0] =	ssyncadd.s32 @!p0 s1  }
0x1b6: {  	[bflag:$0x3] =	sbarrier.arrive $0xFFFF  }
0x1b7: {  	_ =	shalt  }

</sc_bundles>
